<compile_context>
chip_gen: v7x
topology: tpu7x:2x2x1
jax: 0.10.2.dev20260603
libtpu: 0.0.44.dev20260713+nightly
codegen_flags: <defaults>
</compile_context>

<pallas_src>
import jax
import jax.numpy as jnp
from jax import lax
from jax.experimental import pallas as pl
from jax.experimental.pallas import tpu as pltpu
from jax.experimental.pallas import tpu_sc as plsc

L = 16
ROWS = 128
D = 32768
CHUNKS = D // L
NC, NS = 2, 16
NW = NC * NS
RPW = ROWS // NW
N_BISECT = 18


def _take(v, idx):
    return v.at[idx].get(mode="promise_in_bounds")


def _all_max(v, iota):
    for s in (8, 4, 2, 1):
        v = jnp.maximum(v, _take(v, iota ^ s))
    return v


def _all_sum(v, iota):
    for s in (8, 4, 2, 1):
        v = v + _take(v, iota ^ s)
    return v


def _tsallis_body(x_hbm, y_hbm, row0_v, row1_v, surv_v, sin0, sin1, sout0,
                  sout1):
    cid = lax.axis_index("c")
    sid = lax.axis_index("s")
    wid = sid * NC + cid
    iota = lax.iota(jnp.int32, L)
    sin = (sin0, sin1)
    sout = (sout0, sout1)
    bufs = (row0_v, row1_v)

    def compute(row_v):
        @plsc.parallel_loop(0, CHUNKS, unroll=16,
                            carry=jnp.full((L,), -jnp.inf, jnp.float32))
        def macc(i, acc):
            return jnp.maximum(acc, row_v[pl.ds(i * L, L)])

        m = _all_max(macc, iota)
        thresh = m - 2.0

        @plsc.parallel_loop(0, CHUNKS, unroll=8,
                            carry=jnp.zeros((L,), jnp.int32))
        def off(i, off_c):
            x = row_v[pl.ds(i * L, L)]
            mask = x > thresh
            xs = (x - m) * 0.5
            sk, _sv, _om = plsc.sort_key_val(xs, xs, mask=mask,
                                             descending=True)
            cnt = plsc.all_reduce_population_count(mask)
            idx = jnp.where(iota < cnt, off_c + iota,
                            jnp.full((L,), D + L - 1, jnp.int32))
            plsc.store_scatter(surv_v, [idx], sk)
            return off_c + cnt

        nsurv = off[0]
        surv_v[pl.ds(nsurv, L)] = jnp.full((L,), -4.0, jnp.float32)
        nchunks = (nsurv + L - 1) // L

        third = jnp.float32(1.0 / 3.0)

        def bis_body(it, lohi):
            lo, hi = lohi
            dt = (hi - lo) * third
            m1 = lo + dt
            m2 = hi - dt

            @plsc.parallel_loop(0, nchunks, unroll=8,
                                carry=(jnp.zeros((L,), jnp.float32),
                                       jnp.zeros((L,), jnp.float32)))
            def fv(i, acc):
                a1, a2 = acc
                v = surv_v[pl.ds(i * L, L)]
                r1 = jnp.maximum(v - m1, 0.0)
                r2 = jnp.maximum(v - m2, 0.0)
                return (a1 + r1 * r1, a2 + r2 * r2)

            ge1 = _all_sum(fv[0], iota) >= 1.0
            ge2 = _all_sum(fv[1], iota) >= 1.0
            lo = jnp.where(ge2, m2, jnp.where(ge1, m1, lo))
            hi = jnp.where(ge1, jnp.where(ge2, hi, m2), m1)
            return (lo, hi)

        lo, hi = lax.fori_loop(
            0, N_BISECT, bis_body,
            (jnp.full((L,), -1.0, jnp.float32), jnp.zeros((L,), jnp.float32)))
        tau = 0.5 * (lo + hi)
        c = m + 2.0 * tau

        @plsc.parallel_loop(0, CHUNKS, unroll=16)
        def _(i):
            r = jnp.maximum((row_v[pl.ds(i * L, L)] - c) * 0.5, 0.0)
            row_v[pl.ds(i * L, L)] = r * r

    base = wid * RPW
    copies_out = [None] * RPW
    copy_in = [None] * RPW
    copy_in[0] = pltpu.async_copy(x_hbm.at[base], bufs[0], sin[0])
    for j in range(RPW):
        b = j % 2
        if j + 1 < RPW:
            if j - 1 >= 0:
                copies_out[j - 1].wait()
            copy_in[j + 1] = pltpu.async_copy(
                x_hbm.at[base + j + 1], bufs[(j + 1) % 2], sin[(j + 1) % 2])
        copy_in[j].wait()
        compute(bufs[b])
        copies_out[j] = pltpu.async_copy(bufs[b], y_hbm.at[base + j], sout[b])
    copies_out[RPW - 2].wait()
    copies_out[RPW - 1].wait()


@jax.jit
def kernel(X):
    k = pl.kernel(
        _tsallis_body,
        out_type=jax.ShapeDtypeStruct((ROWS, D), jnp.float32),
        mesh=plsc.VectorSubcoreMesh(core_axis_name="c", subcore_axis_name="s"),
        compiler_params=pltpu.CompilerParams(needs_layout_passes=False),
        scratch_types=[
            pltpu.VMEM((D,), jnp.float32),
            pltpu.VMEM((D,), jnp.float32),
            pltpu.VMEM((D + L,), jnp.float32),
            pltpu.SemaphoreType.DMA,
            pltpu.SemaphoreType.DMA,
            pltpu.SemaphoreType.DMA,
            pltpu.SemaphoreType.DMA,
        ],
    )
    return k(X)

# --- scband reference (transcript-rebuilt; emitter-appended) ---
"""Pipeline reference for scband-tsallis15-5514738008316 (READ-ONLY COPY).

The authoritative reference and input builder live on the scoring server;
editing this copy changes nothing except your own understanding.
"""

import jax, jax.numpy as jnp
import numpy as np


def setup_inputs(seed: int = 0) -> dict:
    key = jax.random.key(seed)
    X = jax.random.normal(key, (128, 32768), dtype=jnp.float32)
    return {"X": X}


def reference(X):
    dim = -1
    max_val = jnp.max(X, axis=dim, keepdims=True)
    Xs = (X - max_val) / 2.0
    # sort descending along dim
    Xsrt = -jnp.sort(-Xs, axis=dim)
    d = Xs.shape[dim]
    rho = jnp.arange(1, d + 1, dtype=Xs.dtype)  # broadcasts along last axis
    mean = jnp.cumsum(Xsrt, axis=dim) / rho
    mean_sq = jnp.cumsum(Xsrt ** 2, axis=dim) / rho
    ss = rho * (mean_sq - mean ** 2)
    delta = (1.0 - ss) / rho
    delta_nz = jnp.clip(delta, 0.0, None)
    tau = mean - jnp.sqrt(delta_nz)
    support_size = jnp.sum((tau <= Xsrt).astype(jnp.int32), axis=dim, keepdims=True)
    tau_star = jnp.take_along_axis(tau, support_size - 1, axis=dim)
    Y = jnp.clip(Xs - tau_star, 0.0, None) ** 2
    return Y

if __name__ == "__main__":
    import jax
    _d = setup_inputs()
    print(jax.jit(kernel)(*tuple(_d.values())))

</pallas_src>

<mosaic_0001>
#map = affine_map<(d0, d1) -> (0, 0)>
module attributes {stable_mosaic.version = 14 : i64} {
  func.func @_tsallis_body(%arg0: i32, %arg1: i32, %arg2: memref<128x32768xf32, #tpu.memory_space<hbm>>, %arg3: memref<128x32768xf32, #tpu.memory_space<hbm>>, %arg4: memref<32768xf32, #tpu.memory_space<vmem>>, %arg5: memref<32768xf32, #tpu.memory_space<vmem>>, %arg6: memref<32784xf32, #tpu.memory_space<vmem>>, %arg7: memref<!tpu.dma_semaphore, #tpu.memory_space<semaphore_mem>>, %arg8: memref<!tpu.dma_semaphore, #tpu.memory_space<semaphore_mem>>, %arg9: memref<!tpu.dma_semaphore, #tpu.memory_space<semaphore_mem>>, %arg10: memref<!tpu.dma_semaphore, #tpu.memory_space<semaphore_mem>>) attributes {dimension_semantics = [#tpu.dimension_semantics<core_parallel>, #tpu.dimension_semantics<subcore_parallel>], iteration_bounds = array<i64: 2, 16>, scalar_prefetch = 0 : i64, scratch_operands = 7 : i64, tpu.core_type = #tpu.core_type<sc_vector_subcore>, window_params = [{transform_indices = #map}, {transform_indices = #map}]} {
    %mul3A = arith.constant 2 : i32
    %mul3A_0 = arith.muli %arg1, %mul3A : i32
    %add3A = arith.addi %mul3A_0, %arg0 : i32
    %iota3A = tpu.iota {dimensions = array<i32: 0>} : vector<16xi32>
    %mul3A_1 = arith.constant 4 : i32
    %mul3A_2 = arith.muli %add3A, %mul3A_1 : i32
    %dma_start3A = arith.constant 0 : i32
    %dma_start3A_3 = tpu.memref_slice %arg2[%mul3A_2, %dma_start3A] : memref<128x32768xf32, #tpu.memory_space<hbm>> -> memref<1x32768xf32, #tpu.memory_space<hbm>>
    %dma_start3A_4 = tpu.memref_squeeze %dma_start3A_3 : memref<1x32768xf32, #tpu.memory_space<hbm>> -> memref<32768xf32, #tpu.memory_space<hbm>>
    %dma_start3A_5 = arith.constant 0 : i32
    %dma_start3A_6 = tpu.memref_slice %arg2[%mul3A_2, %dma_start3A_5] : memref<128x32768xf32, #tpu.memory_space<hbm>> -> memref<1x32768xf32, #tpu.memory_space<hbm>>
    %dma_start3A_7 = tpu.memref_squeeze %dma_start3A_6 : memref<1x32768xf32, #tpu.memory_space<hbm>> -> memref<32768xf32, #tpu.memory_space<hbm>>
    tpu.enqueue_dma source(%dma_start3A_7 : memref<32768xf32, #tpu.memory_space<hbm>>) target(%arg4 : memref<32768xf32, #tpu.memory_space<vmem>>) target_semaphore(%arg7 : memref<!tpu.dma_semaphore, #tpu.memory_space<semaphore_mem>>)
    %add3A_8 = arith.constant 0 : i32
    %add3A_9 = arith.addi %mul3A_2, %add3A_8 : i32
    %add3A_10 = arith.constant 1 : i32
    %add3A_11 = arith.addi %add3A_9, %add3A_10 : i32
    %dma_start3A_12 = arith.constant 0 : i32
    %dma_start3A_13 = tpu.memref_slice %arg2[%add3A_11, %dma_start3A_12] : memref<128x32768xf32, #tpu.memory_space<hbm>> -> memref<1x32768xf32, #tpu.memory_space<hbm>>
    %dma_start3A_14 = tpu.memref_squeeze %dma_start3A_13 : memref<1x32768xf32, #tpu.memory_space<hbm>> -> memref<32768xf32, #tpu.memory_space<hbm>>
    %dma_start3A_15 = arith.constant 0 : i32
    %dma_start3A_16 = tpu.memref_slice %arg2[%add3A_11, %dma_start3A_15] : memref<128x32768xf32, #tpu.memory_space<hbm>> -> memref<1x32768xf32, #tpu.memory_space<hbm>>
    %dma_start3A_17 = tpu.memref_squeeze %dma_start3A_16 : memref<1x32768xf32, #tpu.memory_space<hbm>> -> memref<32768xf32, #tpu.memory_space<hbm>>
    tpu.enqueue_dma source(%dma_start3A_17 : memref<32768xf32, #tpu.memory_space<hbm>>) target(%arg5 : memref<32768xf32, #tpu.memory_space<vmem>>) target_semaphore(%arg8 : memref<!tpu.dma_semaphore, #tpu.memory_space<semaphore_mem>>)
    %dma_wait3A = arith.constant 0 : i32
    %dma_wait3A_18 = tpu.memref_slice %arg2[%mul3A_2, %dma_wait3A] : memref<128x32768xf32, #tpu.memory_space<hbm>> -> memref<1x32768xf32, #tpu.memory_space<hbm>>
    %dma_wait3A_19 = tpu.memref_squeeze %dma_wait3A_18 : memref<1x32768xf32, #tpu.memory_space<hbm>> -> memref<32768xf32, #tpu.memory_space<hbm>>
    %dma_wait3A_20 = arith.constant 0 : i32
    %dma_wait3A_21 = tpu.memref_slice %arg2[%mul3A_2, %dma_wait3A_20] : memref<128x32768xf32, #tpu.memory_space<hbm>> -> memref<1x32768xf32, #tpu.memory_space<hbm>>
    %dma_wait3A_22 = tpu.memref_squeeze %dma_wait3A_21 : memref<1x32768xf32, #tpu.memory_space<hbm>> -> memref<32768xf32, #tpu.memory_space<hbm>>
    tpu.wait_dma2 semaphore(%arg7 : memref<!tpu.dma_semaphore, #tpu.memory_space<semaphore_mem>>) src(%dma_wait3A_22 : memref<32768xf32, #tpu.memory_space<hbm>>) dst(%arg4 : memref<32768xf32, #tpu.memory_space<vmem>>)
    %broadcast_in_dim3A = arith.constant 0xFF800000 : f32
    %broadcast_in_dim3A_23 = vector.broadcast %broadcast_in_dim3A : f32 to vector<16xf32>
    %parallel_loop3A = arith.constant 0 : i32
    %parallel_loop3A_24 = arith.constant 2048 : i32
    %parallel_loop3A_25 = arith.constant 1 : i32
    %parallel_loop3A_26 = scf.for %parallel_loop3A_607 = %parallel_loop3A to %parallel_loop3A_24 step %parallel_loop3A_25 iter_args(%parallel_loop3A_608 = %broadcast_in_dim3A_23) -> (vector<16xf32>)  : i32 {
      %parallel_loop3A_609 = arith.constant 16 : i32
      %parallel_loop3A_610 = arith.muli %parallel_loop3A_607, %parallel_loop3A_609 : i32
      %parallel_loop3A_611 = arith.index_cast %parallel_loop3A_610 : i32 to index
      %parallel_loop3A_612 = tpu.vector_load %arg4[%parallel_loop3A_611] {strides = array<i32>} : memref<32768xf32, #tpu.memory_space<vmem>>, vector<16xf32>,
      %parallel_loop3A_613 = arith.maximumf %parallel_loop3A_608, %parallel_loop3A_612 : vector<16xf32>
      scf.yield %parallel_loop3A_613 : vector<16xf32>
    } {sc.loop_unroll_factor = 16 : i64, sc.parallel_access}
    %xor3A = arith.constant 8 : i32
    %xor3A_27 = vector.broadcast %xor3A : i32 to vector<16xi32>
    %xor3A_28 = arith.xori %iota3A, %xor3A_27 : vector<16xi32>
    %lt3A = arith.constant 0 : i32
    %lt3A_29 = vector.broadcast %lt3A : i32 to vector<16xi32>
    %lt3A_30 = arith.cmpi slt, %xor3A_28, %lt3A_29 : vector<16xi32>
    %add3A_31 = arith.constant 16 : i32
    %add3A_32 = vector.broadcast %add3A_31 : i32 to vector<16xi32>
    %add3A_33 = arith.addi %xor3A_28, %add3A_32 : vector<16xi32>
    %select_n3A = arith.select %lt3A_30, %add3A_33, %xor3A_28 : vector<16xi1>, vector<16xi32>
    %broadcast_in_dim3A_34 = vector.shape_cast %select_n3A : vector<16xi32> to vector<16x1xi32>
    %gather3A = vector.shape_cast %broadcast_in_dim3A_34 : vector<16x1xi32> to vector<16xi32>
    %gather3A_35 = tpu.dynamic_gather %parallel_loop3A_26[%gather3A] in [0] : vector<16xf32>, vector<16xi32> -> vector<16xf32>
    %max3A = arith.maximumf %parallel_loop3A_26, %gather3A_35 : vector<16xf32>
    %xor3A_36 = arith.constant 4 : i32
    %xor3A_37 = vector.broadcast %xor3A_36 : i32 to vector<16xi32>
    %xor3A_38 = arith.xori %iota3A, %xor3A_37 : vector<16xi32>
    %lt3A_39 = arith.constant 0 : i32
    %lt3A_40 = vector.broadcast %lt3A_39 : i32 to vector<16xi32>
    %lt3A_41 = arith.cmpi slt, %xor3A_38, %lt3A_40 : vector<16xi32>
    %add3A_42 = arith.constant 16 : i32
    %add3A_43 = vector.broadcast %add3A_42 : i32 to vector<16xi32>
    %add3A_44 = arith.addi %xor3A_38, %add3A_43 : vector<16xi32>
    %select_n3A_45 = arith.select %lt3A_41, %add3A_44, %xor3A_38 : vector<16xi1>, vector<16xi32>
    %broadcast_in_dim3A_46 = vector.shape_cast %select_n3A_45 : vector<16xi32> to vector<16x1xi32>
    %gather3A_47 = vector.shape_cast %broadcast_in_dim3A_46 : vector<16x1xi32> to vector<16xi32>
    %gather3A_48 = tpu.dynamic_gather %max3A[%gather3A_47] in [0] : vector<16xf32>, vector<16xi32> -> vector<16xf32>
    %max3A_49 = arith.maximumf %max3A, %gather3A_48 : vector<16xf32>
    %xor3A_50 = arith.constant 2 : i32
    %xor3A_51 = vector.broadcast %xor3A_50 : i32 to vector<16xi32>
    %xor3A_52 = arith.xori %iota3A, %xor3A_51 : vector<16xi32>
    %lt3A_53 = arith.constant 0 : i32
    %lt3A_54 = vector.broadcast %lt3A_53 : i32 to vector<16xi32>
    %lt3A_55 = arith.cmpi slt, %xor3A_52, %lt3A_54 : vector<16xi32>
    %add3A_56 = arith.constant 16 : i32
    %add3A_57 = vector.broadcast %add3A_56 : i32 to vector<16xi32>
    %add3A_58 = arith.addi %xor3A_52, %add3A_57 : vector<16xi32>
    %select_n3A_59 = arith.select %lt3A_55, %add3A_58, %xor3A_52 : vector<16xi1>, vector<16xi32>
    %broadcast_in_dim3A_60 = vector.shape_cast %select_n3A_59 : vector<16xi32> to vector<16x1xi32>
    %gather3A_61 = vector.shape_cast %broadcast_in_dim3A_60 : vector<16x1xi32> to vector<16xi32>
    %gather3A_62 = tpu.dynamic_gather %max3A_49[%gather3A_61] in [0] : vector<16xf32>, vector<16xi32> -> vector<16xf32>
    %max3A_63 = arith.maximumf %max3A_49, %gather3A_62 : vector<16xf32>
    %xor3A_64 = arith.constant 1 : i32
    %xor3A_65 = vector.broadcast %xor3A_64 : i32 to vector<16xi32>
    %xor3A_66 = arith.xori %iota3A, %xor3A_65 : vector<16xi32>
    %lt3A_67 = arith.constant 0 : i32
    %lt3A_68 = vector.broadcast %lt3A_67 : i32 to vector<16xi32>
    %lt3A_69 = arith.cmpi slt, %xor3A_66, %lt3A_68 : vector<16xi32>
    %add3A_70 = arith.constant 16 : i32
    %add3A_71 = vector.broadcast %add3A_70 : i32 to vector<16xi32>
    %add3A_72 = arith.addi %xor3A_66, %add3A_71 : vector<16xi32>
    %select_n3A_73 = arith.select %lt3A_69, %add3A_72, %xor3A_66 : vector<16xi1>, vector<16xi32>
    %broadcast_in_dim3A_74 = vector.shape_cast %select_n3A_73 : vector<16xi32> to vector<16x1xi32>
    %gather3A_75 = vector.shape_cast %broadcast_in_dim3A_74 : vector<16x1xi32> to vector<16xi32>
    %gather3A_76 = tpu.dynamic_gather %max3A_63[%gather3A_75] in [0] : vector<16xf32>, vector<16xi32> -> vector<16xf32>
    %max3A_77 = arith.maximumf %max3A_63, %gather3A_76 : vector<16xf32>
    %sub3A = arith.constant 2.000000e+00 : f32
    %sub3A_78 = vector.broadcast %sub3A : f32 to vector<16xf32>
    %sub3A_79 = arith.subf %max3A_77, %sub3A_78 : vector<16xf32>
    %broadcast_in_dim3A_80 = arith.constant 0 : i32
    %broadcast_in_dim3A_81 = vector.broadcast %broadcast_in_dim3A_80 : i32 to vector<16xi32>
    %parallel_loop3A_82 = arith.constant 0 : i32
    %parallel_loop3A_83 = arith.constant 2048 : i32
    %parallel_loop3A_84 = arith.constant 1 : i32
    %parallel_loop3A_85 = scf.for %parallel_loop3A_607 = %parallel_loop3A_82 to %parallel_loop3A_83 step %parallel_loop3A_84 iter_args(%parallel_loop3A_608 = %broadcast_in_dim3A_81) -> (vector<16xi32>)  : i32 {
      %parallel_loop3A_609 = arith.constant 16 : i32
      %parallel_loop3A_610 = arith.muli %parallel_loop3A_607, %parallel_loop3A_609 : i32
      %parallel_loop3A_611 = arith.index_cast %parallel_loop3A_610 : i32 to index
      %parallel_loop3A_612 = tpu.vector_load %arg4[%parallel_loop3A_611] {strides = array<i32>} : memref<32768xf32, #tpu.memory_space<vmem>>, vector<16xf32>,
      %parallel_loop3A_613 = arith.cmpf ogt, %parallel_loop3A_612, %sub3A_79 : vector<16xf32>
      %parallel_loop3A_614 = arith.subf %parallel_loop3A_612, %max3A_77 : vector<16xf32>
      %parallel_loop3A_615 = arith.constant 5.000000e-01 : f32
      %parallel_loop3A_616 = vector.broadcast %parallel_loop3A_615 : f32 to vector<16xf32>
      %parallel_loop3A_617 = arith.mulf %parallel_loop3A_614, %parallel_loop3A_616 : vector<16xf32>
      %parallel_loop3A_618, %parallel_loop3A_619, %parallel_loop3A_620 = tpu.sort %parallel_loop3A_617, %parallel_loop3A_617 masked %parallel_loop3A_613 {descending = true} : (vector<16xf32>, vector<16xf32>, vector<16xi1>) -> (vector<16xi1>, vector<16xf32>, vector<16xf32>)
      %parallel_loop3A_621 = tpu.all_reduce %parallel_loop3A_613 {dim = 0 : i64, kind = #tpu.reduction_kind<sum>} : vector<16xi1> -> vector<16xi32>
      %parallel_loop3A_622 = arith.cmpi slt, %iota3A, %parallel_loop3A_621 : vector<16xi32>
      %parallel_loop3A_623 = arith.addi %parallel_loop3A_608, %iota3A : vector<16xi32>
      %parallel_loop3A_624 = arith.constant 32783 : i32
      %parallel_loop3A_625 = vector.broadcast %parallel_loop3A_624 : i32 to vector<16xi32>
      %parallel_loop3A_626 = arith.select %parallel_loop3A_622, %parallel_loop3A_623, %parallel_loop3A_625 : vector<16xi1>, vector<16xi32>
      tpu.vector_store_idx %arg6[%parallel_loop3A_626], %parallel_loop3A_619 : memref<32784xf32, #tpu.memory_space<vmem>>[vector<16xi32>], vector<16xf32>,
      %parallel_loop3A_627 = arith.addi %parallel_loop3A_608, %parallel_loop3A_621 : vector<16xi32>
      scf.yield %parallel_loop3A_627 : vector<16xi32>
    } {sc.loop_unroll_factor = 8 : i64, sc.parallel_access}
    %slice3A = vector.extract_strided_slice %parallel_loop3A_85 {offsets = [0], sizes = [1], strides = [1]} : vector<16xi32> to vector<1xi32>
    %squeeze3A = vector.extract %slice3A[0] : i32 from vector<1xi32>
    %broadcast_in_dim3A_86 = arith.constant -4.000000e+00 : f32
    %broadcast_in_dim3A_87 = vector.broadcast %broadcast_in_dim3A_86 : f32 to vector<16xf32>
    %swap3A = arith.index_cast %squeeze3A : i32 to index
    %swap3A_88 = tpu.vector_load %arg6[%swap3A] {strides = array<i32>} : memref<32784xf32, #tpu.memory_space<vmem>>, vector<16xf32>,
    tpu.vector_store %arg6[%swap3A], %broadcast_in_dim3A_87 {strides = array<i32>} : memref<32784xf32, #tpu.memory_space<vmem>>, vector<16xf32>,
    %add3A_89 = arith.constant 16 : i32
    %add3A_90 = arith.addi %squeeze3A, %add3A_89 : i32
    %sub3A_91 = arith.constant 1 : i32
    %sub3A_92 = arith.subi %add3A_90, %sub3A_91 : i32
    %jit3A = arith.constant 16 : i32
    %div3A = arith.divsi %sub3A_92, %jit3A : i32
    %sign3A = arith.constant 0 : i32
    %sign3A_93 = arith.cmpi sgt, %sub3A_92, %sign3A : i32
    %sign3A_94 = arith.extui %sign3A_93 : i1 to i32
    %sign3A_95 = arith.constant 0 : i32
    %sign3A_96 = arith.cmpi slt, %sub3A_92, %sign3A_95 : i32
    %sign3A_97 = arith.extui %sign3A_96 : i1 to i32
    %sign3A_98 = arith.subi %sign3A_94, %sign3A_97 : i32
    %sign3A_99 = arith.constant 0 : i32
    %sign3A_100 = arith.cmpi sgt, %jit3A, %sign3A_99 : i32
    %sign3A_101 = arith.extui %sign3A_100 : i1 to i32
    %sign3A_102 = arith.constant 0 : i32
    %sign3A_103 = arith.cmpi slt, %jit3A, %sign3A_102 : i32
    %sign3A_104 = arith.extui %sign3A_103 : i1 to i32
    %sign3A_105 = arith.subi %sign3A_101, %sign3A_104 : i32
    %ne3A = arith.cmpi ne, %sign3A_98, %sign3A_105 : i32
    %rem3A = arith.remsi %sub3A_92, %jit3A : i32
    %ne3A_106 = arith.constant 0 : i32
    %ne3A_107 = arith.cmpi ne, %rem3A, %ne3A_106 : i32
    %and3A = arith.andi %ne3A, %ne3A_107 : i1
    %sub3A_108 = arith.constant 1 : i32
    %sub3A_109 = arith.subi %div3A, %sub3A_108 : i32
    %select_n3A_110 = arith.select %and3A, %sub3A_109, %div3A : i32
    %broadcast_in_dim3A_111 = arith.constant -1.000000e+00 : f32
    %broadcast_in_dim3A_112 = vector.broadcast %broadcast_in_dim3A_111 : f32 to vector<16xf32>
    %broadcast_in_dim3A_113 = arith.constant 0.000000e+00 : f32
    %broadcast_in_dim3A_114 = vector.broadcast %broadcast_in_dim3A_113 : f32 to vector<16xf32>
    %scan3A = arith.constant 0.333333343 : f32
    %scan3A_115 = arith.constant 0 : i32
    %scan3A_116 = arith.constant 18 : i32
    %scan3A_117 = arith.addi %scan3A_115, %scan3A_116 : i32
    %scan3A_118 = arith.constant 1 : i32
    %scan3A_119:2 = scf.for %scan3A_607 = %scan3A_115 to %scan3A_117 step %scan3A_118 iter_args(%scan3A_608 = %broadcast_in_dim3A_112, %scan3A_609 = %broadcast_in_dim3A_114) -> (vector<16xf32>, vector<16xf32>)  : i32 {
      %sub3A_610 = arith.subf %scan3A_609, %scan3A_608 : vector<16xf32>
      %mul3A_611 = vector.broadcast %scan3A : f32 to vector<16xf32>
      %mul3A_612 = arith.mulf %sub3A_610, %mul3A_611 : vector<16xf32>
      %add3A_613 = arith.addf %scan3A_608, %mul3A_612 : vector<16xf32>
      %sub3A_614 = arith.subf %scan3A_609, %mul3A_612 : vector<16xf32>
      %broadcast_in_dim3A_615 = arith.constant 0.000000e+00 : f32
      %broadcast_in_dim3A_616 = vector.broadcast %broadcast_in_dim3A_615 : f32 to vector<16xf32>
      %broadcast_in_dim3A_617 = arith.constant 0.000000e+00 : f32
      %broadcast_in_dim3A_618 = vector.broadcast %broadcast_in_dim3A_617 : f32 to vector<16xf32>
      %parallel_loop3A_619 = arith.constant 0 : i32
      %parallel_loop3A_620 = arith.constant 1 : i32
      %parallel_loop3A_621:2 = scf.for %parallel_loop3A_743 = %parallel_loop3A_619 to %select_n3A_110 step %parallel_loop3A_620 iter_args(%parallel_loop3A_744 = %broadcast_in_dim3A_616, %parallel_loop3A_745 = %broadcast_in_dim3A_618) -> (vector<16xf32>, vector<16xf32>)  : i32 {
        %parallel_loop3A_746 = arith.constant 16 : i32
        %parallel_loop3A_747 = arith.muli %parallel_loop3A_743, %parallel_loop3A_746 : i32
        %parallel_loop3A_748 = arith.index_cast %parallel_loop3A_747 : i32 to index
        %parallel_loop3A_749 = tpu.vector_load %arg6[%parallel_loop3A_748] {strides = array<i32>} : memref<32784xf32, #tpu.memory_space<vmem>>, vector<16xf32>,
        %parallel_loop3A_750 = arith.subf %parallel_loop3A_749, %add3A_613 : vector<16xf32>
        %parallel_loop3A_751 = arith.constant 0.000000e+00 : f32
        %parallel_loop3A_752 = vector.broadcast %parallel_loop3A_751 : f32 to vector<16xf32>
        %parallel_loop3A_753 = arith.maximumf %parallel_loop3A_750, %parallel_loop3A_752 : vector<16xf32>
        %parallel_loop3A_754 = arith.subf %parallel_loop3A_749, %sub3A_614 : vector<16xf32>
        %parallel_loop3A_755 = arith.constant 0.000000e+00 : f32
        %parallel_loop3A_756 = vector.broadcast %parallel_loop3A_755 : f32 to vector<16xf32>
        %parallel_loop3A_757 = arith.maximumf %parallel_loop3A_754, %parallel_loop3A_756 : vector<16xf32>
        %parallel_loop3A_758 = arith.mulf %parallel_loop3A_753, %parallel_loop3A_753 : vector<16xf32>
        %parallel_loop3A_759 = arith.addf %parallel_loop3A_744, %parallel_loop3A_758 : vector<16xf32>
        %parallel_loop3A_760 = arith.mulf %parallel_loop3A_757, %parallel_loop3A_757 : vector<16xf32>
        %parallel_loop3A_761 = arith.addf %parallel_loop3A_745, %parallel_loop3A_760 : vector<16xf32>
        scf.yield %parallel_loop3A_759, %parallel_loop3A_761 : vector<16xf32>, vector<16xf32>
      } {sc.loop_unroll_factor = 8 : i64, sc.parallel_access}
      %xor3A_622 = arith.constant 8 : i32
      %xor3A_623 = vector.broadcast %xor3A_622 : i32 to vector<16xi32>
      %xor3A_624 = arith.xori %iota3A, %xor3A_623 : vector<16xi32>
      %lt3A_625 = arith.constant 0 : i32
      %lt3A_626 = vector.broadcast %lt3A_625 : i32 to vector<16xi32>
      %lt3A_627 = arith.cmpi slt, %xor3A_624, %lt3A_626 : vector<16xi32>
      %add3A_628 = arith.constant 16 : i32
      %add3A_629 = vector.broadcast %add3A_628 : i32 to vector<16xi32>
      %add3A_630 = arith.addi %xor3A_624, %add3A_629 : vector<16xi32>
      %select_n3A_631 = arith.select %lt3A_627, %add3A_630, %xor3A_624 : vector<16xi1>, vector<16xi32>
      %broadcast_in_dim3A_632 = vector.shape_cast %select_n3A_631 : vector<16xi32> to vector<16x1xi32>
      %gather3A_633 = vector.shape_cast %broadcast_in_dim3A_632 : vector<16x1xi32> to vector<16xi32>
      %gather3A_634 = tpu.dynamic_gather %parallel_loop3A_621#0[%gather3A_633] in [0] : vector<16xf32>, vector<16xi32> -> vector<16xf32>
      %add3A_635 = arith.addf %parallel_loop3A_621#0, %gather3A_634 : vector<16xf32>
      %xor3A_636 = arith.constant 4 : i32
      %xor3A_637 = vector.broadcast %xor3A_636 : i32 to vector<16xi32>
      %xor3A_638 = arith.xori %iota3A, %xor3A_637 : vector<16xi32>
      %lt3A_639 = arith.constant 0 : i32
      %lt3A_640 = vector.broadcast %lt3A_639 : i32 to vector<16xi32>
      %lt3A_641 = arith.cmpi slt, %xor3A_638, %lt3A_640 : vector<16xi32>
      %add3A_642 = arith.constant 16 : i32
      %add3A_643 = vector.broadcast %add3A_642 : i32 to vector<16xi32>
      %add3A_644 = arith.addi %xor3A_638, %add3A_643 : vector<16xi32>
      %select_n3A_645 = arith.select %lt3A_641, %add3A_644, %xor3A_638 : vector<16xi1>, vector<16xi32>
      %broadcast_in_dim3A_646 = vector.shape_cast %select_n3A_645 : vector<16xi32> to vector<16x1xi32>
      %gather3A_647 = vector.shape_cast %broadcast_in_dim3A_646 : vector<16x1xi32> to vector<16xi32>
      %gather3A_648 = tpu.dynamic_gather %add3A_635[%gather3A_647] in [0] : vector<16xf32>, vector<16xi32> -> vector<16xf32>
      %add3A_649 = arith.addf %add3A_635, %gather3A_648 : vector<16xf32>
      %xor3A_650 = arith.constant 2 : i32
      %xor3A_651 = vector.broadcast %xor3A_650 : i32 to vector<16xi32>
      %xor3A_652 = arith.xori %iota3A, %xor3A_651 : vector<16xi32>
      %lt3A_653 = arith.constant 0 : i32
      %lt3A_654 = vector.broadcast %lt3A_653 : i32 to vector<16xi32>
      %lt3A_655 = arith.cmpi slt, %xor3A_652, %lt3A_654 : vector<16xi32>
      %add3A_656 = arith.constant 16 : i32
      %add3A_657 = vector.broadcast %add3A_656 : i32 to vector<16xi32>
      %add3A_658 = arith.addi %xor3A_652, %add3A_657 : vector<16xi32>
      %select_n3A_659 = arith.select %lt3A_655, %add3A_658, %xor3A_652 : vector<16xi1>, vector<16xi32>
      %broadcast_in_dim3A_660 = vector.shape_cast %select_n3A_659 : vector<16xi32> to vector<16x1xi32>
      %gather3A_661 = vector.shape_cast %broadcast_in_dim3A_660 : vector<16x1xi32> to vector<16xi32>
      %gather3A_662 = tpu.dynamic_gather %add3A_649[%gather3A_661] in [0] : vector<16xf32>, vector<16xi32> -> vector<16xf32>
      %add3A_663 = arith.addf %add3A_649, %gather3A_662 : vector<16xf32>
      %xor3A_664 = arith.constant 1 : i32
      %xor3A_665 = vector.broadcast %xor3A_664 : i32 to vector<16xi32>
      %xor3A_666 = arith.xori %iota3A, %xor3A_665 : vector<16xi32>
      %lt3A_667 = arith.constant 0 : i32
      %lt3A_668 = vector.broadcast %lt3A_667 : i32 to vector<16xi32>
      %lt3A_669 = arith.cmpi slt, %xor3A_666, %lt3A_668 : vector<16xi32>
      %add3A_670 = arith.constant 16 : i32
      %add3A_671 = vector.broadcast %add3A_670 : i32 to vector<16xi32>
      %add3A_672 = arith.addi %xor3A_666, %add3A_671 : vector<16xi32>
      %select_n3A_673 = arith.select %lt3A_669, %add3A_672, %xor3A_666 : vector<16xi1>, vector<16xi32>
      %broadcast_in_dim3A_674 = vector.shape_cast %select_n3A_673 : vector<16xi32> to vector<16x1xi32>
      %gather3A_675 = vector.shape_cast %broadcast_in_dim3A_674 : vector<16x1xi32> to vector<16xi32>
      %gather3A_676 = tpu.dynamic_gather %add3A_663[%gather3A_675] in [0] : vector<16xf32>, vector<16xi32> -> vector<16xf32>
      %add3A_677 = arith.addf %add3A_663, %gather3A_676 : vector<16xf32>
      %ge3A = arith.constant 1.000000e+00 : f32
      %ge3A_678 = vector.broadcast %ge3A : f32 to vector<16xf32>
      %ge3A_679 = arith.cmpf oge, %add3A_677, %ge3A_678 : vector<16xf32>
      %xor3A_680 = arith.constant 8 : i32
      %xor3A_681 = vector.broadcast %xor3A_680 : i32 to vector<16xi32>
      %xor3A_682 = arith.xori %iota3A, %xor3A_681 : vector<16xi32>
      %lt3A_683 = arith.constant 0 : i32
      %lt3A_684 = vector.broadcast %lt3A_683 : i32 to vector<16xi32>
      %lt3A_685 = arith.cmpi slt, %xor3A_682, %lt3A_684 : vector<16xi32>
      %add3A_686 = arith.constant 16 : i32
      %add3A_687 = vector.broadcast %add3A_686 : i32 to vector<16xi32>
      %add3A_688 = arith.addi %xor3A_682, %add3A_687 : vector<16xi32>
      %select_n3A_689 = arith.select %lt3A_685, %add3A_688, %xor3A_682 : vector<16xi1>, vector<16xi32>
      %broadcast_in_dim3A_690 = vector.shape_cast %select_n3A_689 : vector<16xi32> to vector<16x1xi32>
      %gather3A_691 = vector.shape_cast %broadcast_in_dim3A_690 : vector<16x1xi32> to vector<16xi32>
      %gather3A_692 = tpu.dynamic_gather %parallel_loop3A_621#1[%gather3A_691] in [0] : vector<16xf32>, vector<16xi32> -> vector<16xf32>
      %add3A_693 = arith.addf %parallel_loop3A_621#1, %gather3A_692 : vector<16xf32>
      %xor3A_694 = arith.constant 4 : i32
      %xor3A_695 = vector.broadcast %xor3A_694 : i32 to vector<16xi32>
      %xor3A_696 = arith.xori %iota3A, %xor3A_695 : vector<16xi32>
      %lt3A_697 = arith.constant 0 : i32
      %lt3A_698 = vector.broadcast %lt3A_697 : i32 to vector<16xi32>
      %lt3A_699 = arith.cmpi slt, %xor3A_696, %lt3A_698 : vector<16xi32>
      %add3A_700 = arith.constant 16 : i32
      %add3A_701 = vector.broadcast %add3A_700 : i32 to vector<16xi32>
      %add3A_702 = arith.addi %xor3A_696, %add3A_701 : vector<16xi32>
      %select_n3A_703 = arith.select %lt3A_699, %add3A_702, %xor3A_696 : vector<16xi1>, vector<16xi32>
      %broadcast_in_dim3A_704 = vector.shape_cast %select_n3A_703 : vector<16xi32> to vector<16x1xi32>
      %gather3A_705 = vector.shape_cast %broadcast_in_dim3A_704 : vector<16x1xi32> to vector<16xi32>
      %gather3A_706 = tpu.dynamic_gather %add3A_693[%gather3A_705] in [0] : vector<16xf32>, vector<16xi32> -> vector<16xf32>
      %add3A_707 = arith.addf %add3A_693, %gather3A_706 : vector<16xf32>
      %xor3A_708 = arith.constant 2 : i32
      %xor3A_709 = vector.broadcast %xor3A_708 : i32 to vector<16xi32>
      %xor3A_710 = arith.xori %iota3A, %xor3A_709 : vector<16xi32>
      %lt3A_711 = arith.constant 0 : i32
      %lt3A_712 = vector.broadcast %lt3A_711 : i32 to vector<16xi32>
      %lt3A_713 = arith.cmpi slt, %xor3A_710, %lt3A_712 : vector<16xi32>
      %add3A_714 = arith.constant 16 : i32
      %add3A_715 = vector.broadcast %add3A_714 : i32 to vector<16xi32>
      %add3A_716 = arith.addi %xor3A_710, %add3A_715 : vector<16xi32>
      %select_n3A_717 = arith.select %lt3A_713, %add3A_716, %xor3A_710 : vector<16xi1>, vector<16xi32>
      %broadcast_in_dim3A_718 = vector.shape_cast %select_n3A_717 : vector<16xi32> to vector<16x1xi32>
      %gather3A_719 = vector.shape_cast %broadcast_in_dim3A_718 : vector<16x1xi32> to vector<16xi32>
      %gather3A_720 = tpu.dynamic_gather %add3A_707[%gather3A_719] in [0] : vector<16xf32>, vector<16xi32> -> vector<16xf32>
      %add3A_721 = arith.addf %add3A_707, %gather3A_720 : vector<16xf32>
      %xor3A_722 = arith.constant 1 : i32
      %xor3A_723 = vector.broadcast %xor3A_722 : i32 to vector<16xi32>
      %xor3A_724 = arith.xori %iota3A, %xor3A_723 : vector<16xi32>
      %lt3A_725 = arith.constant 0 : i32
      %lt3A_726 = vector.broadcast %lt3A_725 : i32 to vector<16xi32>
      %lt3A_727 = arith.cmpi slt, %xor3A_724, %lt3A_726 : vector<16xi32>
      %add3A_728 = arith.constant 16 : i32
      %add3A_729 = vector.broadcast %add3A_728 : i32 to vector<16xi32>
      %add3A_730 = arith.addi %xor3A_724, %add3A_729 : vector<16xi32>
      %select_n3A_731 = arith.select %lt3A_727, %add3A_730, %xor3A_724 : vector<16xi1>, vector<16xi32>
      %broadcast_in_dim3A_732 = vector.shape_cast %select_n3A_731 : vector<16xi32> to vector<16x1xi32>
      %gather3A_733 = vector.shape_cast %broadcast_in_dim3A_732 : vector<16x1xi32> to vector<16xi32>
      %gather3A_734 = tpu.dynamic_gather %add3A_721[%gather3A_733] in [0] : vector<16xf32>, vector<16xi32> -> vector<16xf32>
      %add3A_735 = arith.addf %add3A_721, %gather3A_734 : vector<16xf32>
      %ge3A_736 = arith.constant 1.000000e+00 : f32
      %ge3A_737 = vector.broadcast %ge3A_736 : f32 to vector<16xf32>
      %ge3A_738 = arith.cmpf oge, %add3A_735, %ge3A_737 : vector<16xf32>
      %select_n3A_739 = arith.select %ge3A_679, %add3A_613, %scan3A_608 : vector<16xi1>, vector<16xf32>
      %select_n3A_740 = arith.select %ge3A_738, %sub3A_614, %select_n3A_739 : vector<16xi1>, vector<16xf32>
      %select_n3A_741 = arith.select %ge3A_738, %scan3A_609, %sub3A_614 : vector<16xi1>, vector<16xf32>
      %select_n3A_742 = arith.select %ge3A_679, %select_n3A_741, %add3A_613 : vector<16xi1>, vector<16xf32>
      scf.yield %select_n3A_740, %select_n3A_742 : vector<16xf32>, vector<16xf32>
    }
    %scan3A_120 = arith.constant 18 : i32
    %add3A_121 = arith.addf %scan3A_119#0, %scan3A_119#1 : vector<16xf32>
    %mul3A_122 = arith.constant 5.000000e-01 : f32
    %mul3A_123 = vector.broadcast %mul3A_122 : f32 to vector<16xf32>
    %mul3A_124 = arith.mulf %mul3A_123, %add3A_121 : vector<16xf32>
    %mul3A_125 = arith.constant 2.000000e+00 : f32
    %mul3A_126 = vector.broadcast %mul3A_125 : f32 to vector<16xf32>
    %mul3A_127 = arith.mulf %mul3A_126, %mul3A_124 : vector<16xf32>
    %add3A_128 = arith.addf %max3A_77, %mul3A_127 : vector<16xf32>
    %parallel_loop3A_129 = arith.constant 0 : i32
    %parallel_loop3A_130 = arith.constant 2048 : i32
    %parallel_loop3A_131 = arith.constant 1 : i32
    scf.for %parallel_loop3A_607 = %parallel_loop3A_129 to %parallel_loop3A_130 step %parallel_loop3A_131  : i32 {
      %parallel_loop3A_608 = arith.constant 16 : i32
      %parallel_loop3A_609 = arith.muli %parallel_loop3A_607, %parallel_loop3A_608 : i32
      %parallel_loop3A_610 = arith.index_cast %parallel_loop3A_609 : i32 to index
      %parallel_loop3A_611 = tpu.vector_load %arg4[%parallel_loop3A_610] {strides = array<i32>} : memref<32768xf32, #tpu.memory_space<vmem>>, vector<16xf32>,
      %parallel_loop3A_612 = arith.subf %parallel_loop3A_611, %add3A_128 : vector<16xf32>
      %parallel_loop3A_613 = arith.constant 5.000000e-01 : f32
      %parallel_loop3A_614 = vector.broadcast %parallel_loop3A_613 : f32 to vector<16xf32>
      %parallel_loop3A_615 = arith.mulf %parallel_loop3A_612, %parallel_loop3A_614 : vector<16xf32>
      %parallel_loop3A_616 = arith.constant 0.000000e+00 : f32
      %parallel_loop3A_617 = vector.broadcast %parallel_loop3A_616 : f32 to vector<16xf32>
      %parallel_loop3A_618 = arith.maximumf %parallel_loop3A_615, %parallel_loop3A_617 : vector<16xf32>
      %parallel_loop3A_619 = arith.mulf %parallel_loop3A_618, %parallel_loop3A_618 : vector<16xf32>
      %parallel_loop3A_620 = arith.constant 16 : i32
      %parallel_loop3A_621 = arith.muli %parallel_loop3A_607, %parallel_loop3A_620 : i32
      %parallel_loop3A_622 = arith.index_cast %parallel_loop3A_621 : i32 to index
      %parallel_loop3A_623 = tpu.vector_load %arg4[%parallel_loop3A_622] {strides = array<i32>} : memref<32768xf32, #tpu.memory_space<vmem>>, vector<16xf32>,
      tpu.vector_store %arg4[%parallel_loop3A_622], %parallel_loop3A_619 {strides = array<i32>} : memref<32768xf32, #tpu.memory_space<vmem>>, vector<16xf32>,
    } {sc.loop_unroll_factor = 16 : i64, sc.parallel_access}
    %add3A_132 = arith.constant 0 : i32
    %add3A_133 = arith.addi %mul3A_2, %add3A_132 : i32
    %dma_start3A_134 = arith.constant 0 : i32
    %dma_start3A_135 = tpu.memref_slice %arg3[%add3A_133, %dma_start3A_134] : memref<128x32768xf32, #tpu.memory_space<hbm>> -> memref<1x32768xf32, #tpu.memory_space<hbm>>
    %dma_start3A_136 = tpu.memref_squeeze %dma_start3A_135 : memref<1x32768xf32, #tpu.memory_space<hbm>> -> memref<32768xf32, #tpu.memory_space<hbm>>
    %dma_start3A_137 = arith.constant 0 : i32
    %dma_start3A_138 = tpu.memref_slice %arg3[%add3A_133, %dma_start3A_137] : memref<128x32768xf32, #tpu.memory_space<hbm>> -> memref<1x32768xf32, #tpu.memory_space<hbm>>
    %dma_start3A_139 = tpu.memref_squeeze %dma_start3A_138 : memref<1x32768xf32, #tpu.memory_space<hbm>> -> memref<32768xf32, #tpu.memory_space<hbm>>
    tpu.enqueue_dma source(%arg4 : memref<32768xf32, #tpu.memory_space<vmem>>) target(%dma_start3A_139 : memref<32768xf32, #tpu.memory_space<hbm>>) target_semaphore(%arg9 : memref<!tpu.dma_semaphore, #tpu.memory_space<semaphore_mem>>)
    %dma_wait3A_140 = arith.constant 0 : i32
    %dma_wait3A_141 = tpu.memref_slice %arg3[%add3A_133, %dma_wait3A_140] : memref<128x32768xf32, #tpu.memory_space<hbm>> -> memref<1x32768xf32, #tpu.memory_space<hbm>>
    %dma_wait3A_142 = tpu.memref_squeeze %dma_wait3A_141 : memref<1x32768xf32, #tpu.memory_space<hbm>> -> memref<32768xf32, #tpu.memory_space<hbm>>
    %dma_wait3A_143 = arith.constant 0 : i32
    %dma_wait3A_144 = tpu.memref_slice %arg3[%add3A_133, %dma_wait3A_143] : memref<128x32768xf32, #tpu.memory_space<hbm>> -> memref<1x32768xf32, #tpu.memory_space<hbm>>
    %dma_wait3A_145 = tpu.memref_squeeze %dma_wait3A_144 : memref<1x32768xf32, #tpu.memory_space<hbm>> -> memref<32768xf32, #tpu.memory_space<hbm>>
    tpu.wait_dma2 semaphore(%arg9 : memref<!tpu.dma_semaphore, #tpu.memory_space<semaphore_mem>>) src(%arg4 : memref<32768xf32, #tpu.memory_space<vmem>>) dst(%dma_wait3A_145 : memref<32768xf32, #tpu.memory_space<hbm>>)
    %add3A_146 = arith.constant 1 : i32
    %add3A_147 = arith.addi %mul3A_2, %add3A_146 : i32
    %add3A_148 = arith.constant 1 : i32
    %add3A_149 = arith.addi %add3A_147, %add3A_148 : i32
    %dma_start3A_150 = arith.constant 0 : i32
    %dma_start3A_151 = tpu.memref_slice %arg2[%add3A_149, %dma_start3A_150] : memref<128x32768xf32, #tpu.memory_space<hbm>> -> memref<1x32768xf32, #tpu.memory_space<hbm>>
    %dma_start3A_152 = tpu.memref_squeeze %dma_start3A_151 : memref<1x32768xf32, #tpu.memory_space<hbm>> -> memref<32768xf32, #tpu.memory_space<hbm>>
    %dma_start3A_153 = arith.constant 0 : i32
    %dma_start3A_154 = tpu.memref_slice %arg2[%add3A_149, %dma_start3A_153] : memref<128x32768xf32, #tpu.memory_space<hbm>> -> memref<1x32768xf32, #tpu.memory_space<hbm>>
    %dma_start3A_155 = tpu.memref_squeeze %dma_start3A_154 : memref<1x32768xf32, #tpu.memory_space<hbm>> -> memref<32768xf32, #tpu.memory_space<hbm>>
    tpu.enqueue_dma source(%dma_start3A_155 : memref<32768xf32, #tpu.memory_space<hbm>>) target(%arg4 : memref<32768xf32, #tpu.memory_space<vmem>>) target_semaphore(%arg7 : memref<!tpu.dma_semaphore, #tpu.memory_space<semaphore_mem>>)
    %dma_wait3A_156 = arith.constant 0 : i32
    %dma_wait3A_157 = tpu.memref_slice %arg2[%add3A_11, %dma_wait3A_156] : memref<128x32768xf32, #tpu.memory_space<hbm>> -> memref<1x32768xf32, #tpu.memory_space<hbm>>
    %dma_wait3A_158 = tpu.memref_squeeze %dma_wait3A_157 : memref<1x32768xf32, #tpu.memory_space<hbm>> -> memref<32768xf32, #tpu.memory_space<hbm>>
    %dma_wait3A_159 = arith.constant 0 : i32
    %dma_wait3A_160 = tpu.memref_slice %arg2[%add3A_11, %dma_wait3A_159] : memref<128x32768xf32, #tpu.memory_space<hbm>> -> memref<1x32768xf32, #tpu.memory_space<hbm>>
    %dma_wait3A_161 = tpu.memref_squeeze %dma_wait3A_160 : memref<1x32768xf32, #tpu.memory_space<hbm>> -> memref<32768xf32, #tpu.memory_space<hbm>>
    tpu.wait_dma2 semaphore(%arg8 : memref<!tpu.dma_semaphore, #tpu.memory_space<semaphore_mem>>) src(%dma_wait3A_161 : memref<32768xf32, #tpu.memory_space<hbm>>) dst(%arg5 : memref<32768xf32, #tpu.memory_space<vmem>>)
    %broadcast_in_dim3A_162 = arith.constant 0xFF800000 : f32
    %broadcast_in_dim3A_163 = vector.broadcast %broadcast_in_dim3A_162 : f32 to vector<16xf32>
    %parallel_loop3A_164 = arith.constant 0 : i32
    %parallel_loop3A_165 = arith.constant 2048 : i32
    %parallel_loop3A_166 = arith.constant 1 : i32
    %parallel_loop3A_167 = scf.for %parallel_loop3A_607 = %parallel_loop3A_164 to %parallel_loop3A_165 step %parallel_loop3A_166 iter_args(%parallel_loop3A_608 = %broadcast_in_dim3A_163) -> (vector<16xf32>)  : i32 {
      %parallel_loop3A_609 = arith.constant 16 : i32
      %parallel_loop3A_610 = arith.muli %parallel_loop3A_607, %parallel_loop3A_609 : i32
      %parallel_loop3A_611 = arith.index_cast %parallel_loop3A_610 : i32 to index
      %parallel_loop3A_612 = tpu.vector_load %arg5[%parallel_loop3A_611] {strides = array<i32>} : memref<32768xf32, #tpu.memory_space<vmem>>, vector<16xf32>,
      %parallel_loop3A_613 = arith.maximumf %parallel_loop3A_608, %parallel_loop3A_612 : vector<16xf32>
      scf.yield %parallel_loop3A_613 : vector<16xf32>
    } {sc.loop_unroll_factor = 16 : i64, sc.parallel_access}
    %xor3A_168 = arith.constant 8 : i32
    %xor3A_169 = vector.broadcast %xor3A_168 : i32 to vector<16xi32>
    %xor3A_170 = arith.xori %iota3A, %xor3A_169 : vector<16xi32>
    %lt3A_171 = arith.constant 0 : i32
    %lt3A_172 = vector.broadcast %lt3A_171 : i32 to vector<16xi32>
    %lt3A_173 = arith.cmpi slt, %xor3A_170, %lt3A_172 : vector<16xi32>
    %add3A_174 = arith.constant 16 : i32
    %add3A_175 = vector.broadcast %add3A_174 : i32 to vector<16xi32>
    %add3A_176 = arith.addi %xor3A_170, %add3A_175 : vector<16xi32>
    %select_n3A_177 = arith.select %lt3A_173, %add3A_176, %xor3A_170 : vector<16xi1>, vector<16xi32>
    %broadcast_in_dim3A_178 = vector.shape_cast %select_n3A_177 : vector<16xi32> to vector<16x1xi32>
    %gather3A_179 = vector.shape_cast %broadcast_in_dim3A_178 : vector<16x1xi32> to vector<16xi32>
    %gather3A_180 = tpu.dynamic_gather %parallel_loop3A_167[%gather3A_179] in [0] : vector<16xf32>, vector<16xi32> -> vector<16xf32>
    %max3A_181 = arith.maximumf %parallel_loop3A_167, %gather3A_180 : vector<16xf32>
    %xor3A_182 = arith.constant 4 : i32
    %xor3A_183 = vector.broadcast %xor3A_182 : i32 to vector<16xi32>
    %xor3A_184 = arith.xori %iota3A, %xor3A_183 : vector<16xi32>
    %lt3A_185 = arith.constant 0 : i32
    %lt3A_186 = vector.broadcast %lt3A_185 : i32 to vector<16xi32>
    %lt3A_187 = arith.cmpi slt, %xor3A_184, %lt3A_186 : vector<16xi32>
    %add3A_188 = arith.constant 16 : i32
    %add3A_189 = vector.broadcast %add3A_188 : i32 to vector<16xi32>
    %add3A_190 = arith.addi %xor3A_184, %add3A_189 : vector<16xi32>
    %select_n3A_191 = arith.select %lt3A_187, %add3A_190, %xor3A_184 : vector<16xi1>, vector<16xi32>
    %broadcast_in_dim3A_192 = vector.shape_cast %select_n3A_191 : vector<16xi32> to vector<16x1xi32>
    %gather3A_193 = vector.shape_cast %broadcast_in_dim3A_192 : vector<16x1xi32> to vector<16xi32>
    %gather3A_194 = tpu.dynamic_gather %max3A_181[%gather3A_193] in [0] : vector<16xf32>, vector<16xi32> -> vector<16xf32>
    %max3A_195 = arith.maximumf %max3A_181, %gather3A_194 : vector<16xf32>
    %xor3A_196 = arith.constant 2 : i32
    %xor3A_197 = vector.broadcast %xor3A_196 : i32 to vector<16xi32>
    %xor3A_198 = arith.xori %iota3A, %xor3A_197 : vector<16xi32>
    %lt3A_199 = arith.constant 0 : i32
    %lt3A_200 = vector.broadcast %lt3A_199 : i32 to vector<16xi32>
    %lt3A_201 = arith.cmpi slt, %xor3A_198, %lt3A_200 : vector<16xi32>
    %add3A_202 = arith.constant 16 : i32
    %add3A_203 = vector.broadcast %add3A_202 : i32 to vector<16xi32>
    %add3A_204 = arith.addi %xor3A_198, %add3A_203 : vector<16xi32>
    %select_n3A_205 = arith.select %lt3A_201, %add3A_204, %xor3A_198 : vector<16xi1>, vector<16xi32>
    %broadcast_in_dim3A_206 = vector.shape_cast %select_n3A_205 : vector<16xi32> to vector<16x1xi32>
    %gather3A_207 = vector.shape_cast %broadcast_in_dim3A_206 : vector<16x1xi32> to vector<16xi32>
    %gather3A_208 = tpu.dynamic_gather %max3A_195[%gather3A_207] in [0] : vector<16xf32>, vector<16xi32> -> vector<16xf32>
    %max3A_209 = arith.maximumf %max3A_195, %gather3A_208 : vector<16xf32>
    %xor3A_210 = arith.constant 1 : i32
    %xor3A_211 = vector.broadcast %xor3A_210 : i32 to vector<16xi32>
    %xor3A_212 = arith.xori %iota3A, %xor3A_211 : vector<16xi32>
    %lt3A_213 = arith.constant 0 : i32
    %lt3A_214 = vector.broadcast %lt3A_213 : i32 to vector<16xi32>
    %lt3A_215 = arith.cmpi slt, %xor3A_212, %lt3A_214 : vector<16xi32>
    %add3A_216 = arith.constant 16 : i32
    %add3A_217 = vector.broadcast %add3A_216 : i32 to vector<16xi32>
    %add3A_218 = arith.addi %xor3A_212, %add3A_217 : vector<16xi32>
    %select_n3A_219 = arith.select %lt3A_215, %add3A_218, %xor3A_212 : vector<16xi1>, vector<16xi32>
    %broadcast_in_dim3A_220 = vector.shape_cast %select_n3A_219 : vector<16xi32> to vector<16x1xi32>
    %gather3A_221 = vector.shape_cast %broadcast_in_dim3A_220 : vector<16x1xi32> to vector<16xi32>
    %gather3A_222 = tpu.dynamic_gather %max3A_209[%gather3A_221] in [0] : vector<16xf32>, vector<16xi32> -> vector<16xf32>
    %max3A_223 = arith.maximumf %max3A_209, %gather3A_222 : vector<16xf32>
    %sub3A_224 = arith.constant 2.000000e+00 : f32
    %sub3A_225 = vector.broadcast %sub3A_224 : f32 to vector<16xf32>
    %sub3A_226 = arith.subf %max3A_223, %sub3A_225 : vector<16xf32>
    %broadcast_in_dim3A_227 = arith.constant 0 : i32
    %broadcast_in_dim3A_228 = vector.broadcast %broadcast_in_dim3A_227 : i32 to vector<16xi32>
    %parallel_loop3A_229 = arith.constant 0 : i32
    %parallel_loop3A_230 = arith.constant 2048 : i32
    %parallel_loop3A_231 = arith.constant 1 : i32
    %parallel_loop3A_232 = scf.for %parallel_loop3A_607 = %parallel_loop3A_229 to %parallel_loop3A_230 step %parallel_loop3A_231 iter_args(%parallel_loop3A_608 = %broadcast_in_dim3A_228) -> (vector<16xi32>)  : i32 {
      %parallel_loop3A_609 = arith.constant 16 : i32
      %parallel_loop3A_610 = arith.muli %parallel_loop3A_607, %parallel_loop3A_609 : i32
      %parallel_loop3A_611 = arith.index_cast %parallel_loop3A_610 : i32 to index
      %parallel_loop3A_612 = tpu.vector_load %arg5[%parallel_loop3A_611] {strides = array<i32>} : memref<32768xf32, #tpu.memory_space<vmem>>, vector<16xf32>,
      %parallel_loop3A_613 = arith.cmpf ogt, %parallel_loop3A_612, %sub3A_226 : vector<16xf32>
      %parallel_loop3A_614 = arith.subf %parallel_loop3A_612, %max3A_223 : vector<16xf32>
      %parallel_loop3A_615 = arith.constant 5.000000e-01 : f32
      %parallel_loop3A_616 = vector.broadcast %parallel_loop3A_615 : f32 to vector<16xf32>
      %parallel_loop3A_617 = arith.mulf %parallel_loop3A_614, %parallel_loop3A_616 : vector<16xf32>
      %parallel_loop3A_618, %parallel_loop3A_619, %parallel_loop3A_620 = tpu.sort %parallel_loop3A_617, %parallel_loop3A_617 masked %parallel_loop3A_613 {descending = true} : (vector<16xf32>, vector<16xf32>, vector<16xi1>) -> (vector<16xi1>, vector<16xf32>, vector<16xf32>)
      %parallel_loop3A_621 = tpu.all_reduce %parallel_loop3A_613 {dim = 0 : i64, kind = #tpu.reduction_kind<sum>} : vector<16xi1> -> vector<16xi32>
      %parallel_loop3A_622 = arith.cmpi slt, %iota3A, %parallel_loop3A_621 : vector<16xi32>
      %parallel_loop3A_623 = arith.addi %parallel_loop3A_608, %iota3A : vector<16xi32>
      %parallel_loop3A_624 = arith.constant 32783 : i32
      %parallel_loop3A_625 = vector.broadcast %parallel_loop3A_624 : i32 to vector<16xi32>
      %parallel_loop3A_626 = arith.select %parallel_loop3A_622, %parallel_loop3A_623, %parallel_loop3A_625 : vector<16xi1>, vector<16xi32>
      tpu.vector_store_idx %arg6[%parallel_loop3A_626], %parallel_loop3A_619 : memref<32784xf32, #tpu.memory_space<vmem>>[vector<16xi32>], vector<16xf32>,
      %parallel_loop3A_627 = arith.addi %parallel_loop3A_608, %parallel_loop3A_621 : vector<16xi32>
      scf.yield %parallel_loop3A_627 : vector<16xi32>
    } {sc.loop_unroll_factor = 8 : i64, sc.parallel_access}
    %slice3A_233 = vector.extract_strided_slice %parallel_loop3A_232 {offsets = [0], sizes = [1], strides = [1]} : vector<16xi32> to vector<1xi32>
    %squeeze3A_234 = vector.extract %slice3A_233[0] : i32 from vector<1xi32>
    %broadcast_in_dim3A_235 = arith.constant -4.000000e+00 : f32
    %broadcast_in_dim3A_236 = vector.broadcast %broadcast_in_dim3A_235 : f32 to vector<16xf32>
    %swap3A_237 = arith.index_cast %squeeze3A_234 : i32 to index
    %swap3A_238 = tpu.vector_load %arg6[%swap3A_237] {strides = array<i32>} : memref<32784xf32, #tpu.memory_space<vmem>>, vector<16xf32>,
    tpu.vector_store %arg6[%swap3A_237], %broadcast_in_dim3A_236 {strides = array<i32>} : memref<32784xf32, #tpu.memory_space<vmem>>, vector<16xf32>,
    %add3A_239 = arith.constant 16 : i32
    %add3A_240 = arith.addi %squeeze3A_234, %add3A_239 : i32
    %sub3A_241 = arith.constant 1 : i32
    %sub3A_242 = arith.subi %add3A_240, %sub3A_241 : i32
    %jit3A_243 = arith.constant 16 : i32
    %div3A_244 = arith.divsi %sub3A_242, %jit3A_243 : i32
    %sign3A_245 = arith.constant 0 : i32
    %sign3A_246 = arith.cmpi sgt, %sub3A_242, %sign3A_245 : i32
    %sign3A_247 = arith.extui %sign3A_246 : i1 to i32
    %sign3A_248 = arith.constant 0 : i32
    %sign3A_249 = arith.cmpi slt, %sub3A_242, %sign3A_248 : i32
    %sign3A_250 = arith.extui %sign3A_249 : i1 to i32
    %sign3A_251 = arith.subi %sign3A_247, %sign3A_250 : i32
    %sign3A_252 = arith.constant 0 : i32
    %sign3A_253 = arith.cmpi sgt, %jit3A_243, %sign3A_252 : i32
    %sign3A_254 = arith.extui %sign3A_253 : i1 to i32
    %sign3A_255 = arith.constant 0 : i32
    %sign3A_256 = arith.cmpi slt, %jit3A_243, %sign3A_255 : i32
    %sign3A_257 = arith.extui %sign3A_256 : i1 to i32
    %sign3A_258 = arith.subi %sign3A_254, %sign3A_257 : i32
    %ne3A_259 = arith.cmpi ne, %sign3A_251, %sign3A_258 : i32
    %rem3A_260 = arith.remsi %sub3A_242, %jit3A_243 : i32
    %ne3A_261 = arith.constant 0 : i32
    %ne3A_262 = arith.cmpi ne, %rem3A_260, %ne3A_261 : i32
    %and3A_263 = arith.andi %ne3A_259, %ne3A_262 : i1
    %sub3A_264 = arith.constant 1 : i32
    %sub3A_265 = arith.subi %div3A_244, %sub3A_264 : i32
    %select_n3A_266 = arith.select %and3A_263, %sub3A_265, %div3A_244 : i32
    %broadcast_in_dim3A_267 = arith.constant -1.000000e+00 : f32
    %broadcast_in_dim3A_268 = vector.broadcast %broadcast_in_dim3A_267 : f32 to vector<16xf32>
    %broadcast_in_dim3A_269 = arith.constant 0.000000e+00 : f32
    %broadcast_in_dim3A_270 = vector.broadcast %broadcast_in_dim3A_269 : f32 to vector<16xf32>
    %scan3A_271 = arith.constant 0.333333343 : f32
    %scan3A_272 = arith.constant 0 : i32
    %scan3A_273 = arith.constant 18 : i32
    %scan3A_274 = arith.addi %scan3A_272, %scan3A_273 : i32
    %scan3A_275 = arith.constant 1 : i32
    %scan3A_276:2 = scf.for %scan3A_607 = %scan3A_272 to %scan3A_274 step %scan3A_275 iter_args(%scan3A_608 = %broadcast_in_dim3A_268, %scan3A_609 = %broadcast_in_dim3A_270) -> (vector<16xf32>, vector<16xf32>)  : i32 {
      %sub3A_610 = arith.subf %scan3A_609, %scan3A_608 : vector<16xf32>
      %mul3A_611 = vector.broadcast %scan3A_271 : f32 to vector<16xf32>
      %mul3A_612 = arith.mulf %sub3A_610, %mul3A_611 : vector<16xf32>
      %add3A_613 = arith.addf %scan3A_608, %mul3A_612 : vector<16xf32>
      %sub3A_614 = arith.subf %scan3A_609, %mul3A_612 : vector<16xf32>
      %broadcast_in_dim3A_615 = arith.constant 0.000000e+00 : f32
      %broadcast_in_dim3A_616 = vector.broadcast %broadcast_in_dim3A_615 : f32 to vector<16xf32>
      %broadcast_in_dim3A_617 = arith.constant 0.000000e+00 : f32
      %broadcast_in_dim3A_618 = vector.broadcast %broadcast_in_dim3A_617 : f32 to vector<16xf32>
      %parallel_loop3A_619 = arith.constant 0 : i32
      %parallel_loop3A_620 = arith.constant 1 : i32
      %parallel_loop3A_621:2 = scf.for %parallel_loop3A_743 = %parallel_loop3A_619 to %select_n3A_266 step %parallel_loop3A_620 iter_args(%parallel_loop3A_744 = %broadcast_in_dim3A_616, %parallel_loop3A_745 = %broadcast_in_dim3A_618) -> (vector<16xf32>, vector<16xf32>)  : i32 {
        %parallel_loop3A_746 = arith.constant 16 : i32
        %parallel_loop3A_747 = arith.muli %parallel_loop3A_743, %parallel_loop3A_746 : i32
        %parallel_loop3A_748 = arith.index_cast %parallel_loop3A_747 : i32 to index
        %parallel_loop3A_749 = tpu.vector_load %arg6[%parallel_loop3A_748] {strides = array<i32>} : memref<32784xf32, #tpu.memory_space<vmem>>, vector<16xf32>,
        %parallel_loop3A_750 = arith.subf %parallel_loop3A_749, %add3A_613 : vector<16xf32>
        %parallel_loop3A_751 = arith.constant 0.000000e+00 : f32
        %parallel_loop3A_752 = vector.broadcast %parallel_loop3A_751 : f32 to vector<16xf32>
        %parallel_loop3A_753 = arith.maximumf %parallel_loop3A_750, %parallel_loop3A_752 : vector<16xf32>
        %parallel_loop3A_754 = arith.subf %parallel_loop3A_749, %sub3A_614 : vector<16xf32>
        %parallel_loop3A_755 = arith.constant 0.000000e+00 : f32
        %parallel_loop3A_756 = vector.broadcast %parallel_loop3A_755 : f32 to vector<16xf32>
        %parallel_loop3A_757 = arith.maximumf %parallel_loop3A_754, %parallel_loop3A_756 : vector<16xf32>
        %parallel_loop3A_758 = arith.mulf %parallel_loop3A_753, %parallel_loop3A_753 : vector<16xf32>
        %parallel_loop3A_759 = arith.addf %parallel_loop3A_744, %parallel_loop3A_758 : vector<16xf32>
        %parallel_loop3A_760 = arith.mulf %parallel_loop3A_757, %parallel_loop3A_757 : vector<16xf32>
        %parallel_loop3A_761 = arith.addf %parallel_loop3A_745, %parallel_loop3A_760 : vector<16xf32>
        scf.yield %parallel_loop3A_759, %parallel_loop3A_761 : vector<16xf32>, vector<16xf32>
      } {sc.loop_unroll_factor = 8 : i64, sc.parallel_access}
      %xor3A_622 = arith.constant 8 : i32
      %xor3A_623 = vector.broadcast %xor3A_622 : i32 to vector<16xi32>
      %xor3A_624 = arith.xori %iota3A, %xor3A_623 : vector<16xi32>
      %lt3A_625 = arith.constant 0 : i32
      %lt3A_626 = vector.broadcast %lt3A_625 : i32 to vector<16xi32>
      %lt3A_627 = arith.cmpi slt, %xor3A_624, %lt3A_626 : vector<16xi32>
      %add3A_628 = arith.constant 16 : i32
      %add3A_629 = vector.broadcast %add3A_628 : i32 to vector<16xi32>
      %add3A_630 = arith.addi %xor3A_624, %add3A_629 : vector<16xi32>
      %select_n3A_631 = arith.select %lt3A_627, %add3A_630, %xor3A_624 : vector<16xi1>, vector<16xi32>
      %broadcast_in_dim3A_632 = vector.shape_cast %select_n3A_631 : vector<16xi32> to vector<16x1xi32>
      %gather3A_633 = vector.shape_cast %broadcast_in_dim3A_632 : vector<16x1xi32> to vector<16xi32>
      %gather3A_634 = tpu.dynamic_gather %parallel_loop3A_621#0[%gather3A_633] in [0] : vector<16xf32>, vector<16xi32> -> vector<16xf32>
      %add3A_635 = arith.addf %parallel_loop3A_621#0, %gather3A_634 : vector<16xf32>
      %xor3A_636 = arith.constant 4 : i32
      %xor3A_637 = vector.broadcast %xor3A_636 : i32 to vector<16xi32>
      %xor3A_638 = arith.xori %iota3A, %xor3A_637 : vector<16xi32>
      %lt3A_639 = arith.constant 0 : i32
      %lt3A_640 = vector.broadcast %lt3A_639 : i32 to vector<16xi32>
      %lt3A_641 = arith.cmpi slt, %xor3A_638, %lt3A_640 : vector<16xi32>
      %add3A_642 = arith.constant 16 : i32
      %add3A_643 = vector.broadcast %add3A_642 : i32 to vector<16xi32>
      %add3A_644 = arith.addi %xor3A_638, %add3A_643 : vector<16xi32>
      %select_n3A_645 = arith.select %lt3A_641, %add3A_644, %xor3A_638 : vector<16xi1>, vector<16xi32>
      %broadcast_in_dim3A_646 = vector.shape_cast %select_n3A_645 : vector<16xi32> to vector<16x1xi32>
      %gather3A_647 = vector.shape_cast %broadcast_in_dim3A_646 : vector<16x1xi32> to vector<16xi32>
      %gather3A_648 = tpu.dynamic_gather %add3A_635[%gather3A_647] in [0] : vector<16xf32>, vector<16xi32> -> vector<16xf32>
      %add3A_649 = arith.addf %add3A_635, %gather3A_648 : vector<16xf32>
      %xor3A_650 = arith.constant 2 : i32
      %xor3A_651 = vector.broadcast %xor3A_650 : i32 to vector<16xi32>
      %xor3A_652 = arith.xori %iota3A, %xor3A_651 : vector<16xi32>
      %lt3A_653 = arith.constant 0 : i32
      %lt3A_654 = vector.broadcast %lt3A_653 : i32 to vector<16xi32>
      %lt3A_655 = arith.cmpi slt, %xor3A_652, %lt3A_654 : vector<16xi32>
      %add3A_656 = arith.constant 16 : i32
      %add3A_657 = vector.broadcast %add3A_656 : i32 to vector<16xi32>
      %add3A_658 = arith.addi %xor3A_652, %add3A_657 : vector<16xi32>
      %select_n3A_659 = arith.select %lt3A_655, %add3A_658, %xor3A_652 : vector<16xi1>, vector<16xi32>
      %broadcast_in_dim3A_660 = vector.shape_cast %select_n3A_659 : vector<16xi32> to vector<16x1xi32>
      %gather3A_661 = vector.shape_cast %broadcast_in_dim3A_660 : vector<16x1xi32> to vector<16xi32>
      %gather3A_662 = tpu.dynamic_gather %add3A_649[%gather3A_661] in [0] : vector<16xf32>, vector<16xi32> -> vector<16xf32>
      %add3A_663 = arith.addf %add3A_649, %gather3A_662 : vector<16xf32>
      %xor3A_664 = arith.constant 1 : i32
      %xor3A_665 = vector.broadcast %xor3A_664 : i32 to vector<16xi32>
      %xor3A_666 = arith.xori %iota3A, %xor3A_665 : vector<16xi32>
      %lt3A_667 = arith.constant 0 : i32
      %lt3A_668 = vector.broadcast %lt3A_667 : i32 to vector<16xi32>
      %lt3A_669 = arith.cmpi slt, %xor3A_666, %lt3A_668 : vector<16xi32>
      %add3A_670 = arith.constant 16 : i32
      %add3A_671 = vector.broadcast %add3A_670 : i32 to vector<16xi32>
      %add3A_672 = arith.addi %xor3A_666, %add3A_671 : vector<16xi32>
      %select_n3A_673 = arith.select %lt3A_669, %add3A_672, %xor3A_666 : vector<16xi1>, vector<16xi32>
      %broadcast_in_dim3A_674 = vector.shape_cast %select_n3A_673 : vector<16xi32> to vector<16x1xi32>
      %gather3A_675 = vector.shape_cast %broadcast_in_dim3A_674 : vector<16x1xi32> to vector<16xi32>
      %gather3A_676 = tpu.dynamic_gather %add3A_663[%gather3A_675] in [0] : vector<16xf32>, vector<16xi32> -> vector<16xf32>
      %add3A_677 = arith.addf %add3A_663, %gather3A_676 : vector<16xf32>
      %ge3A = arith.constant 1.000000e+00 : f32
      %ge3A_678 = vector.broadcast %ge3A : f32 to vector<16xf32>
      %ge3A_679 = arith.cmpf oge, %add3A_677, %ge3A_678 : vector<16xf32>
      %xor3A_680 = arith.constant 8 : i32
      %xor3A_681 = vector.broadcast %xor3A_680 : i32 to vector<16xi32>
      %xor3A_682 = arith.xori %iota3A, %xor3A_681 : vector<16xi32>
      %lt3A_683 = arith.constant 0 : i32
      %lt3A_684 = vector.broadcast %lt3A_683 : i32 to vector<16xi32>
      %lt3A_685 = arith.cmpi slt, %xor3A_682, %lt3A_684 : vector<16xi32>
      %add3A_686 = arith.constant 16 : i32
      %add3A_687 = vector.broadcast %add3A_686 : i32 to vector<16xi32>
      %add3A_688 = arith.addi %xor3A_682, %add3A_687 : vector<16xi32>
      %select_n3A_689 = arith.select %lt3A_685, %add3A_688, %xor3A_682 : vector<16xi1>, vector<16xi32>
      %broadcast_in_dim3A_690 = vector.shape_cast %select_n3A_689 : vector<16xi32> to vector<16x1xi32>
      %gather3A_691 = vector.shape_cast %broadcast_in_dim3A_690 : vector<16x1xi32> to vector<16xi32>
      %gather3A_692 = tpu.dynamic_gather %parallel_loop3A_621#1[%gather3A_691] in [0] : vector<16xf32>, vector<16xi32> -> vector<16xf32>
      %add3A_693 = arith.addf %parallel_loop3A_621#1, %gather3A_692 : vector<16xf32>
      %xor3A_694 = arith.constant 4 : i32
      %xor3A_695 = vector.broadcast %xor3A_694 : i32 to vector<16xi32>
      %xor3A_696 = arith.xori %iota3A, %xor3A_695 : vector<16xi32>
      %lt3A_697 = arith.constant 0 : i32
      %lt3A_698 = vector.broadcast %lt3A_697 : i32 to vector<16xi32>
      %lt3A_699 = arith.cmpi slt, %xor3A_696, %lt3A_698 : vector<16xi32>
      %add3A_700 = arith.constant 16 : i32
      %add3A_701 = vector.broadcast %add3A_700 : i32 to vector<16xi32>
      %add3A_702 = arith.addi %xor3A_696, %add3A_701 : vector<16xi32>
      %select_n3A_703 = arith.select %lt3A_699, %add3A_702, %xor3A_696 : vector<16xi1>, vector<16xi32>
      %broadcast_in_dim3A_704 = vector.shape_cast %select_n3A_703 : vector<16xi32> to vector<16x1xi32>
      %gather3A_705 = vector.shape_cast %broadcast_in_dim3A_704 : vector<16x1xi32> to vector<16xi32>
      %gather3A_706 = tpu.dynamic_gather %add3A_693[%gather3A_705] in [0] : vector<16xf32>, vector<16xi32> -> vector<16xf32>
      %add3A_707 = arith.addf %add3A_693, %gather3A_706 : vector<16xf32>
      %xor3A_708 = arith.constant 2 : i32
      %xor3A_709 = vector.broadcast %xor3A_708 : i32 to vector<16xi32>
      %xor3A_710 = arith.xori %iota3A, %xor3A_709 : vector<16xi32>
      %lt3A_711 = arith.constant 0 : i32
      %lt3A_712 = vector.broadcast %lt3A_711 : i32 to vector<16xi32>
      %lt3A_713 = arith.cmpi slt, %xor3A_710, %lt3A_712 : vector<16xi32>
      %add3A_714 = arith.constant 16 : i32
      %add3A_715 = vector.broadcast %add3A_714 : i32 to vector<16xi32>
      %add3A_716 = arith.addi %xor3A_710, %add3A_715 : vector<16xi32>
      %select_n3A_717 = arith.select %lt3A_713, %add3A_716, %xor3A_710 : vector<16xi1>, vector<16xi32>
      %broadcast_in_dim3A_718 = vector.shape_cast %select_n3A_717 : vector<16xi32> to vector<16x1xi32>
      %gather3A_719 = vector.shape_cast %broadcast_in_dim3A_718 : vector<16x1xi32> to vector<16xi32>
      %gather3A_720 = tpu.dynamic_gather %add3A_707[%gather3A_719] in [0] : vector<16xf32>, vector<16xi32> -> vector<16xf32>
      %add3A_721 = arith.addf %add3A_707, %gather3A_720 : vector<16xf32>
      %xor3A_722 = arith.constant 1 : i32
      %xor3A_723 = vector.broadcast %xor3A_722 : i32 to vector<16xi32>
      %xor3A_724 = arith.xori %iota3A, %xor3A_723 : vector<16xi32>
      %lt3A_725 = arith.constant 0 : i32
      %lt3A_726 = vector.broadcast %lt3A_725 : i32 to vector<16xi32>
      %lt3A_727 = arith.cmpi slt, %xor3A_724, %lt3A_726 : vector<16xi32>
      %add3A_728 = arith.constant 16 : i32
      %add3A_729 = vector.broadcast %add3A_728 : i32 to vector<16xi32>
      %add3A_730 = arith.addi %xor3A_724, %add3A_729 : vector<16xi32>
      %select_n3A_731 = arith.select %lt3A_727, %add3A_730, %xor3A_724 : vector<16xi1>, vector<16xi32>
      %broadcast_in_dim3A_732 = vector.shape_cast %select_n3A_731 : vector<16xi32> to vector<16x1xi32>
      %gather3A_733 = vector.shape_cast %broadcast_in_dim3A_732 : vector<16x1xi32> to vector<16xi32>
      %gather3A_734 = tpu.dynamic_gather %add3A_721[%gather3A_733] in [0] : vector<16xf32>, vector<16xi32> -> vector<16xf32>
      %add3A_735 = arith.addf %add3A_721, %gather3A_734 : vector<16xf32>
      %ge3A_736 = arith.constant 1.000000e+00 : f32
      %ge3A_737 = vector.broadcast %ge3A_736 : f32 to vector<16xf32>
      %ge3A_738 = arith.cmpf oge, %add3A_735, %ge3A_737 : vector<16xf32>
      %select_n3A_739 = arith.select %ge3A_679, %add3A_613, %scan3A_608 : vector<16xi1>, vector<16xf32>
      %select_n3A_740 = arith.select %ge3A_738, %sub3A_614, %select_n3A_739 : vector<16xi1>, vector<16xf32>
      %select_n3A_741 = arith.select %ge3A_738, %scan3A_609, %sub3A_614 : vector<16xi1>, vector<16xf32>
      %select_n3A_742 = arith.select %ge3A_679, %select_n3A_741, %add3A_613 : vector<16xi1>, vector<16xf32>
      scf.yield %select_n3A_740, %select_n3A_742 : vector<16xf32>, vector<16xf32>
    }
    %scan3A_277 = arith.constant 18 : i32
    %add3A_278 = arith.addf %scan3A_276#0, %scan3A_276#1 : vector<16xf32>
    %mul3A_279 = arith.constant 5.000000e-01 : f32
    %mul3A_280 = vector.broadcast %mul3A_279 : f32 to vector<16xf32>
    %mul3A_281 = arith.mulf %mul3A_280, %add3A_278 : vector<16xf32>
    %mul3A_282 = arith.constant 2.000000e+00 : f32
    %mul3A_283 = vector.broadcast %mul3A_282 : f32 to vector<16xf32>
    %mul3A_284 = arith.mulf %mul3A_283, %mul3A_281 : vector<16xf32>
    %add3A_285 = arith.addf %max3A_223, %mul3A_284 : vector<16xf32>
    %parallel_loop3A_286 = arith.constant 0 : i32
    %parallel_loop3A_287 = arith.constant 2048 : i32
    %parallel_loop3A_288 = arith.constant 1 : i32
    scf.for %parallel_loop3A_607 = %parallel_loop3A_286 to %parallel_loop3A_287 step %parallel_loop3A_288  : i32 {
      %parallel_loop3A_608 = arith.constant 16 : i32
      %parallel_loop3A_609 = arith.muli %parallel_loop3A_607, %parallel_loop3A_608 : i32
      %parallel_loop3A_610 = arith.index_cast %parallel_loop3A_609 : i32 to index
      %parallel_loop3A_611 = tpu.vector_load %arg5[%parallel_loop3A_610] {strides = array<i32>} : memref<32768xf32, #tpu.memory_space<vmem>>, vector<16xf32>,
      %parallel_loop3A_612 = arith.subf %parallel_loop3A_611, %add3A_285 : vector<16xf32>
      %parallel_loop3A_613 = arith.constant 5.000000e-01 : f32
      %parallel_loop3A_614 = vector.broadcast %parallel_loop3A_613 : f32 to vector<16xf32>
      %parallel_loop3A_615 = arith.mulf %parallel_loop3A_612, %parallel_loop3A_614 : vector<16xf32>
      %parallel_loop3A_616 = arith.constant 0.000000e+00 : f32
      %parallel_loop3A_617 = vector.broadcast %parallel_loop3A_616 : f32 to vector<16xf32>
      %parallel_loop3A_618 = arith.maximumf %parallel_loop3A_615, %parallel_loop3A_617 : vector<16xf32>
      %parallel_loop3A_619 = arith.mulf %parallel_loop3A_618, %parallel_loop3A_618 : vector<16xf32>
      %parallel_loop3A_620 = arith.constant 16 : i32
      %parallel_loop3A_621 = arith.muli %parallel_loop3A_607, %parallel_loop3A_620 : i32
      %parallel_loop3A_622 = arith.index_cast %parallel_loop3A_621 : i32 to index
      %parallel_loop3A_623 = tpu.vector_load %arg5[%parallel_loop3A_622] {strides = array<i32>} : memref<32768xf32, #tpu.memory_space<vmem>>, vector<16xf32>,
      tpu.vector_store %arg5[%parallel_loop3A_622], %parallel_loop3A_619 {strides = array<i32>} : memref<32768xf32, #tpu.memory_space<vmem>>, vector<16xf32>,
    } {sc.loop_unroll_factor = 16 : i64, sc.parallel_access}
    %add3A_289 = arith.constant 1 : i32
    %add3A_290 = arith.addi %mul3A_2, %add3A_289 : i32
    %dma_start3A_291 = arith.constant 0 : i32
    %dma_start3A_292 = tpu.memref_slice %arg3[%add3A_290, %dma_start3A_291] : memref<128x32768xf32, #tpu.memory_space<hbm>> -> memref<1x32768xf32, #tpu.memory_space<hbm>>
    %dma_start3A_293 = tpu.memref_squeeze %dma_start3A_292 : memref<1x32768xf32, #tpu.memory_space<hbm>> -> memref<32768xf32, #tpu.memory_space<hbm>>
    %dma_start3A_294 = arith.constant 0 : i32
    %dma_start3A_295 = tpu.memref_slice %arg3[%add3A_290, %dma_start3A_294] : memref<128x32768xf32, #tpu.memory_space<hbm>> -> memref<1x32768xf32, #tpu.memory_space<hbm>>
    %dma_start3A_296 = tpu.memref_squeeze %dma_start3A_295 : memref<1x32768xf32, #tpu.memory_space<hbm>> -> memref<32768xf32, #tpu.memory_space<hbm>>
    tpu.enqueue_dma source(%arg5 : memref<32768xf32, #tpu.memory_space<vmem>>) target(%dma_start3A_296 : memref<32768xf32, #tpu.memory_space<hbm>>) target_semaphore(%arg10 : memref<!tpu.dma_semaphore, #tpu.memory_space<semaphore_mem>>)
    %dma_wait3A_297 = arith.constant 0 : i32
    %dma_wait3A_298 = tpu.memref_slice %arg3[%add3A_290, %dma_wait3A_297] : memref<128x32768xf32, #tpu.memory_space<hbm>> -> memref<1x32768xf32, #tpu.memory_space<hbm>>
    %dma_wait3A_299 = tpu.memref_squeeze %dma_wait3A_298 : memref<1x32768xf32, #tpu.memory_space<hbm>> -> memref<32768xf32, #tpu.memory_space<hbm>>
    %dma_wait3A_300 = arith.constant 0 : i32
    %dma_wait3A_301 = tpu.memref_slice %arg3[%add3A_290, %dma_wait3A_300] : memref<128x32768xf32, #tpu.memory_space<hbm>> -> memref<1x32768xf32, #tpu.memory_space<hbm>>
    %dma_wait3A_302 = tpu.memref_squeeze %dma_wait3A_301 : memref<1x32768xf32, #tpu.memory_space<hbm>> -> memref<32768xf32, #tpu.memory_space<hbm>>
    tpu.wait_dma2 semaphore(%arg10 : memref<!tpu.dma_semaphore, #tpu.memory_space<semaphore_mem>>) src(%arg5 : memref<32768xf32, #tpu.memory_space<vmem>>) dst(%dma_wait3A_302 : memref<32768xf32, #tpu.memory_space<hbm>>)
    %add3A_303 = arith.constant 2 : i32
    %add3A_304 = arith.addi %mul3A_2, %add3A_303 : i32
    %add3A_305 = arith.constant 1 : i32
    %add3A_306 = arith.addi %add3A_304, %add3A_305 : i32
    %dma_start3A_307 = arith.constant 0 : i32
    %dma_start3A_308 = tpu.memref_slice %arg2[%add3A_306, %dma_start3A_307] : memref<128x32768xf32, #tpu.memory_space<hbm>> -> memref<1x32768xf32, #tpu.memory_space<hbm>>
    %dma_start3A_309 = tpu.memref_squeeze %dma_start3A_308 : memref<1x32768xf32, #tpu.memory_space<hbm>> -> memref<32768xf32, #tpu.memory_space<hbm>>
    %dma_start3A_310 = arith.constant 0 : i32
    %dma_start3A_311 = tpu.memref_slice %arg2[%add3A_306, %dma_start3A_310] : memref<128x32768xf32, #tpu.memory_space<hbm>> -> memref<1x32768xf32, #tpu.memory_space<hbm>>
    %dma_start3A_312 = tpu.memref_squeeze %dma_start3A_311 : memref<1x32768xf32, #tpu.memory_space<hbm>> -> memref<32768xf32, #tpu.memory_space<hbm>>
    tpu.enqueue_dma source(%dma_start3A_312 : memref<32768xf32, #tpu.memory_space<hbm>>) target(%arg5 : memref<32768xf32, #tpu.memory_space<vmem>>) target_semaphore(%arg8 : memref<!tpu.dma_semaphore, #tpu.memory_space<semaphore_mem>>)
    %dma_wait3A_313 = arith.constant 0 : i32
    %dma_wait3A_314 = tpu.memref_slice %arg2[%add3A_149, %dma_wait3A_313] : memref<128x32768xf32, #tpu.memory_space<hbm>> -> memref<1x32768xf32, #tpu.memory_space<hbm>>
    %dma_wait3A_315 = tpu.memref_squeeze %dma_wait3A_314 : memref<1x32768xf32, #tpu.memory_space<hbm>> -> memref<32768xf32, #tpu.memory_space<hbm>>
    %dma_wait3A_316 = arith.constant 0 : i32
    %dma_wait3A_317 = tpu.memref_slice %arg2[%add3A_149, %dma_wait3A_316] : memref<128x32768xf32, #tpu.memory_space<hbm>> -> memref<1x32768xf32, #tpu.memory_space<hbm>>
    %dma_wait3A_318 = tpu.memref_squeeze %dma_wait3A_317 : memref<1x32768xf32, #tpu.memory_space<hbm>> -> memref<32768xf32, #tpu.memory_space<hbm>>
    tpu.wait_dma2 semaphore(%arg7 : memref<!tpu.dma_semaphore, #tpu.memory_space<semaphore_mem>>) src(%dma_wait3A_318 : memref<32768xf32, #tpu.memory_space<hbm>>) dst(%arg4 : memref<32768xf32, #tpu.memory_space<vmem>>)
    %broadcast_in_dim3A_319 = arith.constant 0xFF800000 : f32
    %broadcast_in_dim3A_320 = vector.broadcast %broadcast_in_dim3A_319 : f32 to vector<16xf32>
    %parallel_loop3A_321 = arith.constant 0 : i32
    %parallel_loop3A_322 = arith.constant 2048 : i32
    %parallel_loop3A_323 = arith.constant 1 : i32
    %parallel_loop3A_324 = scf.for %parallel_loop3A_607 = %parallel_loop3A_321 to %parallel_loop3A_322 step %parallel_loop3A_323 iter_args(%parallel_loop3A_608 = %broadcast_in_dim3A_320) -> (vector<16xf32>)  : i32 {
      %parallel_loop3A_609 = arith.constant 16 : i32
      %parallel_loop3A_610 = arith.muli %parallel_loop3A_607, %parallel_loop3A_609 : i32
      %parallel_loop3A_611 = arith.index_cast %parallel_loop3A_610 : i32 to index
      %parallel_loop3A_612 = tpu.vector_load %arg4[%parallel_loop3A_611] {strides = array<i32>} : memref<32768xf32, #tpu.memory_space<vmem>>, vector<16xf32>,
      %parallel_loop3A_613 = arith.maximumf %parallel_loop3A_608, %parallel_loop3A_612 : vector<16xf32>
      scf.yield %parallel_loop3A_613 : vector<16xf32>
    } {sc.loop_unroll_factor = 16 : i64, sc.parallel_access}
    %xor3A_325 = arith.constant 8 : i32
    %xor3A_326 = vector.broadcast %xor3A_325 : i32 to vector<16xi32>
    %xor3A_327 = arith.xori %iota3A, %xor3A_326 : vector<16xi32>
    %lt3A_328 = arith.constant 0 : i32
    %lt3A_329 = vector.broadcast %lt3A_328 : i32 to vector<16xi32>
    %lt3A_330 = arith.cmpi slt, %xor3A_327, %lt3A_329 : vector<16xi32>
    %add3A_331 = arith.constant 16 : i32
    %add3A_332 = vector.broadcast %add3A_331 : i32 to vector<16xi32>
    %add3A_333 = arith.addi %xor3A_327, %add3A_332 : vector<16xi32>
    %select_n3A_334 = arith.select %lt3A_330, %add3A_333, %xor3A_327 : vector<16xi1>, vector<16xi32>
    %broadcast_in_dim3A_335 = vector.shape_cast %select_n3A_334 : vector<16xi32> to vector<16x1xi32>
    %gather3A_336 = vector.shape_cast %broadcast_in_dim3A_335 : vector<16x1xi32> to vector<16xi32>
    %gather3A_337 = tpu.dynamic_gather %parallel_loop3A_324[%gather3A_336] in [0] : vector<16xf32>, vector<16xi32> -> vector<16xf32>
    %max3A_338 = arith.maximumf %parallel_loop3A_324, %gather3A_337 : vector<16xf32>
    %xor3A_339 = arith.constant 4 : i32
    %xor3A_340 = vector.broadcast %xor3A_339 : i32 to vector<16xi32>
    %xor3A_341 = arith.xori %iota3A, %xor3A_340 : vector<16xi32>
    %lt3A_342 = arith.constant 0 : i32
    %lt3A_343 = vector.broadcast %lt3A_342 : i32 to vector<16xi32>
    %lt3A_344 = arith.cmpi slt, %xor3A_341, %lt3A_343 : vector<16xi32>
    %add3A_345 = arith.constant 16 : i32
    %add3A_346 = vector.broadcast %add3A_345 : i32 to vector<16xi32>
    %add3A_347 = arith.addi %xor3A_341, %add3A_346 : vector<16xi32>
    %select_n3A_348 = arith.select %lt3A_344, %add3A_347, %xor3A_341 : vector<16xi1>, vector<16xi32>
    %broadcast_in_dim3A_349 = vector.shape_cast %select_n3A_348 : vector<16xi32> to vector<16x1xi32>
    %gather3A_350 = vector.shape_cast %broadcast_in_dim3A_349 : vector<16x1xi32> to vector<16xi32>
    %gather3A_351 = tpu.dynamic_gather %max3A_338[%gather3A_350] in [0] : vector<16xf32>, vector<16xi32> -> vector<16xf32>
    %max3A_352 = arith.maximumf %max3A_338, %gather3A_351 : vector<16xf32>
    %xor3A_353 = arith.constant 2 : i32
    %xor3A_354 = vector.broadcast %xor3A_353 : i32 to vector<16xi32>
    %xor3A_355 = arith.xori %iota3A, %xor3A_354 : vector<16xi32>
    %lt3A_356 = arith.constant 0 : i32
    %lt3A_357 = vector.broadcast %lt3A_356 : i32 to vector<16xi32>
    %lt3A_358 = arith.cmpi slt, %xor3A_355, %lt3A_357 : vector<16xi32>
    %add3A_359 = arith.constant 16 : i32
    %add3A_360 = vector.broadcast %add3A_359 : i32 to vector<16xi32>
    %add3A_361 = arith.addi %xor3A_355, %add3A_360 : vector<16xi32>
    %select_n3A_362 = arith.select %lt3A_358, %add3A_361, %xor3A_355 : vector<16xi1>, vector<16xi32>
    %broadcast_in_dim3A_363 = vector.shape_cast %select_n3A_362 : vector<16xi32> to vector<16x1xi32>
    %gather3A_364 = vector.shape_cast %broadcast_in_dim3A_363 : vector<16x1xi32> to vector<16xi32>
    %gather3A_365 = tpu.dynamic_gather %max3A_352[%gather3A_364] in [0] : vector<16xf32>, vector<16xi32> -> vector<16xf32>
    %max3A_366 = arith.maximumf %max3A_352, %gather3A_365 : vector<16xf32>
    %xor3A_367 = arith.constant 1 : i32
    %xor3A_368 = vector.broadcast %xor3A_367 : i32 to vector<16xi32>
    %xor3A_369 = arith.xori %iota3A, %xor3A_368 : vector<16xi32>
    %lt3A_370 = arith.constant 0 : i32
    %lt3A_371 = vector.broadcast %lt3A_370 : i32 to vector<16xi32>
    %lt3A_372 = arith.cmpi slt, %xor3A_369, %lt3A_371 : vector<16xi32>
    %add3A_373 = arith.constant 16 : i32
    %add3A_374 = vector.broadcast %add3A_373 : i32 to vector<16xi32>
    %add3A_375 = arith.addi %xor3A_369, %add3A_374 : vector<16xi32>
    %select_n3A_376 = arith.select %lt3A_372, %add3A_375, %xor3A_369 : vector<16xi1>, vector<16xi32>
    %broadcast_in_dim3A_377 = vector.shape_cast %select_n3A_376 : vector<16xi32> to vector<16x1xi32>
    %gather3A_378 = vector.shape_cast %broadcast_in_dim3A_377 : vector<16x1xi32> to vector<16xi32>
    %gather3A_379 = tpu.dynamic_gather %max3A_366[%gather3A_378] in [0] : vector<16xf32>, vector<16xi32> -> vector<16xf32>
    %max3A_380 = arith.maximumf %max3A_366, %gather3A_379 : vector<16xf32>
    %sub3A_381 = arith.constant 2.000000e+00 : f32
    %sub3A_382 = vector.broadcast %sub3A_381 : f32 to vector<16xf32>
    %sub3A_383 = arith.subf %max3A_380, %sub3A_382 : vector<16xf32>
    %broadcast_in_dim3A_384 = arith.constant 0 : i32
    %broadcast_in_dim3A_385 = vector.broadcast %broadcast_in_dim3A_384 : i32 to vector<16xi32>
    %parallel_loop3A_386 = arith.constant 0 : i32
    %parallel_loop3A_387 = arith.constant 2048 : i32
    %parallel_loop3A_388 = arith.constant 1 : i32
    %parallel_loop3A_389 = scf.for %parallel_loop3A_607 = %parallel_loop3A_386 to %parallel_loop3A_387 step %parallel_loop3A_388 iter_args(%parallel_loop3A_608 = %broadcast_in_dim3A_385) -> (vector<16xi32>)  : i32 {
      %parallel_loop3A_609 = arith.constant 16 : i32
      %parallel_loop3A_610 = arith.muli %parallel_loop3A_607, %parallel_loop3A_609 : i32
      %parallel_loop3A_611 = arith.index_cast %parallel_loop3A_610 : i32 to index
      %parallel_loop3A_612 = tpu.vector_load %arg4[%parallel_loop3A_611] {strides = array<i32>} : memref<32768xf32, #tpu.memory_space<vmem>>, vector<16xf32>,
      %parallel_loop3A_613 = arith.cmpf ogt, %parallel_loop3A_612, %sub3A_383 : vector<16xf32>
      %parallel_loop3A_614 = arith.subf %parallel_loop3A_612, %max3A_380 : vector<16xf32>
      %parallel_loop3A_615 = arith.constant 5.000000e-01 : f32
      %parallel_loop3A_616 = vector.broadcast %parallel_loop3A_615 : f32 to vector<16xf32>
      %parallel_loop3A_617 = arith.mulf %parallel_loop3A_614, %parallel_loop3A_616 : vector<16xf32>
      %parallel_loop3A_618, %parallel_loop3A_619, %parallel_loop3A_620 = tpu.sort %parallel_loop3A_617, %parallel_loop3A_617 masked %parallel_loop3A_613 {descending = true} : (vector<16xf32>, vector<16xf32>, vector<16xi1>) -> (vector<16xi1>, vector<16xf32>, vector<16xf32>)
      %parallel_loop3A_621 = tpu.all_reduce %parallel_loop3A_613 {dim = 0 : i64, kind = #tpu.reduction_kind<sum>} : vector<16xi1> -> vector<16xi32>
      %parallel_loop3A_622 = arith.cmpi slt, %iota3A, %parallel_loop3A_621 : vector<16xi32>
      %parallel_loop3A_623 = arith.addi %parallel_loop3A_608, %iota3A : vector<16xi32>
      %parallel_loop3A_624 = arith.constant 32783 : i32
      %parallel_loop3A_625 = vector.broadcast %parallel_loop3A_624 : i32 to vector<16xi32>
      %parallel_loop3A_626 = arith.select %parallel_loop3A_622, %parallel_loop3A_623, %parallel_loop3A_625 : vector<16xi1>, vector<16xi32>
      tpu.vector_store_idx %arg6[%parallel_loop3A_626], %parallel_loop3A_619 : memref<32784xf32, #tpu.memory_space<vmem>>[vector<16xi32>], vector<16xf32>,
      %parallel_loop3A_627 = arith.addi %parallel_loop3A_608, %parallel_loop3A_621 : vector<16xi32>
      scf.yield %parallel_loop3A_627 : vector<16xi32>
    } {sc.loop_unroll_factor = 8 : i64, sc.parallel_access}
    %slice3A_390 = vector.extract_strided_slice %parallel_loop3A_389 {offsets = [0], sizes = [1], strides = [1]} : vector<16xi32> to vector<1xi32>
    %squeeze3A_391 = vector.extract %slice3A_390[0] : i32 from vector<1xi32>
    %broadcast_in_dim3A_392 = arith.constant -4.000000e+00 : f32
    %broadcast_in_dim3A_393 = vector.broadcast %broadcast_in_dim3A_392 : f32 to vector<16xf32>
    %swap3A_394 = arith.index_cast %squeeze3A_391 : i32 to index
    %swap3A_395 = tpu.vector_load %arg6[%swap3A_394] {strides = array<i32>} : memref<32784xf32, #tpu.memory_space<vmem>>, vector<16xf32>,
    tpu.vector_store %arg6[%swap3A_394], %broadcast_in_dim3A_393 {strides = array<i32>} : memref<32784xf32, #tpu.memory_space<vmem>>, vector<16xf32>,
    %add3A_396 = arith.constant 16 : i32
    %add3A_397 = arith.addi %squeeze3A_391, %add3A_396 : i32
    %sub3A_398 = arith.constant 1 : i32
    %sub3A_399 = arith.subi %add3A_397, %sub3A_398 : i32
    %jit3A_400 = arith.constant 16 : i32
    %div3A_401 = arith.divsi %sub3A_399, %jit3A_400 : i32
    %sign3A_402 = arith.constant 0 : i32
    %sign3A_403 = arith.cmpi sgt, %sub3A_399, %sign3A_402 : i32
    %sign3A_404 = arith.extui %sign3A_403 : i1 to i32
    %sign3A_405 = arith.constant 0 : i32
    %sign3A_406 = arith.cmpi slt, %sub3A_399, %sign3A_405 : i32
    %sign3A_407 = arith.extui %sign3A_406 : i1 to i32
    %sign3A_408 = arith.subi %sign3A_404, %sign3A_407 : i32
    %sign3A_409 = arith.constant 0 : i32
    %sign3A_410 = arith.cmpi sgt, %jit3A_400, %sign3A_409 : i32
    %sign3A_411 = arith.extui %sign3A_410 : i1 to i32
    %sign3A_412 = arith.constant 0 : i32
    %sign3A_413 = arith.cmpi slt, %jit3A_400, %sign3A_412 : i32
    %sign3A_414 = arith.extui %sign3A_413 : i1 to i32
    %sign3A_415 = arith.subi %sign3A_411, %sign3A_414 : i32
    %ne3A_416 = arith.cmpi ne, %sign3A_408, %sign3A_415 : i32
    %rem3A_417 = arith.remsi %sub3A_399, %jit3A_400 : i32
    %ne3A_418 = arith.constant 0 : i32
    %ne3A_419 = arith.cmpi ne, %rem3A_417, %ne3A_418 : i32
    %and3A_420 = arith.andi %ne3A_416, %ne3A_419 : i1
    %sub3A_421 = arith.constant 1 : i32
    %sub3A_422 = arith.subi %div3A_401, %sub3A_421 : i32
    %select_n3A_423 = arith.select %and3A_420, %sub3A_422, %div3A_401 : i32
    %broadcast_in_dim3A_424 = arith.constant -1.000000e+00 : f32
    %broadcast_in_dim3A_425 = vector.broadcast %broadcast_in_dim3A_424 : f32 to vector<16xf32>
    %broadcast_in_dim3A_426 = arith.constant 0.000000e+00 : f32
    %broadcast_in_dim3A_427 = vector.broadcast %broadcast_in_dim3A_426 : f32 to vector<16xf32>
    %scan3A_428 = arith.constant 0.333333343 : f32
    %scan3A_429 = arith.constant 0 : i32
    %scan3A_430 = arith.constant 18 : i32
    %scan3A_431 = arith.addi %scan3A_429, %scan3A_430 : i32
    %scan3A_432 = arith.constant 1 : i32
    %scan3A_433:2 = scf.for %scan3A_607 = %scan3A_429 to %scan3A_431 step %scan3A_432 iter_args(%scan3A_608 = %broadcast_in_dim3A_425, %scan3A_609 = %broadcast_in_dim3A_427) -> (vector<16xf32>, vector<16xf32>)  : i32 {
      %sub3A_610 = arith.subf %scan3A_609, %scan3A_608 : vector<16xf32>
      %mul3A_611 = vector.broadcast %scan3A_428 : f32 to vector<16xf32>
      %mul3A_612 = arith.mulf %sub3A_610, %mul3A_611 : vector<16xf32>
      %add3A_613 = arith.addf %scan3A_608, %mul3A_612 : vector<16xf32>
      %sub3A_614 = arith.subf %scan3A_609, %mul3A_612 : vector<16xf32>
      %broadcast_in_dim3A_615 = arith.constant 0.000000e+00 : f32
      %broadcast_in_dim3A_616 = vector.broadcast %broadcast_in_dim3A_615 : f32 to vector<16xf32>
      %broadcast_in_dim3A_617 = arith.constant 0.000000e+00 : f32
      %broadcast_in_dim3A_618 = vector.broadcast %broadcast_in_dim3A_617 : f32 to vector<16xf32>
      %parallel_loop3A_619 = arith.constant 0 : i32
      %parallel_loop3A_620 = arith.constant 1 : i32
      %parallel_loop3A_621:2 = scf.for %parallel_loop3A_743 = %parallel_loop3A_619 to %select_n3A_423 step %parallel_loop3A_620 iter_args(%parallel_loop3A_744 = %broadcast_in_dim3A_616, %parallel_loop3A_745 = %broadcast_in_dim3A_618) -> (vector<16xf32>, vector<16xf32>)  : i32 {
        %parallel_loop3A_746 = arith.constant 16 : i32
        %parallel_loop3A_747 = arith.muli %parallel_loop3A_743, %parallel_loop3A_746 : i32
        %parallel_loop3A_748 = arith.index_cast %parallel_loop3A_747 : i32 to index
        %parallel_loop3A_749 = tpu.vector_load %arg6[%parallel_loop3A_748] {strides = array<i32>} : memref<32784xf32, #tpu.memory_space<vmem>>, vector<16xf32>,
        %parallel_loop3A_750 = arith.subf %parallel_loop3A_749, %add3A_613 : vector<16xf32>
        %parallel_loop3A_751 = arith.constant 0.000000e+00 : f32
        %parallel_loop3A_752 = vector.broadcast %parallel_loop3A_751 : f32 to vector<16xf32>
        %parallel_loop3A_753 = arith.maximumf %parallel_loop3A_750, %parallel_loop3A_752 : vector<16xf32>
        %parallel_loop3A_754 = arith.subf %parallel_loop3A_749, %sub3A_614 : vector<16xf32>
        %parallel_loop3A_755 = arith.constant 0.000000e+00 : f32
        %parallel_loop3A_756 = vector.broadcast %parallel_loop3A_755 : f32 to vector<16xf32>
        %parallel_loop3A_757 = arith.maximumf %parallel_loop3A_754, %parallel_loop3A_756 : vector<16xf32>
        %parallel_loop3A_758 = arith.mulf %parallel_loop3A_753, %parallel_loop3A_753 : vector<16xf32>
        %parallel_loop3A_759 = arith.addf %parallel_loop3A_744, %parallel_loop3A_758 : vector<16xf32>
        %parallel_loop3A_760 = arith.mulf %parallel_loop3A_757, %parallel_loop3A_757 : vector<16xf32>
        %parallel_loop3A_761 = arith.addf %parallel_loop3A_745, %parallel_loop3A_760 : vector<16xf32>
        scf.yield %parallel_loop3A_759, %parallel_loop3A_761 : vector<16xf32>, vector<16xf32>
      } {sc.loop_unroll_factor = 8 : i64, sc.parallel_access}
      %xor3A_622 = arith.constant 8 : i32
      %xor3A_623 = vector.broadcast %xor3A_622 : i32 to vector<16xi32>
      %xor3A_624 = arith.xori %iota3A, %xor3A_623 : vector<16xi32>
      %lt3A_625 = arith.constant 0 : i32
      %lt3A_626 = vector.broadcast %lt3A_625 : i32 to vector<16xi32>
      %lt3A_627 = arith.cmpi slt, %xor3A_624, %lt3A_626 : vector<16xi32>
      %add3A_628 = arith.constant 16 : i32
      %add3A_629 = vector.broadcast %add3A_628 : i32 to vector<16xi32>
      %add3A_630 = arith.addi %xor3A_624, %add3A_629 : vector<16xi32>
      %select_n3A_631 = arith.select %lt3A_627, %add3A_630, %xor3A_624 : vector<16xi1>, vector<16xi32>
      %broadcast_in_dim3A_632 = vector.shape_cast %select_n3A_631 : vector<16xi32> to vector<16x1xi32>
      %gather3A_633 = vector.shape_cast %broadcast_in_dim3A_632 : vector<16x1xi32> to vector<16xi32>
      %gather3A_634 = tpu.dynamic_gather %parallel_loop3A_621#0[%gather3A_633] in [0] : vector<16xf32>, vector<16xi32> -> vector<16xf32>
      %add3A_635 = arith.addf %parallel_loop3A_621#0, %gather3A_634 : vector<16xf32>
      %xor3A_636 = arith.constant 4 : i32
      %xor3A_637 = vector.broadcast %xor3A_636 : i32 to vector<16xi32>
      %xor3A_638 = arith.xori %iota3A, %xor3A_637 : vector<16xi32>
      %lt3A_639 = arith.constant 0 : i32
      %lt3A_640 = vector.broadcast %lt3A_639 : i32 to vector<16xi32>
      %lt3A_641 = arith.cmpi slt, %xor3A_638, %lt3A_640 : vector<16xi32>
      %add3A_642 = arith.constant 16 : i32
      %add3A_643 = vector.broadcast %add3A_642 : i32 to vector<16xi32>
      %add3A_644 = arith.addi %xor3A_638, %add3A_643 : vector<16xi32>
      %select_n3A_645 = arith.select %lt3A_641, %add3A_644, %xor3A_638 : vector<16xi1>, vector<16xi32>
      %broadcast_in_dim3A_646 = vector.shape_cast %select_n3A_645 : vector<16xi32> to vector<16x1xi32>
      %gather3A_647 = vector.shape_cast %broadcast_in_dim3A_646 : vector<16x1xi32> to vector<16xi32>
      %gather3A_648 = tpu.dynamic_gather %add3A_635[%gather3A_647] in [0] : vector<16xf32>, vector<16xi32> -> vector<16xf32>
      %add3A_649 = arith.addf %add3A_635, %gather3A_648 : vector<16xf32>
      %xor3A_650 = arith.constant 2 : i32
      %xor3A_651 = vector.broadcast %xor3A_650 : i32 to vector<16xi32>
      %xor3A_652 = arith.xori %iota3A, %xor3A_651 : vector<16xi32>
      %lt3A_653 = arith.constant 0 : i32
      %lt3A_654 = vector.broadcast %lt3A_653 : i32 to vector<16xi32>
      %lt3A_655 = arith.cmpi slt, %xor3A_652, %lt3A_654 : vector<16xi32>
      %add3A_656 = arith.constant 16 : i32
      %add3A_657 = vector.broadcast %add3A_656 : i32 to vector<16xi32>
      %add3A_658 = arith.addi %xor3A_652, %add3A_657 : vector<16xi32>
      %select_n3A_659 = arith.select %lt3A_655, %add3A_658, %xor3A_652 : vector<16xi1>, vector<16xi32>
      %broadcast_in_dim3A_660 = vector.shape_cast %select_n3A_659 : vector<16xi32> to vector<16x1xi32>
      %gather3A_661 = vector.shape_cast %broadcast_in_dim3A_660 : vector<16x1xi32> to vector<16xi32>
      %gather3A_662 = tpu.dynamic_gather %add3A_649[%gather3A_661] in [0] : vector<16xf32>, vector<16xi32> -> vector<16xf32>
      %add3A_663 = arith.addf %add3A_649, %gather3A_662 : vector<16xf32>
      %xor3A_664 = arith.constant 1 : i32
      %xor3A_665 = vector.broadcast %xor3A_664 : i32 to vector<16xi32>
      %xor3A_666 = arith.xori %iota3A, %xor3A_665 : vector<16xi32>
      %lt3A_667 = arith.constant 0 : i32
      %lt3A_668 = vector.broadcast %lt3A_667 : i32 to vector<16xi32>
      %lt3A_669 = arith.cmpi slt, %xor3A_666, %lt3A_668 : vector<16xi32>
      %add3A_670 = arith.constant 16 : i32
      %add3A_671 = vector.broadcast %add3A_670 : i32 to vector<16xi32>
      %add3A_672 = arith.addi %xor3A_666, %add3A_671 : vector<16xi32>
      %select_n3A_673 = arith.select %lt3A_669, %add3A_672, %xor3A_666 : vector<16xi1>, vector<16xi32>
      %broadcast_in_dim3A_674 = vector.shape_cast %select_n3A_673 : vector<16xi32> to vector<16x1xi32>
      %gather3A_675 = vector.shape_cast %broadcast_in_dim3A_674 : vector<16x1xi32> to vector<16xi32>
      %gather3A_676 = tpu.dynamic_gather %add3A_663[%gather3A_675] in [0] : vector<16xf32>, vector<16xi32> -> vector<16xf32>
      %add3A_677 = arith.addf %add3A_663, %gather3A_676 : vector<16xf32>
      %ge3A = arith.constant 1.000000e+00 : f32
      %ge3A_678 = vector.broadcast %ge3A : f32 to vector<16xf32>
      %ge3A_679 = arith.cmpf oge, %add3A_677, %ge3A_678 : vector<16xf32>
      %xor3A_680 = arith.constant 8 : i32
      %xor3A_681 = vector.broadcast %xor3A_680 : i32 to vector<16xi32>
      %xor3A_682 = arith.xori %iota3A, %xor3A_681 : vector<16xi32>
      %lt3A_683 = arith.constant 0 : i32
      %lt3A_684 = vector.broadcast %lt3A_683 : i32 to vector<16xi32>
      %lt3A_685 = arith.cmpi slt, %xor3A_682, %lt3A_684 : vector<16xi32>
      %add3A_686 = arith.constant 16 : i32
      %add3A_687 = vector.broadcast %add3A_686 : i32 to vector<16xi32>
      %add3A_688 = arith.addi %xor3A_682, %add3A_687 : vector<16xi32>
      %select_n3A_689 = arith.select %lt3A_685, %add3A_688, %xor3A_682 : vector<16xi1>, vector<16xi32>
      %broadcast_in_dim3A_690 = vector.shape_cast %select_n3A_689 : vector<16xi32> to vector<16x1xi32>
      %gather3A_691 = vector.shape_cast %broadcast_in_dim3A_690 : vector<16x1xi32> to vector<16xi32>
      %gather3A_692 = tpu.dynamic_gather %parallel_loop3A_621#1[%gather3A_691] in [0] : vector<16xf32>, vector<16xi32> -> vector<16xf32>
      %add3A_693 = arith.addf %parallel_loop3A_621#1, %gather3A_692 : vector<16xf32>
      %xor3A_694 = arith.constant 4 : i32
      %xor3A_695 = vector.broadcast %xor3A_694 : i32 to vector<16xi32>
      %xor3A_696 = arith.xori %iota3A, %xor3A_695 : vector<16xi32>
      %lt3A_697 = arith.constant 0 : i32
      %lt3A_698 = vector.broadcast %lt3A_697 : i32 to vector<16xi32>
      %lt3A_699 = arith.cmpi slt, %xor3A_696, %lt3A_698 : vector<16xi32>
      %add3A_700 = arith.constant 16 : i32
      %add3A_701 = vector.broadcast %add3A_700 : i32 to vector<16xi32>
      %add3A_702 = arith.addi %xor3A_696, %add3A_701 : vector<16xi32>
      %select_n3A_703 = arith.select %lt3A_699, %add3A_702, %xor3A_696 : vector<16xi1>, vector<16xi32>
      %broadcast_in_dim3A_704 = vector.shape_cast %select_n3A_703 : vector<16xi32> to vector<16x1xi32>
      %gather3A_705 = vector.shape_cast %broadcast_in_dim3A_704 : vector<16x1xi32> to vector<16xi32>
      %gather3A_706 = tpu.dynamic_gather %add3A_693[%gather3A_705] in [0] : vector<16xf32>, vector<16xi32> -> vector<16xf32>
      %add3A_707 = arith.addf %add3A_693, %gather3A_706 : vector<16xf32>
      %xor3A_708 = arith.constant 2 : i32
      %xor3A_709 = vector.broadcast %xor3A_708 : i32 to vector<16xi32>
      %xor3A_710 = arith.xori %iota3A, %xor3A_709 : vector<16xi32>
      %lt3A_711 = arith.constant 0 : i32
      %lt3A_712 = vector.broadcast %lt3A_711 : i32 to vector<16xi32>
      %lt3A_713 = arith.cmpi slt, %xor3A_710, %lt3A_712 : vector<16xi32>
      %add3A_714 = arith.constant 16 : i32
      %add3A_715 = vector.broadcast %add3A_714 : i32 to vector<16xi32>
      %add3A_716 = arith.addi %xor3A_710, %add3A_715 : vector<16xi32>
      %select_n3A_717 = arith.select %lt3A_713, %add3A_716, %xor3A_710 : vector<16xi1>, vector<16xi32>
      %broadcast_in_dim3A_718 = vector.shape_cast %select_n3A_717 : vector<16xi32> to vector<16x1xi32>
      %gather3A_719 = vector.shape_cast %broadcast_in_dim3A_718 : vector<16x1xi32> to vector<16xi32>
      %gather3A_720 = tpu.dynamic_gather %add3A_707[%gather3A_719] in [0] : vector<16xf32>, vector<16xi32> -> vector<16xf32>
      %add3A_721 = arith.addf %add3A_707, %gather3A_720 : vector<16xf32>
      %xor3A_722 = arith.constant 1 : i32
      %xor3A_723 = vector.broadcast %xor3A_722 : i32 to vector<16xi32>
      %xor3A_724 = arith.xori %iota3A, %xor3A_723 : vector<16xi32>
      %lt3A_725 = arith.constant 0 : i32
      %lt3A_726 = vector.broadcast %lt3A_725 : i32 to vector<16xi32>
      %lt3A_727 = arith.cmpi slt, %xor3A_724, %lt3A_726 : vector<16xi32>
      %add3A_728 = arith.constant 16 : i32
      %add3A_729 = vector.broadcast %add3A_728 : i32 to vector<16xi32>
      %add3A_730 = arith.addi %xor3A_724, %add3A_729 : vector<16xi32>
      %select_n3A_731 = arith.select %lt3A_727, %add3A_730, %xor3A_724 : vector<16xi1>, vector<16xi32>
      %broadcast_in_dim3A_732 = vector.shape_cast %select_n3A_731 : vector<16xi32> to vector<16x1xi32>
      %gather3A_733 = vector.shape_cast %broadcast_in_dim3A_732 : vector<16x1xi32> to vector<16xi32>
      %gather3A_734 = tpu.dynamic_gather %add3A_721[%gather3A_733] in [0] : vector<16xf32>, vector<16xi32> -> vector<16xf32>
      %add3A_735 = arith.addf %add3A_721, %gather3A_734 : vector<16xf32>
      %ge3A_736 = arith.constant 1.000000e+00 : f32
      %ge3A_737 = vector.broadcast %ge3A_736 : f32 to vector<16xf32>
      %ge3A_738 = arith.cmpf oge, %add3A_735, %ge3A_737 : vector<16xf32>
      %select_n3A_739 = arith.select %ge3A_679, %add3A_613, %scan3A_608 : vector<16xi1>, vector<16xf32>
      %select_n3A_740 = arith.select %ge3A_738, %sub3A_614, %select_n3A_739 : vector<16xi1>, vector<16xf32>
      %select_n3A_741 = arith.select %ge3A_738, %scan3A_609, %sub3A_614 : vector<16xi1>, vector<16xf32>
      %select_n3A_742 = arith.select %ge3A_679, %select_n3A_741, %add3A_613 : vector<16xi1>, vector<16xf32>
      scf.yield %select_n3A_740, %select_n3A_742 : vector<16xf32>, vector<16xf32>
    }
    %scan3A_434 = arith.constant 18 : i32
    %add3A_435 = arith.addf %scan3A_433#0, %scan3A_433#1 : vector<16xf32>
    %mul3A_436 = arith.constant 5.000000e-01 : f32
    %mul3A_437 = vector.broadcast %mul3A_436 : f32 to vector<16xf32>
    %mul3A_438 = arith.mulf %mul3A_437, %add3A_435 : vector<16xf32>
    %mul3A_439 = arith.constant 2.000000e+00 : f32
    %mul3A_440 = vector.broadcast %mul3A_439 : f32 to vector<16xf32>
    %mul3A_441 = arith.mulf %mul3A_440, %mul3A_438 : vector<16xf32>
    %add3A_442 = arith.addf %max3A_380, %mul3A_441 : vector<16xf32>
    %parallel_loop3A_443 = arith.constant 0 : i32
    %parallel_loop3A_444 = arith.constant 2048 : i32
    %parallel_loop3A_445 = arith.constant 1 : i32
    scf.for %parallel_loop3A_607 = %parallel_loop3A_443 to %parallel_loop3A_444 step %parallel_loop3A_445  : i32 {
      %parallel_loop3A_608 = arith.constant 16 : i32
      %parallel_loop3A_609 = arith.muli %parallel_loop3A_607, %parallel_loop3A_608 : i32
      %parallel_loop3A_610 = arith.index_cast %parallel_loop3A_609 : i32 to index
      %parallel_loop3A_611 = tpu.vector_load %arg4[%parallel_loop3A_610] {strides = array<i32>} : memref<32768xf32, #tpu.memory_space<vmem>>, vector<16xf32>,
      %parallel_loop3A_612 = arith.subf %parallel_loop3A_611, %add3A_442 : vector<16xf32>
      %parallel_loop3A_613 = arith.constant 5.000000e-01 : f32
      %parallel_loop3A_614 = vector.broadcast %parallel_loop3A_613 : f32 to vector<16xf32>
      %parallel_loop3A_615 = arith.mulf %parallel_loop3A_612, %parallel_loop3A_614 : vector<16xf32>
      %parallel_loop3A_616 = arith.constant 0.000000e+00 : f32
      %parallel_loop3A_617 = vector.broadcast %parallel_loop3A_616 : f32 to vector<16xf32>
      %parallel_loop3A_618 = arith.maximumf %parallel_loop3A_615, %parallel_loop3A_617 : vector<16xf32>
      %parallel_loop3A_619 = arith.mulf %parallel_loop3A_618, %parallel_loop3A_618 : vector<16xf32>
      %parallel_loop3A_620 = arith.constant 16 : i32
      %parallel_loop3A_621 = arith.muli %parallel_loop3A_607, %parallel_loop3A_620 : i32
      %parallel_loop3A_622 = arith.index_cast %parallel_loop3A_621 : i32 to index
      %parallel_loop3A_623 = tpu.vector_load %arg4[%parallel_loop3A_622] {strides = array<i32>} : memref<32768xf32, #tpu.memory_space<vmem>>, vector<16xf32>,
      tpu.vector_store %arg4[%parallel_loop3A_622], %parallel_loop3A_619 {strides = array<i32>} : memref<32768xf32, #tpu.memory_space<vmem>>, vector<16xf32>,
    } {sc.loop_unroll_factor = 16 : i64, sc.parallel_access}
    %add3A_446 = arith.constant 2 : i32
    %add3A_447 = arith.addi %mul3A_2, %add3A_446 : i32
    %dma_start3A_448 = arith.constant 0 : i32
    %dma_start3A_449 = tpu.memref_slice %arg3[%add3A_447, %dma_start3A_448] : memref<128x32768xf32, #tpu.memory_space<hbm>> -> memref<1x32768xf32, #tpu.memory_space<hbm>>
    %dma_start3A_450 = tpu.memref_squeeze %dma_start3A_449 : memref<1x32768xf32, #tpu.memory_space<hbm>> -> memref<32768xf32, #tpu.memory_space<hbm>>
    %dma_start3A_451 = arith.constant 0 : i32
    %dma_start3A_452 = tpu.memref_slice %arg3[%add3A_447, %dma_start3A_451] : memref<128x32768xf32, #tpu.memory_space<hbm>> -> memref<1x32768xf32, #tpu.memory_space<hbm>>
    %dma_start3A_453 = tpu.memref_squeeze %dma_start3A_452 : memref<1x32768xf32, #tpu.memory_space<hbm>> -> memref<32768xf32, #tpu.memory_space<hbm>>
    tpu.enqueue_dma source(%arg4 : memref<32768xf32, #tpu.memory_space<vmem>>) target(%dma_start3A_453 : memref<32768xf32, #tpu.memory_space<hbm>>) target_semaphore(%arg9 : memref<!tpu.dma_semaphore, #tpu.memory_space<semaphore_mem>>)
    %dma_wait3A_454 = arith.constant 0 : i32
    %dma_wait3A_455 = tpu.memref_slice %arg2[%add3A_306, %dma_wait3A_454] : memref<128x32768xf32, #tpu.memory_space<hbm>> -> memref<1x32768xf32, #tpu.memory_space<hbm>>
    %dma_wait3A_456 = tpu.memref_squeeze %dma_wait3A_455 : memref<1x32768xf32, #tpu.memory_space<hbm>> -> memref<32768xf32, #tpu.memory_space<hbm>>
    %dma_wait3A_457 = arith.constant 0 : i32
    %dma_wait3A_458 = tpu.memref_slice %arg2[%add3A_306, %dma_wait3A_457] : memref<128x32768xf32, #tpu.memory_space<hbm>> -> memref<1x32768xf32, #tpu.memory_space<hbm>>
    %dma_wait3A_459 = tpu.memref_squeeze %dma_wait3A_458 : memref<1x32768xf32, #tpu.memory_space<hbm>> -> memref<32768xf32, #tpu.memory_space<hbm>>
    tpu.wait_dma2 semaphore(%arg8 : memref<!tpu.dma_semaphore, #tpu.memory_space<semaphore_mem>>) src(%dma_wait3A_459 : memref<32768xf32, #tpu.memory_space<hbm>>) dst(%arg5 : memref<32768xf32, #tpu.memory_space<vmem>>)
    %broadcast_in_dim3A_460 = arith.constant 0xFF800000 : f32
    %broadcast_in_dim3A_461 = vector.broadcast %broadcast_in_dim3A_460 : f32 to vector<16xf32>
    %parallel_loop3A_462 = arith.constant 0 : i32
    %parallel_loop3A_463 = arith.constant 2048 : i32
    %parallel_loop3A_464 = arith.constant 1 : i32
    %parallel_loop3A_465 = scf.for %parallel_loop3A_607 = %parallel_loop3A_462 to %parallel_loop3A_463 step %parallel_loop3A_464 iter_args(%parallel_loop3A_608 = %broadcast_in_dim3A_461) -> (vector<16xf32>)  : i32 {
      %parallel_loop3A_609 = arith.constant 16 : i32
      %parallel_loop3A_610 = arith.muli %parallel_loop3A_607, %parallel_loop3A_609 : i32
      %parallel_loop3A_611 = arith.index_cast %parallel_loop3A_610 : i32 to index
      %parallel_loop3A_612 = tpu.vector_load %arg5[%parallel_loop3A_611] {strides = array<i32>} : memref<32768xf32, #tpu.memory_space<vmem>>, vector<16xf32>,
      %parallel_loop3A_613 = arith.maximumf %parallel_loop3A_608, %parallel_loop3A_612 : vector<16xf32>
      scf.yield %parallel_loop3A_613 : vector<16xf32>
    } {sc.loop_unroll_factor = 16 : i64, sc.parallel_access}
    %xor3A_466 = arith.constant 8 : i32
    %xor3A_467 = vector.broadcast %xor3A_466 : i32 to vector<16xi32>
    %xor3A_468 = arith.xori %iota3A, %xor3A_467 : vector<16xi32>
    %lt3A_469 = arith.constant 0 : i32
    %lt3A_470 = vector.broadcast %lt3A_469 : i32 to vector<16xi32>
    %lt3A_471 = arith.cmpi slt, %xor3A_468, %lt3A_470 : vector<16xi32>
    %add3A_472 = arith.constant 16 : i32
    %add3A_473 = vector.broadcast %add3A_472 : i32 to vector<16xi32>
    %add3A_474 = arith.addi %xor3A_468, %add3A_473 : vector<16xi32>
    %select_n3A_475 = arith.select %lt3A_471, %add3A_474, %xor3A_468 : vector<16xi1>, vector<16xi32>
    %broadcast_in_dim3A_476 = vector.shape_cast %select_n3A_475 : vector<16xi32> to vector<16x1xi32>
    %gather3A_477 = vector.shape_cast %broadcast_in_dim3A_476 : vector<16x1xi32> to vector<16xi32>
    %gather3A_478 = tpu.dynamic_gather %parallel_loop3A_465[%gather3A_477] in [0] : vector<16xf32>, vector<16xi32> -> vector<16xf32>
    %max3A_479 = arith.maximumf %parallel_loop3A_465, %gather3A_478 : vector<16xf32>
    %xor3A_480 = arith.constant 4 : i32
    %xor3A_481 = vector.broadcast %xor3A_480 : i32 to vector<16xi32>
    %xor3A_482 = arith.xori %iota3A, %xor3A_481 : vector<16xi32>
    %lt3A_483 = arith.constant 0 : i32
    %lt3A_484 = vector.broadcast %lt3A_483 : i32 to vector<16xi32>
    %lt3A_485 = arith.cmpi slt, %xor3A_482, %lt3A_484 : vector<16xi32>
    %add3A_486 = arith.constant 16 : i32
    %add3A_487 = vector.broadcast %add3A_486 : i32 to vector<16xi32>
    %add3A_488 = arith.addi %xor3A_482, %add3A_487 : vector<16xi32>
    %select_n3A_489 = arith.select %lt3A_485, %add3A_488, %xor3A_482 : vector<16xi1>, vector<16xi32>
    %broadcast_in_dim3A_490 = vector.shape_cast %select_n3A_489 : vector<16xi32> to vector<16x1xi32>
    %gather3A_491 = vector.shape_cast %broadcast_in_dim3A_490 : vector<16x1xi32> to vector<16xi32>
    %gather3A_492 = tpu.dynamic_gather %max3A_479[%gather3A_491] in [0] : vector<16xf32>, vector<16xi32> -> vector<16xf32>
    %max3A_493 = arith.maximumf %max3A_479, %gather3A_492 : vector<16xf32>
    %xor3A_494 = arith.constant 2 : i32
    %xor3A_495 = vector.broadcast %xor3A_494 : i32 to vector<16xi32>
    %xor3A_496 = arith.xori %iota3A, %xor3A_495 : vector<16xi32>
    %lt3A_497 = arith.constant 0 : i32
    %lt3A_498 = vector.broadcast %lt3A_497 : i32 to vector<16xi32>
    %lt3A_499 = arith.cmpi slt, %xor3A_496, %lt3A_498 : vector<16xi32>
    %add3A_500 = arith.constant 16 : i32
    %add3A_501 = vector.broadcast %add3A_500 : i32 to vector<16xi32>
    %add3A_502 = arith.addi %xor3A_496, %add3A_501 : vector<16xi32>
    %select_n3A_503 = arith.select %lt3A_499, %add3A_502, %xor3A_496 : vector<16xi1>, vector<16xi32>
    %broadcast_in_dim3A_504 = vector.shape_cast %select_n3A_503 : vector<16xi32> to vector<16x1xi32>
    %gather3A_505 = vector.shape_cast %broadcast_in_dim3A_504 : vector<16x1xi32> to vector<16xi32>
    %gather3A_506 = tpu.dynamic_gather %max3A_493[%gather3A_505] in [0] : vector<16xf32>, vector<16xi32> -> vector<16xf32>
    %max3A_507 = arith.maximumf %max3A_493, %gather3A_506 : vector<16xf32>
    %xor3A_508 = arith.constant 1 : i32
    %xor3A_509 = vector.broadcast %xor3A_508 : i32 to vector<16xi32>
    %xor3A_510 = arith.xori %iota3A, %xor3A_509 : vector<16xi32>
    %lt3A_511 = arith.constant 0 : i32
    %lt3A_512 = vector.broadcast %lt3A_511 : i32 to vector<16xi32>
    %lt3A_513 = arith.cmpi slt, %xor3A_510, %lt3A_512 : vector<16xi32>
    %add3A_514 = arith.constant 16 : i32
    %add3A_515 = vector.broadcast %add3A_514 : i32 to vector<16xi32>
    %add3A_516 = arith.addi %xor3A_510, %add3A_515 : vector<16xi32>
    %select_n3A_517 = arith.select %lt3A_513, %add3A_516, %xor3A_510 : vector<16xi1>, vector<16xi32>
    %broadcast_in_dim3A_518 = vector.shape_cast %select_n3A_517 : vector<16xi32> to vector<16x1xi32>
    %gather3A_519 = vector.shape_cast %broadcast_in_dim3A_518 : vector<16x1xi32> to vector<16xi32>
    %gather3A_520 = tpu.dynamic_gather %max3A_507[%gather3A_519] in [0] : vector<16xf32>, vector<16xi32> -> vector<16xf32>
    %max3A_521 = arith.maximumf %max3A_507, %gather3A_520 : vector<16xf32>
    %sub3A_522 = arith.constant 2.000000e+00 : f32
    %sub3A_523 = vector.broadcast %sub3A_522 : f32 to vector<16xf32>
    %sub3A_524 = arith.subf %max3A_521, %sub3A_523 : vector<16xf32>
    %broadcast_in_dim3A_525 = arith.constant 0 : i32
    %broadcast_in_dim3A_526 = vector.broadcast %broadcast_in_dim3A_525 : i32 to vector<16xi32>
    %parallel_loop3A_527 = arith.constant 0 : i32
    %parallel_loop3A_528 = arith.constant 2048 : i32
    %parallel_loop3A_529 = arith.constant 1 : i32
    %parallel_loop3A_530 = scf.for %parallel_loop3A_607 = %parallel_loop3A_527 to %parallel_loop3A_528 step %parallel_loop3A_529 iter_args(%parallel_loop3A_608 = %broadcast_in_dim3A_526) -> (vector<16xi32>)  : i32 {
      %parallel_loop3A_609 = arith.constant 16 : i32
      %parallel_loop3A_610 = arith.muli %parallel_loop3A_607, %parallel_loop3A_609 : i32
      %parallel_loop3A_611 = arith.index_cast %parallel_loop3A_610 : i32 to index
      %parallel_loop3A_612 = tpu.vector_load %arg5[%parallel_loop3A_611] {strides = array<i32>} : memref<32768xf32, #tpu.memory_space<vmem>>, vector<16xf32>,
      %parallel_loop3A_613 = arith.cmpf ogt, %parallel_loop3A_612, %sub3A_524 : vector<16xf32>
      %parallel_loop3A_614 = arith.subf %parallel_loop3A_612, %max3A_521 : vector<16xf32>
      %parallel_loop3A_615 = arith.constant 5.000000e-01 : f32
      %parallel_loop3A_616 = vector.broadcast %parallel_loop3A_615 : f32 to vector<16xf32>
      %parallel_loop3A_617 = arith.mulf %parallel_loop3A_614, %parallel_loop3A_616 : vector<16xf32>
      %parallel_loop3A_618, %parallel_loop3A_619, %parallel_loop3A_620 = tpu.sort %parallel_loop3A_617, %parallel_loop3A_617 masked %parallel_loop3A_613 {descending = true} : (vector<16xf32>, vector<16xf32>, vector<16xi1>) -> (vector<16xi1>, vector<16xf32>, vector<16xf32>)
      %parallel_loop3A_621 = tpu.all_reduce %parallel_loop3A_613 {dim = 0 : i64, kind = #tpu.reduction_kind<sum>} : vector<16xi1> -> vector<16xi32>
      %parallel_loop3A_622 = arith.cmpi slt, %iota3A, %parallel_loop3A_621 : vector<16xi32>
      %parallel_loop3A_623 = arith.addi %parallel_loop3A_608, %iota3A : vector<16xi32>
      %parallel_loop3A_624 = arith.constant 32783 : i32
      %parallel_loop3A_625 = vector.broadcast %parallel_loop3A_624 : i32 to vector<16xi32>
      %parallel_loop3A_626 = arith.select %parallel_loop3A_622, %parallel_loop3A_623, %parallel_loop3A_625 : vector<16xi1>, vector<16xi32>
      tpu.vector_store_idx %arg6[%parallel_loop3A_626], %parallel_loop3A_619 : memref<32784xf32, #tpu.memory_space<vmem>>[vector<16xi32>], vector<16xf32>,
      %parallel_loop3A_627 = arith.addi %parallel_loop3A_608, %parallel_loop3A_621 : vector<16xi32>
      scf.yield %parallel_loop3A_627 : vector<16xi32>
    } {sc.loop_unroll_factor = 8 : i64, sc.parallel_access}
    %slice3A_531 = vector.extract_strided_slice %parallel_loop3A_530 {offsets = [0], sizes = [1], strides = [1]} : vector<16xi32> to vector<1xi32>
    %squeeze3A_532 = vector.extract %slice3A_531[0] : i32 from vector<1xi32>
    %broadcast_in_dim3A_533 = arith.constant -4.000000e+00 : f32
    %broadcast_in_dim3A_534 = vector.broadcast %broadcast_in_dim3A_533 : f32 to vector<16xf32>
    %swap3A_535 = arith.index_cast %squeeze3A_532 : i32 to index
    %swap3A_536 = tpu.vector_load %arg6[%swap3A_535] {strides = array<i32>} : memref<32784xf32, #tpu.memory_space<vmem>>, vector<16xf32>,
    tpu.vector_store %arg6[%swap3A_535], %broadcast_in_dim3A_534 {strides = array<i32>} : memref<32784xf32, #tpu.memory_space<vmem>>, vector<16xf32>,
    %add3A_537 = arith.constant 16 : i32
    %add3A_538 = arith.addi %squeeze3A_532, %add3A_537 : i32
    %sub3A_539 = arith.constant 1 : i32
    %sub3A_540 = arith.subi %add3A_538, %sub3A_539 : i32
    %jit3A_541 = arith.constant 16 : i32
    %div3A_542 = arith.divsi %sub3A_540, %jit3A_541 : i32
    %sign3A_543 = arith.constant 0 : i32
    %sign3A_544 = arith.cmpi sgt, %sub3A_540, %sign3A_543 : i32
    %sign3A_545 = arith.extui %sign3A_544 : i1 to i32
    %sign3A_546 = arith.constant 0 : i32
    %sign3A_547 = arith.cmpi slt, %sub3A_540, %sign3A_546 : i32
    %sign3A_548 = arith.extui %sign3A_547 : i1 to i32
    %sign3A_549 = arith.subi %sign3A_545, %sign3A_548 : i32
    %sign3A_550 = arith.constant 0 : i32
    %sign3A_551 = arith.cmpi sgt, %jit3A_541, %sign3A_550 : i32
    %sign3A_552 = arith.extui %sign3A_551 : i1 to i32
    %sign3A_553 = arith.constant 0 : i32
    %sign3A_554 = arith.cmpi slt, %jit3A_541, %sign3A_553 : i32
    %sign3A_555 = arith.extui %sign3A_554 : i1 to i32
    %sign3A_556 = arith.subi %sign3A_552, %sign3A_555 : i32
    %ne3A_557 = arith.cmpi ne, %sign3A_549, %sign3A_556 : i32
    %rem3A_558 = arith.remsi %sub3A_540, %jit3A_541 : i32
    %ne3A_559 = arith.constant 0 : i32
    %ne3A_560 = arith.cmpi ne, %rem3A_558, %ne3A_559 : i32
    %and3A_561 = arith.andi %ne3A_557, %ne3A_560 : i1
    %sub3A_562 = arith.constant 1 : i32
    %sub3A_563 = arith.subi %div3A_542, %sub3A_562 : i32
    %select_n3A_564 = arith.select %and3A_561, %sub3A_563, %div3A_542 : i32
    %broadcast_in_dim3A_565 = arith.constant -1.000000e+00 : f32
    %broadcast_in_dim3A_566 = vector.broadcast %broadcast_in_dim3A_565 : f32 to vector<16xf32>
    %broadcast_in_dim3A_567 = arith.constant 0.000000e+00 : f32
    %broadcast_in_dim3A_568 = vector.broadcast %broadcast_in_dim3A_567 : f32 to vector<16xf32>
    %scan3A_569 = arith.constant 0.333333343 : f32
    %scan3A_570 = arith.constant 0 : i32
    %scan3A_571 = arith.constant 18 : i32
    %scan3A_572 = arith.addi %scan3A_570, %scan3A_571 : i32
    %scan3A_573 = arith.constant 1 : i32
    %scan3A_574:2 = scf.for %scan3A_607 = %scan3A_570 to %scan3A_572 step %scan3A_573 iter_args(%scan3A_608 = %broadcast_in_dim3A_566, %scan3A_609 = %broadcast_in_dim3A_568) -> (vector<16xf32>, vector<16xf32>)  : i32 {
      %sub3A_610 = arith.subf %scan3A_609, %scan3A_608 : vector<16xf32>
      %mul3A_611 = vector.broadcast %scan3A_569 : f32 to vector<16xf32>
      %mul3A_612 = arith.mulf %sub3A_610, %mul3A_611 : vector<16xf32>
      %add3A_613 = arith.addf %scan3A_608, %mul3A_612 : vector<16xf32>
      %sub3A_614 = arith.subf %scan3A_609, %mul3A_612 : vector<16xf32>
      %broadcast_in_dim3A_615 = arith.constant 0.000000e+00 : f32
      %broadcast_in_dim3A_616 = vector.broadcast %broadcast_in_dim3A_615 : f32 to vector<16xf32>
      %broadcast_in_dim3A_617 = arith.constant 0.000000e+00 : f32
      %broadcast_in_dim3A_618 = vector.broadcast %broadcast_in_dim3A_617 : f32 to vector<16xf32>
      %parallel_loop3A_619 = arith.constant 0 : i32
      %parallel_loop3A_620 = arith.constant 1 : i32
      %parallel_loop3A_621:2 = scf.for %parallel_loop3A_743 = %parallel_loop3A_619 to %select_n3A_564 step %parallel_loop3A_620 iter_args(%parallel_loop3A_744 = %broadcast_in_dim3A_616, %parallel_loop3A_745 = %broadcast_in_dim3A_618) -> (vector<16xf32>, vector<16xf32>)  : i32 {
        %parallel_loop3A_746 = arith.constant 16 : i32
        %parallel_loop3A_747 = arith.muli %parallel_loop3A_743, %parallel_loop3A_746 : i32
        %parallel_loop3A_748 = arith.index_cast %parallel_loop3A_747 : i32 to index
        %parallel_loop3A_749 = tpu.vector_load %arg6[%parallel_loop3A_748] {strides = array<i32>} : memref<32784xf32, #tpu.memory_space<vmem>>, vector<16xf32>,
        %parallel_loop3A_750 = arith.subf %parallel_loop3A_749, %add3A_613 : vector<16xf32>
        %parallel_loop3A_751 = arith.constant 0.000000e+00 : f32
        %parallel_loop3A_752 = vector.broadcast %parallel_loop3A_751 : f32 to vector<16xf32>
        %parallel_loop3A_753 = arith.maximumf %parallel_loop3A_750, %parallel_loop3A_752 : vector<16xf32>
        %parallel_loop3A_754 = arith.subf %parallel_loop3A_749, %sub3A_614 : vector<16xf32>
        %parallel_loop3A_755 = arith.constant 0.000000e+00 : f32
        %parallel_loop3A_756 = vector.broadcast %parallel_loop3A_755 : f32 to vector<16xf32>
        %parallel_loop3A_757 = arith.maximumf %parallel_loop3A_754, %parallel_loop3A_756 : vector<16xf32>
        %parallel_loop3A_758 = arith.mulf %parallel_loop3A_753, %parallel_loop3A_753 : vector<16xf32>
        %parallel_loop3A_759 = arith.addf %parallel_loop3A_744, %parallel_loop3A_758 : vector<16xf32>
        %parallel_loop3A_760 = arith.mulf %parallel_loop3A_757, %parallel_loop3A_757 : vector<16xf32>
        %parallel_loop3A_761 = arith.addf %parallel_loop3A_745, %parallel_loop3A_760 : vector<16xf32>
        scf.yield %parallel_loop3A_759, %parallel_loop3A_761 : vector<16xf32>, vector<16xf32>
      } {sc.loop_unroll_factor = 8 : i64, sc.parallel_access}
      %xor3A_622 = arith.constant 8 : i32
      %xor3A_623 = vector.broadcast %xor3A_622 : i32 to vector<16xi32>
      %xor3A_624 = arith.xori %iota3A, %xor3A_623 : vector<16xi32>
      %lt3A_625 = arith.constant 0 : i32
      %lt3A_626 = vector.broadcast %lt3A_625 : i32 to vector<16xi32>
      %lt3A_627 = arith.cmpi slt, %xor3A_624, %lt3A_626 : vector<16xi32>
      %add3A_628 = arith.constant 16 : i32
      %add3A_629 = vector.broadcast %add3A_628 : i32 to vector<16xi32>
      %add3A_630 = arith.addi %xor3A_624, %add3A_629 : vector<16xi32>
      %select_n3A_631 = arith.select %lt3A_627, %add3A_630, %xor3A_624 : vector<16xi1>, vector<16xi32>
      %broadcast_in_dim3A_632 = vector.shape_cast %select_n3A_631 : vector<16xi32> to vector<16x1xi32>
      %gather3A_633 = vector.shape_cast %broadcast_in_dim3A_632 : vector<16x1xi32> to vector<16xi32>
      %gather3A_634 = tpu.dynamic_gather %parallel_loop3A_621#0[%gather3A_633] in [0] : vector<16xf32>, vector<16xi32> -> vector<16xf32>
      %add3A_635 = arith.addf %parallel_loop3A_621#0, %gather3A_634 : vector<16xf32>
      %xor3A_636 = arith.constant 4 : i32
      %xor3A_637 = vector.broadcast %xor3A_636 : i32 to vector<16xi32>
      %xor3A_638 = arith.xori %iota3A, %xor3A_637 : vector<16xi32>
      %lt3A_639 = arith.constant 0 : i32
      %lt3A_640 = vector.broadcast %lt3A_639 : i32 to vector<16xi32>
      %lt3A_641 = arith.cmpi slt, %xor3A_638, %lt3A_640 : vector<16xi32>
      %add3A_642 = arith.constant 16 : i32
      %add3A_643 = vector.broadcast %add3A_642 : i32 to vector<16xi32>
      %add3A_644 = arith.addi %xor3A_638, %add3A_643 : vector<16xi32>
      %select_n3A_645 = arith.select %lt3A_641, %add3A_644, %xor3A_638 : vector<16xi1>, vector<16xi32>
      %broadcast_in_dim3A_646 = vector.shape_cast %select_n3A_645 : vector<16xi32> to vector<16x1xi32>
      %gather3A_647 = vector.shape_cast %broadcast_in_dim3A_646 : vector<16x1xi32> to vector<16xi32>
      %gather3A_648 = tpu.dynamic_gather %add3A_635[%gather3A_647] in [0] : vector<16xf32>, vector<16xi32> -> vector<16xf32>
      %add3A_649 = arith.addf %add3A_635, %gather3A_648 : vector<16xf32>
      %xor3A_650 = arith.constant 2 : i32
      %xor3A_651 = vector.broadcast %xor3A_650 : i32 to vector<16xi32>
      %xor3A_652 = arith.xori %iota3A, %xor3A_651 : vector<16xi32>
      %lt3A_653 = arith.constant 0 : i32
      %lt3A_654 = vector.broadcast %lt3A_653 : i32 to vector<16xi32>
      %lt3A_655 = arith.cmpi slt, %xor3A_652, %lt3A_654 : vector<16xi32>
      %add3A_656 = arith.constant 16 : i32
      %add3A_657 = vector.broadcast %add3A_656 : i32 to vector<16xi32>
      %add3A_658 = arith.addi %xor3A_652, %add3A_657 : vector<16xi32>
      %select_n3A_659 = arith.select %lt3A_655, %add3A_658, %xor3A_652 : vector<16xi1>, vector<16xi32>
      %broadcast_in_dim3A_660 = vector.shape_cast %select_n3A_659 : vector<16xi32> to vector<16x1xi32>
      %gather3A_661 = vector.shape_cast %broadcast_in_dim3A_660 : vector<16x1xi32> to vector<16xi32>
      %gather3A_662 = tpu.dynamic_gather %add3A_649[%gather3A_661] in [0] : vector<16xf32>, vector<16xi32> -> vector<16xf32>
      %add3A_663 = arith.addf %add3A_649, %gather3A_662 : vector<16xf32>
      %xor3A_664 = arith.constant 1 : i32
      %xor3A_665 = vector.broadcast %xor3A_664 : i32 to vector<16xi32>
      %xor3A_666 = arith.xori %iota3A, %xor3A_665 : vector<16xi32>
      %lt3A_667 = arith.constant 0 : i32
      %lt3A_668 = vector.broadcast %lt3A_667 : i32 to vector<16xi32>
      %lt3A_669 = arith.cmpi slt, %xor3A_666, %lt3A_668 : vector<16xi32>
      %add3A_670 = arith.constant 16 : i32
      %add3A_671 = vector.broadcast %add3A_670 : i32 to vector<16xi32>
      %add3A_672 = arith.addi %xor3A_666, %add3A_671 : vector<16xi32>
      %select_n3A_673 = arith.select %lt3A_669, %add3A_672, %xor3A_666 : vector<16xi1>, vector<16xi32>
      %broadcast_in_dim3A_674 = vector.shape_cast %select_n3A_673 : vector<16xi32> to vector<16x1xi32>
      %gather3A_675 = vector.shape_cast %broadcast_in_dim3A_674 : vector<16x1xi32> to vector<16xi32>
      %gather3A_676 = tpu.dynamic_gather %add3A_663[%gather3A_675] in [0] : vector<16xf32>, vector<16xi32> -> vector<16xf32>
      %add3A_677 = arith.addf %add3A_663, %gather3A_676 : vector<16xf32>
      %ge3A = arith.constant 1.000000e+00 : f32
      %ge3A_678 = vector.broadcast %ge3A : f32 to vector<16xf32>
      %ge3A_679 = arith.cmpf oge, %add3A_677, %ge3A_678 : vector<16xf32>
      %xor3A_680 = arith.constant 8 : i32
      %xor3A_681 = vector.broadcast %xor3A_680 : i32 to vector<16xi32>
      %xor3A_682 = arith.xori %iota3A, %xor3A_681 : vector<16xi32>
      %lt3A_683 = arith.constant 0 : i32
      %lt3A_684 = vector.broadcast %lt3A_683 : i32 to vector<16xi32>
      %lt3A_685 = arith.cmpi slt, %xor3A_682, %lt3A_684 : vector<16xi32>
      %add3A_686 = arith.constant 16 : i32
      %add3A_687 = vector.broadcast %add3A_686 : i32 to vector<16xi32>
      %add3A_688 = arith.addi %xor3A_682, %add3A_687 : vector<16xi32>
      %select_n3A_689 = arith.select %lt3A_685, %add3A_688, %xor3A_682 : vector<16xi1>, vector<16xi32>
      %broadcast_in_dim3A_690 = vector.shape_cast %select_n3A_689 : vector<16xi32> to vector<16x1xi32>
      %gather3A_691 = vector.shape_cast %broadcast_in_dim3A_690 : vector<16x1xi32> to vector<16xi32>
      %gather3A_692 = tpu.dynamic_gather %parallel_loop3A_621#1[%gather3A_691] in [0] : vector<16xf32>, vector<16xi32> -> vector<16xf32>
      %add3A_693 = arith.addf %parallel_loop3A_621#1, %gather3A_692 : vector<16xf32>
      %xor3A_694 = arith.constant 4 : i32
      %xor3A_695 = vector.broadcast %xor3A_694 : i32 to vector<16xi32>
      %xor3A_696 = arith.xori %iota3A, %xor3A_695 : vector<16xi32>
      %lt3A_697 = arith.constant 0 : i32
      %lt3A_698 = vector.broadcast %lt3A_697 : i32 to vector<16xi32>
      %lt3A_699 = arith.cmpi slt, %xor3A_696, %lt3A_698 : vector<16xi32>
      %add3A_700 = arith.constant 16 : i32
      %add3A_701 = vector.broadcast %add3A_700 : i32 to vector<16xi32>
      %add3A_702 = arith.addi %xor3A_696, %add3A_701 : vector<16xi32>
      %select_n3A_703 = arith.select %lt3A_699, %add3A_702, %xor3A_696 : vector<16xi1>, vector<16xi32>
      %broadcast_in_dim3A_704 = vector.shape_cast %select_n3A_703 : vector<16xi32> to vector<16x1xi32>
      %gather3A_705 = vector.shape_cast %broadcast_in_dim3A_704 : vector<16x1xi32> to vector<16xi32>
      %gather3A_706 = tpu.dynamic_gather %add3A_693[%gather3A_705] in [0] : vector<16xf32>, vector<16xi32> -> vector<16xf32>
      %add3A_707 = arith.addf %add3A_693, %gather3A_706 : vector<16xf32>
      %xor3A_708 = arith.constant 2 : i32
      %xor3A_709 = vector.broadcast %xor3A_708 : i32 to vector<16xi32>
      %xor3A_710 = arith.xori %iota3A, %xor3A_709 : vector<16xi32>
      %lt3A_711 = arith.constant 0 : i32
      %lt3A_712 = vector.broadcast %lt3A_711 : i32 to vector<16xi32>
      %lt3A_713 = arith.cmpi slt, %xor3A_710, %lt3A_712 : vector<16xi32>
      %add3A_714 = arith.constant 16 : i32
      %add3A_715 = vector.broadcast %add3A_714 : i32 to vector<16xi32>
      %add3A_716 = arith.addi %xor3A_710, %add3A_715 : vector<16xi32>
      %select_n3A_717 = arith.select %lt3A_713, %add3A_716, %xor3A_710 : vector<16xi1>, vector<16xi32>
      %broadcast_in_dim3A_718 = vector.shape_cast %select_n3A_717 : vector<16xi32> to vector<16x1xi32>
      %gather3A_719 = vector.shape_cast %broadcast_in_dim3A_718 : vector<16x1xi32> to vector<16xi32>
      %gather3A_720 = tpu.dynamic_gather %add3A_707[%gather3A_719] in [0] : vector<16xf32>, vector<16xi32> -> vector<16xf32>
      %add3A_721 = arith.addf %add3A_707, %gather3A_720 : vector<16xf32>
      %xor3A_722 = arith.constant 1 : i32
      %xor3A_723 = vector.broadcast %xor3A_722 : i32 to vector<16xi32>
      %xor3A_724 = arith.xori %iota3A, %xor3A_723 : vector<16xi32>
      %lt3A_725 = arith.constant 0 : i32
      %lt3A_726 = vector.broadcast %lt3A_725 : i32 to vector<16xi32>
      %lt3A_727 = arith.cmpi slt, %xor3A_724, %lt3A_726 : vector<16xi32>
      %add3A_728 = arith.constant 16 : i32
      %add3A_729 = vector.broadcast %add3A_728 : i32 to vector<16xi32>
      %add3A_730 = arith.addi %xor3A_724, %add3A_729 : vector<16xi32>
      %select_n3A_731 = arith.select %lt3A_727, %add3A_730, %xor3A_724 : vector<16xi1>, vector<16xi32>
      %broadcast_in_dim3A_732 = vector.shape_cast %select_n3A_731 : vector<16xi32> to vector<16x1xi32>
      %gather3A_733 = vector.shape_cast %broadcast_in_dim3A_732 : vector<16x1xi32> to vector<16xi32>
      %gather3A_734 = tpu.dynamic_gather %add3A_721[%gather3A_733] in [0] : vector<16xf32>, vector<16xi32> -> vector<16xf32>
      %add3A_735 = arith.addf %add3A_721, %gather3A_734 : vector<16xf32>
      %ge3A_736 = arith.constant 1.000000e+00 : f32
      %ge3A_737 = vector.broadcast %ge3A_736 : f32 to vector<16xf32>
      %ge3A_738 = arith.cmpf oge, %add3A_735, %ge3A_737 : vector<16xf32>
      %select_n3A_739 = arith.select %ge3A_679, %add3A_613, %scan3A_608 : vector<16xi1>, vector<16xf32>
      %select_n3A_740 = arith.select %ge3A_738, %sub3A_614, %select_n3A_739 : vector<16xi1>, vector<16xf32>
      %select_n3A_741 = arith.select %ge3A_738, %scan3A_609, %sub3A_614 : vector<16xi1>, vector<16xf32>
      %select_n3A_742 = arith.select %ge3A_679, %select_n3A_741, %add3A_613 : vector<16xi1>, vector<16xf32>
      scf.yield %select_n3A_740, %select_n3A_742 : vector<16xf32>, vector<16xf32>
    }
    %scan3A_575 = arith.constant 18 : i32
    %add3A_576 = arith.addf %scan3A_574#0, %scan3A_574#1 : vector<16xf32>
    %mul3A_577 = arith.constant 5.000000e-01 : f32
    %mul3A_578 = vector.broadcast %mul3A_577 : f32 to vector<16xf32>
    %mul3A_579 = arith.mulf %mul3A_578, %add3A_576 : vector<16xf32>
    %mul3A_580 = arith.constant 2.000000e+00 : f32
    %mul3A_581 = vector.broadcast %mul3A_580 : f32 to vector<16xf32>
    %mul3A_582 = arith.mulf %mul3A_581, %mul3A_579 : vector<16xf32>
    %add3A_583 = arith.addf %max3A_521, %mul3A_582 : vector<16xf32>
    %parallel_loop3A_584 = arith.constant 0 : i32
    %parallel_loop3A_585 = arith.constant 2048 : i32
    %parallel_loop3A_586 = arith.constant 1 : i32
    scf.for %parallel_loop3A_607 = %parallel_loop3A_584 to %parallel_loop3A_585 step %parallel_loop3A_586  : i32 {
      %parallel_loop3A_608 = arith.constant 16 : i32
      %parallel_loop3A_609 = arith.muli %parallel_loop3A_607, %parallel_loop3A_608 : i32
      %parallel_loop3A_610 = arith.index_cast %parallel_loop3A_609 : i32 to index
      %parallel_loop3A_611 = tpu.vector_load %arg5[%parallel_loop3A_610] {strides = array<i32>} : memref<32768xf32, #tpu.memory_space<vmem>>, vector<16xf32>,
      %parallel_loop3A_612 = arith.subf %parallel_loop3A_611, %add3A_583 : vector<16xf32>
      %parallel_loop3A_613 = arith.constant 5.000000e-01 : f32
      %parallel_loop3A_614 = vector.broadcast %parallel_loop3A_613 : f32 to vector<16xf32>
      %parallel_loop3A_615 = arith.mulf %parallel_loop3A_612, %parallel_loop3A_614 : vector<16xf32>
      %parallel_loop3A_616 = arith.constant 0.000000e+00 : f32
      %parallel_loop3A_617 = vector.broadcast %parallel_loop3A_616 : f32 to vector<16xf32>
      %parallel_loop3A_618 = arith.maximumf %parallel_loop3A_615, %parallel_loop3A_617 : vector<16xf32>
      %parallel_loop3A_619 = arith.mulf %parallel_loop3A_618, %parallel_loop3A_618 : vector<16xf32>
      %parallel_loop3A_620 = arith.constant 16 : i32
      %parallel_loop3A_621 = arith.muli %parallel_loop3A_607, %parallel_loop3A_620 : i32
      %parallel_loop3A_622 = arith.index_cast %parallel_loop3A_621 : i32 to index
      %parallel_loop3A_623 = tpu.vector_load %arg5[%parallel_loop3A_622] {strides = array<i32>} : memref<32768xf32, #tpu.memory_space<vmem>>, vector<16xf32>,
      tpu.vector_store %arg5[%parallel_loop3A_622], %parallel_loop3A_619 {strides = array<i32>} : memref<32768xf32, #tpu.memory_space<vmem>>, vector<16xf32>,
    } {sc.loop_unroll_factor = 16 : i64, sc.parallel_access}
    %add3A_587 = arith.constant 3 : i32
    %add3A_588 = arith.addi %mul3A_2, %add3A_587 : i32
    %dma_start3A_589 = arith.constant 0 : i32
    %dma_start3A_590 = tpu.memref_slice %arg3[%add3A_588, %dma_start3A_589] : memref<128x32768xf32, #tpu.memory_space<hbm>> -> memref<1x32768xf32, #tpu.memory_space<hbm>>
    %dma_start3A_591 = tpu.memref_squeeze %dma_start3A_590 : memref<1x32768xf32, #tpu.memory_space<hbm>> -> memref<32768xf32, #tpu.memory_space<hbm>>
    %dma_start3A_592 = arith.constant 0 : i32
    %dma_start3A_593 = tpu.memref_slice %arg3[%add3A_588, %dma_start3A_592] : memref<128x32768xf32, #tpu.memory_space<hbm>> -> memref<1x32768xf32, #tpu.memory_space<hbm>>
    %dma_start3A_594 = tpu.memref_squeeze %dma_start3A_593 : memref<1x32768xf32, #tpu.memory_space<hbm>> -> memref<32768xf32, #tpu.memory_space<hbm>>
    tpu.enqueue_dma source(%arg5 : memref<32768xf32, #tpu.memory_space<vmem>>) target(%dma_start3A_594 : memref<32768xf32, #tpu.memory_space<hbm>>) target_semaphore(%arg10 : memref<!tpu.dma_semaphore, #tpu.memory_space<semaphore_mem>>)
    %dma_wait3A_595 = arith.constant 0 : i32
    %dma_wait3A_596 = tpu.memref_slice %arg3[%add3A_447, %dma_wait3A_595] : memref<128x32768xf32, #tpu.memory_space<hbm>> -> memref<1x32768xf32, #tpu.memory_space<hbm>>
    %dma_wait3A_597 = tpu.memref_squeeze %dma_wait3A_596 : memref<1x32768xf32, #tpu.memory_space<hbm>> -> memref<32768xf32, #tpu.memory_space<hbm>>
    %dma_wait3A_598 = arith.constant 0 : i32
    %dma_wait3A_599 = tpu.memref_slice %arg3[%add3A_447, %dma_wait3A_598] : memref<128x32768xf32, #tpu.memory_space<hbm>> -> memref<1x32768xf32, #tpu.memory_space<hbm>>
    %dma_wait3A_600 = tpu.memref_squeeze %dma_wait3A_599 : memref<1x32768xf32, #tpu.memory_space<hbm>> -> memref<32768xf32, #tpu.memory_space<hbm>>
    tpu.wait_dma2 semaphore(%arg9 : memref<!tpu.dma_semaphore, #tpu.memory_space<semaphore_mem>>) src(%arg4 : memref<32768xf32, #tpu.memory_space<vmem>>) dst(%dma_wait3A_600 : memref<32768xf32, #tpu.memory_space<hbm>>)
    %dma_wait3A_601 = arith.constant 0 : i32
    %dma_wait3A_602 = tpu.memref_slice %arg3[%add3A_588, %dma_wait3A_601] : memref<128x32768xf32, #tpu.memory_space<hbm>> -> memref<1x32768xf32, #tpu.memory_space<hbm>>
    %dma_wait3A_603 = tpu.memref_squeeze %dma_wait3A_602 : memref<1x32768xf32, #tpu.memory_space<hbm>> -> memref<32768xf32, #tpu.memory_space<hbm>>
    %dma_wait3A_604 = arith.constant 0 : i32
    %dma_wait3A_605 = tpu.memref_slice %arg3[%add3A_588, %dma_wait3A_604] : memref<128x32768xf32, #tpu.memory_space<hbm>> -> memref<1x32768xf32, #tpu.memory_space<hbm>>
    %dma_wait3A_606 = tpu.memref_squeeze %dma_wait3A_605 : memref<1x32768xf32, #tpu.memory_space<hbm>> -> memref<32768xf32, #tpu.memory_space<hbm>>
    tpu.wait_dma2 semaphore(%arg10 : memref<!tpu.dma_semaphore, #tpu.memory_space<semaphore_mem>>) src(%arg5 : memref<32768xf32, #tpu.memory_space<vmem>>) dst(%dma_wait3A_606 : memref<32768xf32, #tpu.memory_space<hbm>>)
    return
  }
}

</mosaic_0001>

<sc_bundles>
// kernel: kernel.3.cloned.1.call-start
scs
__scs_entry_jumppad:
0x0: {  	(pc) =	sbr.rel $0x88, $3  }
0x1: {  	(tag) =	ssettag $0x0;
	lr =	simm.s32 $0x1  }
0x2: {  	[smem:$0x3FA0] =	sst lr;
	_ =	strace $0xD0000000  }
0x3: {  	_ = 	snop  }
0x4: {  	_ = 	snop  }
0x5: {  	_ = 	snop  }
0x6: {  	_ = 	snop  }
0x7: {  	_ = 	snop  }
__scs_overlays_trampoline_lowered:
0x8: {  	[smem:$0x3FAF] =	sst s0  }
0x9: {  	[smem:$0x3FB0] =	sst s1  }
0xa: {  	[smem:$0x3FB1] =	sst s2  }
0xb: {  	[smem:$0x3FB2] =	sst s3  }
0xc: {  	[smem:$0x3FB3] =	sst s4  }
0xd: {  	[smem:$0x3FB4] =	sst s5  }
0xe: {  	[smem:$0x3FB5] =	sst s6  }
0xf: {  	[smem:$0x3FB6] =	sst s7  }
0x10: {  	[smem:$0x3FB7] =	sst s8  }
0x11: {  	[smem:$0x3FB8] =	sst s9;
	s0 =	simm.s32 @!p0 $0x0  }
0x12: {  	s1 =	sld [smem:$0x3F9E];
	s0 =	simm.s32 @p0 $0x1  }
0x13: {  	[smem:$0x3FB9] =	sst s0;
	s0 =	simm.s32 @!p1 $0x0  }
0x14: {  	s2 =	sld [smem:$0x3F9D];
	s0 =	simm.s32 @p1 $0x1  }
0x15: {  	[smem:$0x3FBA] =	sst s0;
	s0 =	simm.s32 @!p2 $0x0  }
0x16: {  	s3 =	sld [smem:$0x3FDB];
	s0 =	simm.s32 @p2 $0x1  }
0x17: {  	s4 =	simm.s32 $0x1BF5;
	[smem:$0x3FBC] =	sst s0  }
0x18: {  	s0 =	sld [smem:$0x3F9F];
	_ =	swait.ge [sflag:s4], $0x0  }
0x19: {  	s7 =	sld [smem:$0x3FA0]  }
0x1a: {  	s8 =	sadd.s32 $0xFFFFE003, lr  }
0x1b: {  	s9 =	sadd.s32 $0xFFFFFEF7, lr;
	s5 =	simm.s32 $0xFFFFFFFF;
	p2 =	slt.u32 s8, $0xFFFFF086  }
0x1c: {  	p1 =	slt.u32 s9, $0xF7A;
	s5 =	simm.s32 @!p2 $0x0  }
0x1d: {  	s5 =	simm.s32 @p1 $0x1;
	p0 =	seq.s32 s7, s2  }
0x1e: {  	s7 =	smul.u32 @!p0 $0xF7A, s2;
	p2 =	seq.s32 @!p0 s5, $0x0  }
0x1f: {  	s9 =	smul.u32 $0xF7A, s1;
	s8 =	simm.s32 @!p0 $0x1BF5;
	p2 =	por !p2, p0  }
0x20: {  	[sflag:s8] =	ssyncset.s32 @!p0 $0xFFFFF086;
	s6 =	sadd.s32 @!p0 s3, s7;
	s7 =	simm.s32 @!p0 $0x108  }
0x21: {  	s3 =	sadd.s32 s3, s9;
	s6 =	sadd.s32 @!p0 $0x88, s6;
	s7 =	simm.s32 @p2 $0x1082  }
0x22: {  	[simem:s7], [sflag:s8] =	dma.local @!p0 [hbm:s6], $0xF7A  }
0x23: {  	s9 =	sor.u32 $0xD0000000, s2;
	s6 =	simm.s32 $0x108;
	_ =	swait.ge @!p0 [sflag:s8], $0x0  }
0x24: {  	s3 =	sadd.s32 $0x88, s3;
	s6 =	simm.s32 @!p1 $0x1082;
	[sflag:s4] =	ssyncset.s32 $0xFFFFF086  }
0x25: {  	[simem:s6], [sflag:s4] =	dma.local [hbm:s3], $0xF7A  }
0x26: {  	[smem:$0x3FA0] =	sst s1;
	(tag) =	ssettag s2;
	_ =	strace s9  }
0x27: {  	s1 =	sld [smem:$0x3FB0]  }
0x28: {  	s2 =	sld [smem:$0x3FB1]  }
0x29: {  	s4 =	sld [smem:$0x3FB3]  }
0x2a: {  	p0 =	seq.s32 s5, $0x0;
	s5 =	sld [smem:$0x3FB4]  }
0x2b: {  	s6 =	sld [smem:$0x3FB5]  }
0x2c: {  	s7 =	sld [smem:$0x3FB6]  }
0x2d: {  	s3 =	simm.s32 $0x108;
	s8 =	sld [smem:$0x3FB7]  }
0x2e: {  	s3 =	simm.s32 @!p0 $0x1082;
	s9 =	sld [smem:$0x3FB8]  }
0x2f: {  	lr =	sadd.s32 s0, s3;
	s0 =	sld [smem:$0x3FAF]  }
0x30: {  	s3 =	sld [smem:$0x3FB2]  }
0x31: {  	[smem:$0x3FBB] =	sst s10  }
0x32: {  	s10 =	sld [smem:$0x3FB9];
	_ =	sdelay $0x3  }
0x33: {  	p0 =	seq.s32 s10, $0x1;
	s10 =	sld [smem:$0x3FBB];
	_ =	sdelay $0x3  }
0x34: {  	[smem:$0x3FBB] =	sst s10  }
0x35: {  	s10 =	sld [smem:$0x3FBA];
	_ =	sdelay $0x3  }
0x36: {  	p1 =	seq.s32 s10, $0x1;
	s10 =	sld [smem:$0x3FBB];
	_ =	sdelay $0x3  }
0x37: {  	[smem:$0x3FBB] =	sst s10  }
0x38: {  	s10 =	sld [smem:$0x3FBC]  }
0x39: {  	_ = 	snop;
	(pc) =	sbr.ind lr, $3  }
0x3a: {  	_ = 	snop  }
0x3b: {  	_ = 	snop  }
0x3c: {  	p2 =	seq.s32 s10, $0x1;
	s10 =	sld [smem:$0x3FBB]  }
0x3d: {  	_ =	shalt  }
0x3e: {  	_ =	shalt  }
0x3f: {  	_ =	shalt  }
0x40: {  	_ =	shalt  }
0x41: {  	_ =	shalt  }
0x42: {  	_ =	shalt  }
0x43: {  	_ =	shalt  }
0x44: {  	_ =	shalt  }
0x45: {  	_ =	shalt  }
0x46: {  	_ =	shalt  }
0x47: {  	_ =	shalt  }
0x48: {  	_ =	shalt  }
0x49: {  	_ =	shalt  }
0x4a: {  	_ =	shalt  }
0x4b: {  	_ =	shalt  }
0x4c: {  	_ =	shalt  }
0x4d: {  	_ =	shalt  }
0x4e: {  	_ =	shalt  }
0x4f: {  	_ =	shalt  }
0x50: {  	_ =	shalt  }
0x51: {  	_ =	shalt  }
0x52: {  	_ =	shalt  }
0x53: {  	_ =	shalt  }
0x54: {  	_ =	shalt  }
0x55: {  	_ =	shalt  }
0x56: {  	_ =	shalt  }
0x57: {  	_ =	shalt  }
0x58: {  	_ =	shalt  }
0x59: {  	_ =	shalt  }
0x5a: {  	_ =	shalt  }
0x5b: {  	_ =	shalt  }
0x5c: {  	_ =	shalt  }
0x5d: {  	_ =	shalt  }
0x5e: {  	_ =	shalt  }
0x5f: {  	_ =	shalt  }
0x60: {  	_ =	shalt  }
0x61: {  	_ =	shalt  }
0x62: {  	_ =	shalt  }
0x63: {  	_ =	shalt  }
0x64: {  	_ =	shalt  }
0x65: {  	_ =	shalt  }
0x66: {  	_ =	shalt  }
0x67: {  	_ =	shalt  }
0x68: {  	_ =	shalt  }
0x69: {  	_ =	shalt  }
0x6a: {  	_ =	shalt  }
0x6b: {  	_ =	shalt  }
0x6c: {  	_ =	shalt  }
0x6d: {  	_ =	shalt  }
0x6e: {  	_ =	shalt  }
0x6f: {  	_ =	shalt  }
0x70: {  	_ =	shalt  }
0x71: {  	_ =	shalt  }
0x72: {  	_ =	shalt  }
0x73: {  	_ =	shalt  }
0x74: {  	_ =	shalt  }
0x75: {  	_ =	shalt  }
0x76: {  	_ =	shalt  }
0x77: {  	_ =	shalt  }
0x78: {  	_ =	shalt  }
0x79: {  	_ =	shalt  }
0x7a: {  	_ =	shalt  }
0x7b: {  	_ =	shalt  }
0x7c: {  	_ =	shalt  }
0x7d: {  	_ =	shalt  }
0x7e: {  	_ =	shalt  }
0x7f: {  	_ =	shalt  }
0x80: {  	_ =	shalt  }
0x81: {  	_ =	shalt  }
0x82: {  	_ =	shalt  }
0x83: {  	_ =	shalt  }
0x84: {  	_ =	shalt  }
0x85: {  	_ =	shalt  }
0x86: {  	_ =	shalt  }
0x87: {  	_ =	shalt  }
.Lfunc_end0:
.L_simem_size_0:
called_computation_lowered:
.L_overlay_start_0:
0x88: {  	s2 =	sld [smem:$0x3FD9]  }
0x89: {  	s3 =	sld [smem:$0x3FFE];
	_ =	sdelay $0x1  }
0x8a: {  	s1 =	srdreg.scid  }
0x8b: {  	s0 =	sand.u32 $0x1, s1  }
0x8c: {  	s18 =	sshll.u32 s0, $0xA;
	s2 =	sadd.s32 s3, s2  }
0x8d: {  	s2 =	sadd.s32 s2, s18  }
0x8e: {  	[smem:$0x3FC7] =	sst s2  }
0x8f: {  	_ = 	snop  }
0x90: {  	s2 =	sld [smem:$0x3FC9]  }
0x91: {  	s19 =	sld [smem:$0x3FD0];
	(tm) =	ssettm $0x1  }
0x92: {  	s4 =	sld [smem:$0x3FFB];
	_ =	sdelay $0x3  }
0x93: {  	_ =	strace s4  }
0x94: {  	s4 =	sld [smem:$0x3FFC];
	_ =	sdelay $0x3  }
0x95: {  	_ =	strace s4  }
0x96: {  	s4 =	sld [smem:$0x3FFD];
	_ =	sdelay $0x3  }
0x97: {  	_ =	strace s4  }
0x98: {  	_ =	strace $0x8FFFFFFF  }
0x99: {  	s20 =	sld [smem:$0x3FDB];
	_ =	sdelay $0x1  }
0x9a: {  	s5 =	simm.s32 $_scs_section_size  }
0x9b: {  	s6 =	simm.s32 $_size__tile_overlayer_lowered;
	s7 =	simm.s32 $_tile_overlayer_lowered  }
0x9c: {  	s23 =	simm.s32 $0x1BFF;
	s22 =	sshll.u32 s7, $0x1;
	s4 =	sadd.s32 s5, s20  }
0x9d: {  	s8 =	simm.s32 $0x0;
	s21 =	sshll.u32 s6, $0x1;
	s6 =	sadd.s32 s22, s4  }
0x9e: {  	[timem:s8], [sflag:s23] =	dma.local [hbm:s6], s21  }
0x9f: {  	_ =	swait.ge [sflag:s23], s21  }
0xa0: {  	s5 =	ssub.s32 $0x0, s21;
	[sflag:s23] =	ssyncset.done $0x0  }
0xa1: {  	[sflag:s23] =	ssyncadd.s32 s5;
	_ =	sdelay $0x1  }
0xa2: {  	s24 =	simm.s32 $0x1B8B  }
0xa3: {  	_ =	swait.ge [sflag:s24], $0x1  }
0xa4: {  	[sflag:s24] =	ssyncset.done $0x0  }
0xa5: {  	s25 =	simm.s32 $0x1B8E;
	[sflag:s24] =	ssyncadd.s32 $0xFFFFFFFF  }
0xa6: {  	s26 =	simm.s32 $execute0_lowered;
	[smem:$0x3FD2] =	sst s25  }
0xa7: {  	s5 =	sshll.u32 s26, $0x1;
	_ =	strace $0x80000046;
	[dreg:$0x1] =	wrdreg $0xFFFFFFFF  }
0xa8: {  	s28 =	simm.s32 $_size_execute0_lowered;
	s4 =	sadd.s32 s4, s5;
	[dreg:$0x0] =	wrdreg $0x0  }
0xa9: {  	s5 =	sshll.u32 s28, $0x1;
	[dreg:$0x2] =	wrdreg s4  }
0xaa: {  	[dreg:$0x3] =	wrdreg s5  }
0xab: {  	[dreg:$0x4] =	wrdreg $0xC0  }
0xac: {  	_ =	task [dreg:s8], $0x5FFFF  }
0xad: {  	[dreg:$0x1] =	wrdreg $0xFFFFFFFF  }
0xae: {  	[dreg:$0x0] =	wrdreg $0x60  }
0xaf: {  	[dreg:$0x2] =	wrdreg s2  }
0xb0: {  	[dreg:$0x3] =	wrdreg s19  }
0xb1: {  	[dreg:$0x4] =	wrdreg $0x9  }
0xb2: {  	_ =	task.clear_ibuf [dreg:s8], $0x5FFFF;
	_ =	strace $0x90000046  }
0xb3: {  	s29 =	simm.s32 $0x9;
	_ =	strace $0x80000048  }
0xb4: {  	_ =	swait.ge [sflag:s29], $0x1  }
0xb5: {  	[sflag:s29] =	ssyncadd.s32 $0xFFFFFFFF  }
0xb6: {  	_ =	strace $0x90000048  }
0xb7: {  	_ =	sfence  }
0xb8: {  	s30 =	sld [smem:$0x0];
	_ =	sdelay $0x2  }
0xb9: {  	s31 =	sshll.u32 s1, $0xD;
	s1 =	sshrl.u32 s1, $0x2  }
0xba: {  	s3 =	sand.u32 $0x4000, s31;
	s1 =	sadd.s32 s1, s30  }
0xbb: {  	s0 =	sor.u32 s3, s0;
	s1 =	sshll.u32 s1, $0x11  }
0xbc: {  	s0 =	sor.u32 s1, s0  }
0xbd: {  	s0 =	sadd.s32 $0x8F2B, s0  }
0xbe: {  	[sflag:s0] =	ssyncadd.remote.s32 $0x1  }
0xbf: {  	_ =	sfence.sel $0xFFFF  }
0xc0: {  	[dreg:$0x0] =	wrdreg $0xFFFFFFFF;
	(pc) =	sbr.abs _section_cstart, $3  }
0xc1: {  	[dreg:$0x1] =	wrdreg $0xFFFFFFFF  }
0xc2: {  	_ =	task.clear_ibuf [dreg:s8], $0x2FFFF;
	_ =	strace $0x9FFFFFFF  }
0xc3: {  	(tm) =	ssettm $0x7FFFFFFF  }
tec
execute0_lowered:
.L_overlay_start_1:
0x0: {  	(tag) =	ssettag $0x1  }
0x1: {  	s8 =	rddreg [dreg:$0x0]  }
0x2: {  	v0 =	vimm.s32 $0xFEDCBA98;
	s10 =	rddreg [dreg:$0x1];
	s2 =	srdreg.scid  }
0x3: {  	v1 =	vimm.s32 $0x76543210;
	s0 =	rddreg [dreg:$0x2];
	s1 =	stileid.u32;
	v2 =	vimm.s32 $0xBA98FEDC;
	s13 =	simm.s32 $0x8000  }
0x4: {  	v3 =	vimm.s32 $0x32107654;
	v4 =	vimm.s32 $0xDCFE98BA;
	s14 =	simm.s32 $0x1;
	s15 =	simm.s32 $0x10000;
	s16 =	simm.s32 $0x80  }
0x5: {  	v5 =	vimm.s32 $0x54761032;
	v6 =	vimm.s32 $0xEFCDAB89;
	v7 =	vimm.s32 $0x67452301;
	s17 =	simm.s32 $0x3;
	s18 =	simm.s32 $0x2;
	s19 =	simm.s32 $0x4  }
0x6: {  	s20 =	simm.s32 $0x0;
	v0 =	vunpack.c.l.s4.s8 v0;
	s3 =	sand.u32 $0x1, s2;
	v1 =	vunpack.c.l.s4.s8 v1;
	s2 =	simm.s32 $0x0;
	v2 =	vunpack.c.l.s4.s8 v2  }
0x7: {  	s4 =	sshll.u32 s1, $0xF;
	v3 =	vunpack.c.l.s4.s8 v3;
	v4 =	vunpack.c.l.s4.s8 v4;
	v5 =	vunpack.c.l.s4.s8 v5;
	s5 =	sshll.u32 s3, $0x6;
	s3 =	ssub.s32 $0x2, s3  }
0x8: {  	v6 =	vunpack.c.l.s4.s8 v6;
	v7 =	vunpack.c.l.s4.s8 v7;
	[smem:$0x7FF] =	sst s2;
	v0 =	vunpack.c.0.s8.s32 v0;
	s6 =	sor.u32 s5, s4;
	s31 =	sshrl.u32 s3, $0x1  }
0x9: {  	v1 =	vunpack.c.0.s8.s32 v1;
	_ =	strace $0x80000047;
	v2 =	vunpack.c.0.s8.s32 v2;
	v3 =	vunpack.c.0.s8.s32 v3;
	s7 =	sor.u32 $0x10, s6;
	s11 =	ssub.s32 s3, s31  }
0xa: {  	v4 =	vunpack.c.0.s8.s32 v4;
	v5 =	vunpack.c.0.s8.s32 v5;
	s3 =	sadd.s32 s8, s6;
	s5 =	sadd.s32 s10, s6;
	s9 =	sor.u32 $0x20, s6;
	v0 =	vand.u32 $0xF, v0  }
0xb: {  	v6 =	vunpack.c.0.s8.s32 v6;
	v7 =	vunpack.c.0.s8.s32 v7;
	s12 =	sor.u32 $0x30, s6;
	s4 =	sadd.s32 s8, s7;
	s6 =	sadd.s32 s8, s9;
	v0 =	vcombine.low v0, v1  }
0xc: {  	s7 =	sadd.s32 s10, s7;
	s8 =	sadd.s32 s8, s12;
	s9 =	sadd.s32 s10, s9;
	v1 =	vcombine.low v3, v2;
	v2 =	vcombine.low v5, v4  }
0xd: {  	s10 =	sadd.s32 s10, s12;
	s11 =	smax.u32 s11, $0x1;
	s12 =	simm.s32 $0x400;
	v3 =	vcombine.low v7, v6;
	v4 =	vlaneseq.u32;
	v5 =	vimm.f32 $-4.000000000e+00  }
.LBB2_1:
0xe: {  	[tilespmem:s2], [sflag:$0x1] =	stream.strided.gather [hbm4b:s3+s16], $0x8000, s12, s16, $0x38;
	[tilespmem:$0x18080] =	vst v63  }
0xf: {  	_ = 	snop  }
0x10: {  	[tilespmem:s13], [sflag:$0x2] =	stream.strided.gather [hbm4b:s4+s16], $0x8000, s12, s16, $0x38;
	[tilespmem:$0x18080] =	vst v63  }
0x11: {  	_ =	swait.ge [sflag:s14], $0x8000  }
0x12: {  	[sflag:s14] =	ssyncset.done $0x0  }
0x13: {  	[sflag:s14] =	ssyncadd.s32 $0xFFFF8000  }
0x14: {  	v6 =	vld [tilespmem:s16+$0xFFFFFF80]  }
0x15: {  	v7 =	vld [tilespmem:s16+$0xFFFFFF90]  }
0x16: {  	v8 =	vld [tilespmem:s16+$0xFFFFFFA0]  }
0x17: {  	v9 =	vld [tilespmem:s16+$0xFFFFFFB0]  }
0x18: {  	v10 =	vimm.f32 $-Inf;
	v11 =	vld [tilespmem:s16+$0xFFFFFFC0]  }
0x19: {  	v6 =	vmax.f32 v10, v6;
	v10 =	vld [tilespmem:s16+$0xFFFFFFD0]  }
0x1a: {  	v6 =	vmax.f32 v6, v7;
	v7 =	vld [tilespmem:s16+$0xFFFFFFE0]  }
0x1b: {  	v6 =	vmax.f32 v6, v8;
	v8 =	vld [tilespmem:s16+$0xFFFFFFF0]  }
0x1c: {  	v6 =	vmax.f32 v6, v9;
	v9 =	vld [tilespmem:s16+$0x0]  }
0x1d: {  	v6 =	vmax.f32 v6, v11;
	v11 =	vld [tilespmem:s16+$0x10]  }
0x1e: {  	v6 =	vmax.f32 v6, v10;
	v10 =	vld [tilespmem:s16+$0x20]  }
0x1f: {  	v7 =	vmax.f32 v6, v7;
	v6 =	vld [tilespmem:s16+$0x30]  }
0x20: {  	v8 =	vmax.f32 v7, v8;
	v7 =	vld [tilespmem:s16+$0x40]  }
0x21: {  	v9 =	vmax.f32 v8, v9;
	v8 =	vld [tilespmem:s16+$0x50]  }
0x22: {  	v11 =	vmax.f32 v9, v11;
	v9 =	vld [tilespmem:s16+$0x60]  }
0x23: {  	s21 =	simm.s32 $0x0;
	s22 =	simm.s32 $0x180;
	v11 =	vmax.f32 v11, v10;
	v10 =	vld [tilespmem:s16+$0x70]  }
.LBB2_2:
0x24: {  	v12 =	vld [tilespmem:s22+$0xFFFFFF80];
	s21 =	sadd.s32 $0x10, s21;
	v6 =	vmax.f32 v11, v6  }
0x25: {  	v11 =	vld [tilespmem:s22+$0xFFFFFF90];
	p0 =	slt.u32 s21, $0x7F0;
	v6 =	vmax.f32 v6, v7  }
0x26: {  	v7 =	vld [tilespmem:s22+$0xFFFFFFA0];
	v6 =	vmax.f32 v6, v8  }
0x27: {  	v8 =	vld [tilespmem:s22+$0xFFFFFFB0];
	v6 =	vmax.f32 v6, v9  }
0x28: {  	v9 =	vld [tilespmem:s22+$0xFFFFFFC0];
	v6 =	vmax.f32 v6, v10  }
0x29: {  	v6 =	vmax.f32 v6, v12;
	v10 =	vld [tilespmem:s22+$0xFFFFFFD0]  }
0x2a: {  	v6 =	vmax.f32 v6, v11;
	v11 =	vld [tilespmem:s22+$0xFFFFFFE0]  }
0x2b: {  	v6 =	vmax.f32 v6, v7;
	v7 =	vld [tilespmem:s22+$0xFFFFFFF0]  }
0x2c: {  	v6 =	vmax.f32 v6, v8;
	v8 =	vld [tilespmem:s22+$0x0]  }
0x2d: {  	v6 =	vmax.f32 v6, v9;
	v9 =	vld [tilespmem:s22+$0x10]  }
0x2e: {  	v6 =	vmax.f32 v6, v10;
	v10 =	vld [tilespmem:s22+$0x20]  }
.Ltmp0:
0x2f: {  	v11 =	vmax.f32 v6, v11;
	v6 =	vld [tilespmem:s22+$0x30];
	(pc) =	sbr.rel @p0 .LBB2_2-.Ltmp0, $4  }
0x30: {  	v11 =	vmax.f32 v11, v7;
	v7 =	vld [tilespmem:s22+$0x40]  }
0x31: {  	v11 =	vmax.f32 v11, v8;
	v8 =	vld [tilespmem:s22+$0x50]  }
0x32: {  	v11 =	vmax.f32 v11, v9;
	v9 =	vld [tilespmem:s22+$0x60]  }
0x33: {  	v11 =	vmax.f32 v11, v10;
	v10 =	vld [tilespmem:s22+$0x70];
	s22 =	sadd.s32 $0x100, s22  }
0x34: {  	v6 =	vmax.f32 v11, v6  }
0x35: {  	v6 =	vmax.f32 v6, v7  }
0x36: {  	v6 =	vmax.f32 v6, v8  }
0x37: {  	v6 =	vmax.f32 v6, v9  }
0x38: {  	v6 =	vmax.f32 v6, v10  }
0x39: {  	v7 =	vperm.xlane v6, v0;
	_ =	sdelay $0x1  }
0x3a: {  	v6 =	vmax.f32 v6, v7  }
0x3b: {  	v7 =	vperm.xlane v6, v1  }
0x3c: {  	s21 =	simm.s32 $0x40  }
0x3d: {  	v11 =	vld [tilespmem:s21+$0xFFFFFFF0];
	v6 =	vmax.f32 v6, v7  }
0x3e: {  	v12 =	vld [tilespmem:s21+$0x0];
	v7 =	vperm.xlane v6, v2  }
0x3f: {  	v15 =	vld [tilespmem:s21+$0x10]  }
0x40: {  	v8 =	vld [tilespmem:s21+$0xFFFFFFC0];
	v6 =	vmax.f32 v6, v7  }
0x41: {  	v10 =	vld [tilespmem:s21+$0xFFFFFFD0];
	v7 =	vperm.xlane v6, v3  }
0x42: {  	v17 =	vld [tilespmem:s21+$0x20]  }
0x43: {  	v19 =	vld [tilespmem:s21+$0x30];
	v9 =	vmax.f32 v6, v7  }
0x44: {  	v13 =	vimm.s32 $0x0;
	v6 =	vadd.f32 $-2.000000000e+00, v9  }
0x45: {  	v14 =	vadd.s32 v4, v13  }
0x46: {  	vm0 =	vgt.f32 v8, v6;
	vm6 =	vgt.f32 v10, v6;
	v8 =	vsub.f32 v8, v9  }
0x47: {  	vm1 =	vgt.f32 v11, v6;
	vm2 =	vgt.f32 v12, v6;
	v10 =	vsub.f32 v10, v9  }
0x48: {  	v7 =	vld [tilespmem:s21+$0xFFFFFFE0];
	vm3 =	vgt.f32 v15, v6;
	vm4 =	vgt.f32 v17, v6;
	vm5 =	vgt.f32 v19, v6  }
0x49: {  	v11 =	vsub.f32 v11, v9;
	v12 =	vsub.f32 v12, v9;
	v16 =	vmpcnt.ones.xlane vm0  }
0x4a: {  	v15 =	vsub.f32 v15, v9;
	v18 =	vmpcnt.ones.xlane vm6;
	v22 =	vmpcnt.ones.xlane vm1  }
0x4b: {  	v17 =	vsub.f32 v17, v9;
	v24 =	vmpcnt.ones.xlane vm2;
	v26 =	vmpcnt.ones.xlane vm3  }
0x4c: {  	v19 =	vsub.f32 v19, v9;
	v28 =	vmpcnt.ones.xlane vm4;
	v30 =	vmpcnt.ones.xlane vm5  }
0x4d: {  	vm7 =	vgt.f32 v7, v6;
	v7 =	vsub.f32 v7, v9;
	v8 =	vmul.f32 $5.000000000e-01, v8  }
0x4e: {  	v10 =	vmul.f32 $5.000000000e-01, v10;
	v13 =	vadd.s32 v13, v16;
	v20 =	vmpcnt.ones.xlane vm7  }
0x4f: {  	v32 =	vmul.f32 $5.000000000e-01, v11;
	v36 =	vmul.f32 $5.000000000e-01, v15;
	v21 =	vadd.s32 v13, v18  }
0x50: {  	v19 =	vmul.f32 $5.000000000e-01, v19;
	v7 =	vmul.f32 $5.000000000e-01, v7;
	(xrf1) =	vsort.dscd.msk.f32 vm0, v8, v8;
	v23 =	vadd.s32 v21, v20  }
0x51: {  	vm0 =	vgt.s32 v16, v4;
	v16 =	vadd.s32 v4, v13;
	v25 =	vadd.s32 v23, v22  }
0x52: {  	(xrf1) =	vsort.dscd.msk.f32 vm6, v10, v10;
	v10 =	vadd.s32 v4, v21;
	v37 =	vnsel vm0, $0x800F, v14;
	v27 =	vadd.s32 v25, v24  }
0x53: {  	s21 =	simm.s32 $0xC0;
	vm6 =	vgt.s32 v18, v4;
	vm0 =	vgt.s32 v20, v4;
	v29 =	vadd.s32 v27, v26  }
0x54: {  	v18 =	vld [tilespmem:s21+$0xFFFFFFD0];
	(xrf1) =	vsort.dscd.msk.f32 vm7, v7, v7;
	v31 =	vadd.s32 v29, v28;
	v11 =	vadd.s32 v4, v29;
	v29 =	vmul.f32 $5.000000000e-01, v12  }
0x55: {  	v20 =	vld [tilespmem:s21+$0xFFFFFFE0];
	v7 =	vadd.s32 v4, v23;
	v13 =	vnsel vm0, $0x800F, v10;
	vm0 =	vgt.s32 v24, v4;
	(xrf1) =	vsort.dscd.msk.f32 vm1, v32, v32  }
0x56: {  	vm7 =	vgt.s32 v28, v4;
	v8 =	vadd.s32 v4, v25;
	v25 =	vmul.f32 $5.000000000e-01, v17;
	v17 =	vld [tilespmem:s21+$0xFFFFFFC0];
	(xrf1) =	vsort.dscd.msk.f32 vm2, v29, v29  }
0x57: {  	v15 =	vadd.s32 v4, v27;
	v12 =	vnsel vm0, $0x800F, v8;
	vm0 =	vgt.s32 v22, v4;
	(xrf1) =	vsort.dscd.msk.f32 vm3, v36, v36  }
0x58: {  	v38 =	vnsel vm6, $0x800F, v16;
	v35 =	vadd.s32 v31, v30;
	v31 =	vadd.s32 v4, v31;
	(xrf1) =	vsort.dscd.msk.f32 vm4, v25, v25  }
0x59: {  	v8 =	vnsel vm7, $0x800F, v11;
	vm7 =	vgt.s32 v26, v4;
	v26 =	vld [tilespmem:s21+$0xFFFFFFF0];
	v14 =	vnsel vm0, $0x800F, v7;
	(xrf1) =	vsort.dscd.msk.f32 vm5, v19, v19  }
0x5a: {  	v27 =	vld [tilespmem:s21+$0x0];
	vm0 =	vgt.s32 v30, v4;
	vm1 =	vgt.f32 v18, v6;
	v33 =	vsub.f32 v20, v9  }
0x5b: {  	v30 =	vld [tilespmem:s21+$0x10];
	v11 =	vadd.s32 v4, v35;
	v7 =	vnsel vm0, $0x800F, v31;
	vm0 =	vgt.f32 v17, v6  }
0x5c: {  	v32 =	vld [tilespmem:s21+$0x20];
	v10 =	vnsel vm7, $0x800F, v15;
	v28 =	vsub.f32 v17, v9;
	v17 =	vmpcnt.ones.xlane vm0  }
0x5d: {  	v34 =	vld [tilespmem:s21+$0x30];
	v31 =	vsub.f32 v18, v9;
	v15 =	vmpcnt.ones.xlane vm1;
	vm2 =	vgt.f32 v20, v6  }
0x5e: {  	v21 =	vmpcnt.ones.xlane vm2;
	v22 =	vadd.s32 v35, v17;
	vm3 =	vgt.f32 v26, v6  }
0x5f: {  	vm4 =	vgt.f32 v27, v6;
	v23 =	vadd.s32 v22, v15;
	v18 =	vmpcnt.ones.xlane vm3  }
0x60: {  	v19 =	vmpcnt.ones.xlane vm4;
	vm5 =	vgt.f32 v30, v6;
	v24 =	vadd.s32 v23, v21;
	v20, _, _ =	vpop (xrf1)  }
0x61: {  	vm6 =	vgt.f32 v32, v6;
	v16 =	vmpcnt.ones.xlane vm5;
	v25 =	vadd.s32 v24, v18;
	[tilespmem:v37+s15+$0x0] =	vst.idx.msk $0xffff, v20;
	v63, _, _ =	vpop (xrf1)  }
0x62: {  	s22 =	simm.s32 $0x8;
	vm7 =	vgt.f32 v34, v6;
	v29 =	vadd.s32 v25, v19;
	v20 =	vmpcnt.ones.xlane vm6;
	[tilespmem:v38+s15+$0x0] =	vst.idx.msk $0xffff, v63;
	v35, _, _ =	vpop (xrf1)  }
.LBB2_4:
0x63: {  	s22 =	sadd.s32 $0x8, s22;
	v26 =	vsub.f32 v26, v9;
	v36 =	vadd.s32 v29, v16;
	v37 =	vmpcnt.ones.xlane vm7;
	[tilespmem:v13+s15+$0x0] =	vst.idx.msk $0xffff, v35;
	v13, _, _ =	vpop (xrf1)  }
0x64: {  	v27 =	vsub.f32 v27, v9;
	v30 =	vsub.f32 v30, v9;
	p0 =	slt.u32 s22, $0x7F8;
	v35 =	vadd.s32 v36, v20;
	v38, _, _ =	vpop (xrf1)  }
0x65: {  	v32 =	vsub.f32 v32, v9;
	v34 =	vsub.f32 v34, v9;
	v39 =	vadd.s32 v35, v37;
	v40, _, _ =	vpop (xrf1)  }
0x66: {  	v28 =	vmul.f32 $5.000000000e-01, v28;
	v31 =	vmul.f32 $5.000000000e-01, v31;
	v35 =	vadd.s32 v4, v35;
	[tilespmem:v14+s15+$0x0] =	vst.idx.msk $0xffff, v13;
	v41, _, _ =	vpop (xrf1)  }
0x67: {  	v13 =	vmul.f32 $5.000000000e-01, v33;
	v14 =	vmul.f32 $5.000000000e-01, v26;
	v33 =	vadd.s32 v4, v36;
	[tilespmem:v12+s15+$0x0] =	vst.idx.msk $0xffff, v38;
	v36, _, _ =	vpop (xrf1)  }
0x68: {  	v29 =	vadd.s32 v4, v29;
	v26 =	vmul.f32 $5.000000000e-01, v30;
	v12 =	vmul.f32 $5.000000000e-01, v27;
	(xrf1) =	vsort.dscd.msk.f32 vm0, v28, v28  }
0x69: {  	v25 =	vadd.s32 v4, v25;
	v27 =	vmul.f32 $5.000000000e-01, v32;
	v28 =	vmul.f32 $5.000000000e-01, v34;
	(xrf1) =	vsort.dscd.msk.f32 vm1, v31, v31  }
0x6a: {  	v23 =	vadd.s32 v4, v23;
	v24 =	vadd.s32 v4, v24;
	(xrf1) =	vsort.dscd.msk.f32 vm2, v13, v13  }
0x6b: {  	s21 =	sadd.s32 $0x80, s21;
	vm0 =	vgt.s32 v17, v4;
	v17 =	vadd.s32 v4, v22;
	(xrf1) =	vsort.dscd.msk.f32 vm3, v14, v14  }
0x6c: {  	v38 =	vnsel vm0, $0x800F, v11;
	vm1 =	vgt.s32 v15, v4;
	vm0 =	vgt.s32 v21, v4;
	v22 =	vld [tilespmem:s21+$0xFFFFFFC0];
	(xrf1) =	vsort.dscd.msk.f32 vm4, v12, v12  }
0x6d: {  	v13 =	vnsel vm0, $0x800F, v23;
	vm0 =	vgt.s32 v18, v4;
	vm2 =	vgt.s32 v19, v4;
	v15 =	vld [tilespmem:s21+$0xFFFFFFD0];
	(xrf1) =	vsort.dscd.msk.f32 vm5, v26, v26  }
0x6e: {  	vm3 =	vgt.s32 v20, v4;
	v12 =	vnsel vm2, $0x800F, v25;
	vm2 =	vgt.s32 v16, v4;
	v18 =	vld [tilespmem:s21+$0xFFFFFFE0];
	(xrf1) =	vsort.dscd.msk.f32 vm6, v27, v27  }
0x6f: {  	v11 =	vadd.s32 v4, v39;
	v16 =	vnsel vm3, $0x800F, v33;
	vm3 =	vgt.s32 v37, v4;
	v26 =	vld [tilespmem:s21+$0xFFFFFFF0];
	(xrf1) =	vsort.dscd.msk.f32 vm7, v28, v28  }
0x70: {  	v14 =	vnsel vm0, $0x800F, v24;
	v19 =	vnsel vm3, $0x800F, v35;
	v27 =	vld [tilespmem:s21+$0x0];
	[tilespmem:v10+s15+$0x0] =	vst.idx.msk $0xffff, v40;
	v10 =	vnsel vm2, $0x800F, v29  }
0x71: {  	v35 =	vnsel vm1, $0x800F, v17;
	vm0 =	vgt.f32 v22, v6;
	v28 =	vsub.f32 v22, v9;
	v30 =	vld [tilespmem:s21+$0x10];
	[tilespmem:v8+s15+$0x0] =	vst.idx.msk $0xffff, v41  }
0x72: {  	v17 =	vmpcnt.ones.xlane vm0;
	vm1 =	vgt.f32 v15, v6;
	v31 =	vsub.f32 v15, v9;
	v32 =	vld [tilespmem:s21+$0x20];
	[tilespmem:v7+s15+$0x0] =	vst.idx.msk $0xffff, v36  }
0x73: {  	v8 =	vmovc v16;
	v7 =	vmovc v19;
	v15 =	vmpcnt.ones.xlane vm1;
	vm2 =	vgt.f32 v18, v6;
	v33 =	vsub.f32 v18, v9;
	v34 =	vld [tilespmem:s21+$0x30]  }
.Ltmp1:
0x74: {  	v22 =	vadd.s32 v39, v17;
	v21 =	vmpcnt.ones.xlane vm2;
	vm3 =	vgt.f32 v26, v6;
	(pc) =	sbr.rel @p0 .LBB2_4-.Ltmp1, $4  }
0x75: {  	v23 =	vadd.s32 v22, v15;
	v18 =	vmpcnt.ones.xlane vm3;
	vm4 =	vgt.f32 v27, v6  }
0x76: {  	v24 =	vadd.s32 v23, v21;
	v19 =	vmpcnt.ones.xlane vm4;
	vm5 =	vgt.f32 v30, v6;
	v20, _, _ =	vpop (xrf1)  }
0x77: {  	v25 =	vadd.s32 v24, v18;
	v16 =	vmpcnt.ones.xlane vm5;
	vm6 =	vgt.f32 v32, v6;
	[tilespmem:v38+s15+$0x0] =	vst.idx.msk $0xffff, v20;
	v36, _, _ =	vpop (xrf1)  }
0x78: {  	v29 =	vadd.s32 v25, v19;
	v20 =	vmpcnt.ones.xlane vm6;
	vm7 =	vgt.f32 v34, v6;
	[tilespmem:v35+s15+$0x0] =	vst.idx.msk $0xffff, v36;
	v35, _, _ =	vpop (xrf1)  }
0x79: {  	v6 =	vadd.s32 v29, v16;
	v36 =	vmpcnt.ones.xlane vm7  }
0x7a: {  	v37 =	vadd.s32 v6, v20  }
0x7b: {  	v38 =	vadd.s32 v37, v36  }
0x7c: {  	(v2sf) =	vpush v38, $0x0;
	_ =	sdelay $0x1  }
0x7d: {  	v28 =	vmul.f32 $5.000000000e-01, v28  }
0x7e: {  	v26 =	vsub.f32 v26, v9;
	v31 =	vmul.f32 $5.000000000e-01, v31  }
0x7f: {  	v27 =	vsub.f32 v27, v9;
	v33 =	vmul.f32 $5.000000000e-01, v33;
	(xrf1) =	vsort.dscd.msk.f32 vm0, v28, v28  }
0x80: {  	v49 =	vsub.f32 v30, v9;
	v26 =	vmul.f32 $5.000000000e-01, v26;
	(xrf1) =	vsort.dscd.msk.f32 vm1, v31, v31  }
0x81: {  	v50 =	vsub.f32 v32, v9;
	v27 =	vmul.f32 $5.000000000e-01, v27;
	(xrf1) =	vsort.dscd.msk.f32 vm2, v33, v33  }
0x82: {  	v51 =	vsub.f32 v34, v9;
	v28 =	vmul.f32 $5.000000000e-01, v49;
	(xrf1) =	vsort.dscd.msk.f32 vm3, v26, v26  }
0x83: {  	v52 =	vmul.f32 $5.000000000e-01, v50;
	(xrf1) =	vsort.dscd.msk.f32 vm4, v27, v27  }
0x84: {  	v53 =	vmul.f32 $5.000000000e-01, v51;
	(xrf1) =	vsort.dscd.msk.f32 vm5, v28, v28  }
0x85: {  	(xrf1) =	vsort.dscd.msk.f32 vm6, v52, v52  }
0x86: {  	(xrf1) =	vsort.dscd.msk.f32 vm7, v53, v53;
	_ =	sdelay $0x1  }
0x87: {  	v54, _, _ =	vpop (xrf1);
	[tilespmem:v13+s15+$0x0] =	vst.idx.msk $0xffff, v35;
	vm8 =	vgt.s32 v17, v4  }
0x88: {  	v56 =	vadd.s32 v4, v22;
	vm9 =	vgt.s32 v15, v4;
	v55, _, _ =	vpop (xrf1);
	[tilespmem:v14+s15+$0x0] =	vst.idx.msk $0xffff, v54;
	v11 =	vnsel vm8, $0x800F, v11  }
0x89: {  	v58 =	vadd.s32 v4, v23;
	vm10 =	vgt.s32 v21, v4;
	v59 =	vnsel vm9, $0x800F, v56;
	v57, _, _ =	vpop (xrf1);
	[tilespmem:v12+s15+$0x0] =	vst.idx.msk $0xffff, v55;
	s24 =	spop (v2sf)  }
0x8a: {  	v61 =	vadd.s32 v4, v24;
	vm11 =	vgt.s32 v18, v4;
	v12 =	vnsel vm10, $0x800F, v58;
	v60, _, _ =	vpop (xrf1);
	[tilespmem:v10+s15+$0x0] =	vst.idx.msk $0xffff, v57;
	s21 =	sadd.s32 $0xF, s24  }
0x8b: {  	v62 =	vadd.s32 v4, v25;
	vm12 =	vgt.s32 v19, v4;
	v17 =	vnsel vm11, $0x800F, v61;
	v10, _, _ =	vpop (xrf1);
	[tilespmem:v8+s15+$0x0] =	vst.idx.msk $0xffff, v60;
	s22 =	sand.u32 $0xF, s21  }
0x8c: {  	vm13 =	vgt.s32 v16, v4;
	v63 =	vnsel vm12, $0x800F, v62;
	v8 =	vadd.s32 v4, v29;
	[tilespmem:v7+s15+$0x0] =	vst.idx.msk $0xffff, v10;
	v7, _, _ =	vpop (xrf1);
	s23 =	sshra.s32 s21, $0x1F;
	p0 =	slt.s32 s21, $0x1;
	p1 =	sne.s32 s22, $0x0  }
0x8d: {  	v6 =	vadd.s32 v4, v6;
	vm14 =	vgt.s32 v20, v4;
	v8 =	vnsel vm13, $0x800F, v8;
	[tilespmem:v11+s15+$0x0] =	vst.idx.msk $0xffff, v7;
	v7, _, _ =	vpop (xrf1);
	s30 =	sshrl.u32 s23, $0x1C;
	p0 =	por !p0, !p1  }
0x8e: {  	v6 =	vnsel vm14, $0x800F, v6;
	vm15 =	vgt.s32 v36, v4;
	v10 =	vadd.s32 v4, v37;
	[tilespmem:v59+s15+$0x0] =	vst.idx.msk $0xffff, v7;
	v7, _, _ =	vpop (xrf1);
	s22 =	simm.s32 $0x1;
	s21 =	sadd.s32 s30, s21;
	p0 =	por !p0, !p0  }
0x8f: {  	v10 =	vnsel vm15, $0x800F, v10;
	[tilespmem:v12+s15+$0x0] =	vst.idx.msk $0xffff, v7;
	v7, _, _ =	vpop (xrf1);
	s21 =	sshra.s32 s21, $0x4;
	s22 =	simm.s32 @!p0 $0x0  }
0x90: {  	v11, _, _ =	vpop (xrf1);
	[tilespmem:v17+s15+$0x0] =	vst.idx.msk $0xffff, v7;
	s21 =	ssub.s32 s21, s22  }
0x91: {  	v7, _, _ =	vpop (xrf1);
	[tilespmem:v63+s15+$0x0] =	vst.idx.msk $0xffff, v11;
	s22 =	sshrl.u32 s21, $0x1D  }
.Ltmp2:
0x92: {  	v11, _, _ =	vpop (xrf1);
	[tilespmem:v8+s15+$0x0] =	vst.idx.msk $0xffff, v7;
	s22 =	sadd.s32 s22, s21;
	(pc) =	sbr.rel .LBB2_6-.Ltmp2, $4  }
0x93: {  	v7, _, _ =	vpop (xrf1);
	[tilespmem:v6+s15+$0x0] =	vst.idx.msk $0xffff, v11;
	s22 =	sand.u32 $0xFFFFFFF8, s22  }
0x94: {  	[tilespmem:v10+s15+$0x0] =	vst.idx.msk $0xffff, v7;
	s31 =	sshll.u32 s22, $0x6  }
0x95: {  	[tilespmem:s24+$0x10000] =	vst v5;
	s24 =	simm.s32 $0x0;
	s25 =	ssub.s32 s21, s22;
	s23 =	sshra.s32 s31, $0x2  }
0x96: {  	v11 =	vimm.f32 $0.0e+00;
	v10 =	vimm.f32 $-1.000000000e+00;
	p0 =	slt.s32 s22, $0x1;
	p1 =	slt.s32 s25, $0x1;
	s23 =	sadd.s32 $0x10000, s23  }
.LBB2_12:
0x97: {  	v8 =	vperm.xlane v6, v0;
	v14 =	vperm.xlane v7, v0;
	_ =	sdelay $0x1  }
0x98: {  	v8 =	vadd.f32 v8, v6;
	v7 =	vadd.f32 v14, v7  }
0x99: {  	v6 =	vand.u32 $0xF, v1  }
0x9a: {  	v60 =	vperm.xlane v8, v6;
	v15 =	vperm.xlane v7, v6;
	_ =	sdelay $0x1  }
0x9b: {  	v8 =	vadd.f32 v60, v8;
	v61 =	vadd.f32 v15, v7  }
0x9c: {  	v7 =	vand.u32 $0xF, v2  }
0x9d: {  	v62 =	vperm.xlane v8, v7;
	v16 =	vperm.xlane v61, v7;
	_ =	sdelay $0x1  }
0x9e: {  	v15 =	vadd.f32 v62, v8;
	v14 =	vadd.f32 v16, v61  }
0x9f: {  	v8 =	vand.u32 $0xF, v3  }
0xa0: {  	s24 =	sadd.s32 $0x1, s24;
	v63 =	vperm.xlane v15, v8;
	v17 =	vperm.xlane v14, v8  }
0xa1: {  	p2 =	sne.s32 s24, $0x12  }
.Ltmp3:
0xa2: {  	v15 =	vadd.f32 v63, v15;
	v14 =	vadd.f32 v17, v14;
	(pc) =	sbr.rel @!p2 .LBB2_13-.Ltmp3, $4  }
0xa3: {  	_ = 	snop  }
0xa4: {  	vm0 =	vge.f32 v15, $1.000000000e+00;
	vm1 =	vge.f32 v14, $1.000000000e+00  }
0xa5: {  	v10 =	vsel vm0, v12, v10;
	v11 =	vsel vm1, v11, v13  }
0xa6: {  	v10 =	vsel vm1, v13, v10;
	v11 =	vsel vm0, v11, v12  }
.LBB2_6:
0xa7: {  	v6 =	vsub.f32 v11, v10  }
.Ltmp4:
0xa8: {  	_ = 	snop;
	(pc) =	sbr.rel @p0 .LBB2_10-.Ltmp4, $3  }
0xa9: {  	v6 =	vmul.f32 $3.333333430e-01, v6;
	_ =	sdelay $0x1  }
0xaa: {  	v13 =	vsub.f32 v11, v6  }
0xab: {  	v7 =	vimm.f32 $0.0e+00;
	v12 =	vadd.f32 v6, v10;
	v6 =	vimm.f32 $0.0e+00  }
0xac: {  	s25 =	simm.s32 $0x10040  }
0xad: {  	v7 =	vld [tilespmem:s25+$0xFFFFFFC0]  }
0xae: {  	v6 =	vld [tilespmem:s25+$0xFFFFFFF0]  }
0xaf: {  	v14 =	vld [tilespmem:s25+$0x0]  }
0xb0: {  	v16 =	vld [tilespmem:s25+$0xFFFFFFD0]  }
0xb1: {  	v8 =	vld [tilespmem:s25+$0xFFFFFFE0];
	_ =	sdelay $0x1  }
0xb2: {  	v15 =	vsub.f32 v7, v12;
	v7 =	vsub.f32 v7, v13  }
0xb3: {  	v19 =	vimm.f32 $0.0e+00;
	v18 =	vld [tilespmem:s25+$0x30];
	v17 =	vsub.f32 v6, v12  }
0xb4: {  	v23 =	vsub.f32 v14, v12;
	v24 =	vsub.f32 v16, v12;
	v7 =	vmax.f32 v7, $0.0e+00  }
0xb5: {  	v21 =	vmul.f32 v7, v7;
	v7 =	vsub.f32 v8, v12;
	v8 =	vsub.f32 v8, v13  }
0xb6: {  	v15 =	vmax.f32 v15, $0.0e+00;
	v22 =	vmax.f32 v17, $0.0e+00;
	v17 =	vsub.f32 v14, v13  }
0xb7: {  	v14 =	vld [tilespmem:s25+$0x20];
	v20 =	vmul.f32 v15, v15;
	v15 =	vmax.f32 v8, $0.0e+00;
	v8 =	vsub.f32 v16, v13  }
0xb8: {  	v25 =	vsub.f32 v18, v13;
	v17 =	vmax.f32 v17, $0.0e+00;
	v26 =	vmax.f32 v7, $0.0e+00;
	v16 =	vld [tilespmem:s25+$0x10]  }
0xb9: {  	p2 =	sgt.s32 s22, $0x8;
	v7 =	vmul.f32 v17, v17;
	v17 =	vmax.f32 v8, $0.0e+00;
	v8 =	vmax.f32 v24, $0.0e+00  }
.Ltmp5:
0xba: {  	v20 =	vadd.f32 v20, v19;
	v24 =	vmul.f32 v26, v26;
	v26 =	vmul.f32 v8, v8;
	(pc) =	sbr.rel @!p2 .LBB2_9-.Ltmp5, $4  }
0xbb: {  	v23 =	vmax.f32 v23, $0.0e+00;
	v8 =	vmax.f32 v25, $0.0e+00;
	v25 =	vsub.f32 v18, v12  }
0xbc: {  	v18 =	vmul.f32 v23, v23;
	v23 =	vadd.f32 v26, v20;
	v26 =	vsub.f32 v14, v12  }
0xbd: {  	v20 =	vadd.f32 v21, v19;
	v19 =	vsub.f32 v16, v12;
	v21 =	vmax.f32 v25, $0.0e+00  }
0xbe: {  	s26 =	simm.s32 $0x100C0;
	s25 =	simm.s32 $0x8;
	v23 =	vadd.f32 v24, v23;
	v24 =	vmul.f32 v22, v22;
	v22 =	vmax.f32 v26, $0.0e+00  }
.LBB2_8:
0xbf: {  	v25 =	vld [tilespmem:s26+$0xFFFFFFC0];
	s25 =	sadd.s32 $0x8, s25;
	v26 =	vsub.f32 v6, v13;
	v14 =	vsub.f32 v14, v13;
	v21 =	vmul.f32 v21, v21  }
0xc0: {  	v16 =	vsub.f32 v16, v13;
	v22 =	vmul.f32 v22, v22;
	v27 =	vld [tilespmem:s26+$0x0];
	p2 =	slt.s32 s25, s22;
	v23 =	vadd.f32 v24, v23  }
0xc1: {  	v17 =	vmul.f32 v17, v17;
	v6 =	vld [tilespmem:s26+$0xFFFFFFF0];
	v24 =	vmax.f32 v26, $0.0e+00;
	v26 =	vmax.f32 v14, $0.0e+00  }
0xc2: {  	v19 =	vmax.f32 v19, $0.0e+00;
	v14 =	vld [tilespmem:s26+$0x20];
	v24 =	vmul.f32 v24, v24;
	v18 =	vadd.f32 v18, v23  }
0xc3: {  	v15 =	vmul.f32 v15, v15;
	v19 =	vmul.f32 v19, v19;
	v17 =	vadd.f32 v17, v20;
	v23 =	vld [tilespmem:s26+$0xFFFFFFE0]  }
0xc4: {  	v16 =	vmax.f32 v16, $0.0e+00;
	v20 =	vsub.f32 v25, v12;
	v25 =	vsub.f32 v25, v13;
	v28 =	vld [tilespmem:s26+$0xFFFFFFD0]  }
0xc5: {  	v16 =	vmul.f32 v16, v16;
	v15 =	vadd.f32 v15, v17;
	v17 =	vadd.f32 v19, v18  }
0xc6: {  	v18 =	vmax.f32 v20, $0.0e+00;
	v19 =	vmax.f32 v25, $0.0e+00;
	v20 =	vsub.f32 v6, v12  }
0xc7: {  	v17 =	vadd.f32 v22, v17;
	v18 =	vmul.f32 v18, v18;
	v19 =	vmul.f32 v19, v19;
	v25 =	vld [tilespmem:s26+$0x30]  }
0xc8: {  	v22 =	vsub.f32 v23, v12;
	v23 =	vsub.f32 v23, v13;
	v29 =	vmax.f32 v20, $0.0e+00  }
0xc9: {  	v26 =	vmul.f32 v26, v26;
	v24 =	vadd.f32 v24, v15;
	v20 =	vsub.f32 v27, v13  }
0xca: {  	v21 =	vadd.f32 v21, v17;
	v15 =	vmax.f32 v23, $0.0e+00;
	v23 =	vsub.f32 v27, v12  }
0xcb: {  	v24 =	vadd.f32 v7, v24;
	v17 =	vsub.f32 v28, v13;
	v20 =	vmax.f32 v20, $0.0e+00  }
0xcc: {  	v30 =	vmul.f32 v8, v8;
	v27 =	vsub.f32 v28, v12;
	v28 =	vsub.f32 v25, v13  }
0xcd: {  	v8 =	vmax.f32 v22, $0.0e+00;
	v7 =	vmul.f32 v20, v20;
	v20 =	vadd.f32 v16, v24  }
0xce: {  	v17 =	vmax.f32 v17, $0.0e+00;
	v22 =	vmul.f32 v8, v8;
	v16 =	vld [tilespmem:s26+$0x10];
	v8 =	vmax.f32 v28, $0.0e+00  }
0xcf: {  	v24 =	vmax.f32 v27, $0.0e+00;
	v23 =	vmax.f32 v23, $0.0e+00;
	v20 =	vadd.f32 v26, v20  }
.Ltmp6:
0xd0: {  	v21 =	vadd.f32 v18, v21;
	v24 =	vmul.f32 v24, v24;
	v18 =	vmul.f32 v23, v23;
	(pc) =	sbr.rel @p2 .LBB2_8-.Ltmp6, $4  }
0xd1: {  	v23 =	vsub.f32 v25, v12;
	v20 =	vadd.f32 v30, v20  }
0xd2: {  	v25 =	vsub.f32 v14, v12;
	v24 =	vadd.f32 v24, v21  }
0xd3: {  	v21 =	vmax.f32 v23, $0.0e+00;
	v20 =	vadd.f32 v19, v20;
	v19 =	vsub.f32 v16, v12  }
0xd4: {  	s26 =	sadd.s32 $0x80, s26;
	v23 =	vadd.f32 v22, v24;
	v24 =	vmul.f32 v29, v29;
	v22 =	vmax.f32 v25, $0.0e+00  }
.LBB2_9:
0xd5: {  	v17 =	vmul.f32 v17, v17  }
0xd6: {  	v6 =	vsub.f32 v6, v13  }
0xd7: {  	v15 =	vmul.f32 v15, v15;
	v17 =	vadd.f32 v17, v20  }
0xd8: {  	v6 =	vmax.f32 v6, $0.0e+00  }
0xd9: {  	v16 =	vsub.f32 v16, v13;
	v6 =	vmul.f32 v6, v6;
	v15 =	vadd.f32 v15, v17  }
0xda: {  	v14 =	vsub.f32 v14, v13  }
0xdb: {  	v61 =	vadd.f32 v24, v23;
	v16 =	vmax.f32 v16, $0.0e+00;
	v6 =	vadd.f32 v6, v15  }
0xdc: {  	v62 =	vmax.f32 v19, $0.0e+00;
	v14 =	vmax.f32 v14, $0.0e+00;
	v16 =	vmul.f32 v16, v16  }
0xdd: {  	v17 =	vmul.f32 v62, v62;
	v15 =	vadd.f32 v18, v61;
	v6 =	vadd.f32 v7, v6  }
0xde: {  	v14 =	vmul.f32 v14, v14  }
0xdf: {  	v7 =	vmul.f32 v22, v22;
	v15 =	vadd.f32 v17, v15;
	v6 =	vadd.f32 v16, v6  }
0xe0: {  	v63 =	vmul.f32 v21, v21  }
0xe1: {  	v8 =	vmul.f32 v8, v8;
	v7 =	vadd.f32 v7, v15;
	v14 =	vadd.f32 v14, v6;
	_ =	sdelay $0x1  }
0xe2: {  	v6 =	vadd.f32 v63, v7;
	v7 =	vadd.f32 v8, v14  }
.LBB2_10:
.Ltmp7:
0xe3: {  	(pc) =	sbr.rel @p1 .LBB2_12-.Ltmp7, $2  }
0xe4: {  	_ =	sdelay $0x2  }
0xe5: {  	s25 =	smov.u32 s23;
	s26 =	smov.u32 s22  }
.LBB2_11:
0xe6: {  	v8 =	vld [tilespmem:s25+$0x0];
	_ =	sdelay $0x3  }
0xe7: {  	s26 =	sadd.s32 $0x1, s26  }
0xe8: {  	p2 =	slt.s32 s26, s21;
	v14 =	vsub.f32 v8, v12;
	v8 =	vsub.f32 v8, v13  }
.Ltmp8:
0xe9: {  	_ = 	snop;
	(pc) =	sbr.rel @p2 .LBB2_11-.Ltmp8, $3  }
0xea: {  	v14 =	vmax.f32 v14, $0.0e+00;
	v8 =	vmax.f32 v8, $0.0e+00  }
0xeb: {  	v14 =	vmul.f32 v14, v14;
	v8 =	vmul.f32 v8, v8;
	_ =	sdelay $0x1  }
0xec: {  	s25 =	sadd.s32 $0x10, s25;
	v6 =	vadd.f32 v14, v6;
	v7 =	vadd.f32 v8, v7  }
.Ltmp9:
0xed: {  	_ = 	snop;
	(pc) =	sbr.rel .LBB2_12-.Ltmp9, $1  }
0xee: {  	_ =	sdelay $0x3  }
.LBB2_13:
0xef: {  	s21 =	simm.s32 $0x80  }
0xf0: {  	v10 =	vadd.f32 v11, v10;
	v11 =	vld [tilespmem:s21+$0x70]  }
0xf1: {  	v12 =	vld [tilespmem:s21+$0xFFFFFF90]  }
0xf2: {  	v13 =	vld [tilespmem:s21+$0xFFFFFFA0]  }
0xf3: {  	v14 =	vld [tilespmem:s21+$0xFFFFFFC0]  }
0xf4: {  	v15 =	vld [tilespmem:s21+$0xFFFFFFD0];
	v10 =	vmul.f32 $5.000000000e-01, v10  }
0xf5: {  	v17 =	vld [tilespmem:s21+$0xFFFFFFF0]  }
0xf6: {  	v18 =	vld [tilespmem:s21+$0x0];
	v10 =	vadd.f32 v10, v10  }
0xf7: {  	v19 =	vld [tilespmem:s21+$0x10]  }
0xf8: {  	v21 =	vld [tilespmem:s21+$0x20];
	v9 =	vadd.f32 v10, v9  }
0xf9: {  	v10 =	vld [tilespmem:s21+$0xFFFFFFB0]  }
0xfa: {  	v22 =	vld [tilespmem:s21+$0x40];
	v11 =	vsub.f32 v11, v9  }
0xfb: {  	v24 =	vld [tilespmem:s21+$0x50];
	v12 =	vsub.f32 v12, v9;
	v13 =	vsub.f32 v13, v9  }
0xfc: {  	v16 =	vld [tilespmem:s21+$0xFFFFFFE0];
	v14 =	vsub.f32 v14, v9;
	v15 =	vsub.f32 v15, v9  }
0xfd: {  	v17 =	vsub.f32 v17, v9;
	v18 =	vsub.f32 v18, v9  }
0xfe: {  	v25 =	vld [tilespmem:s21+$0x60];
	v19 =	vsub.f32 v19, v9;
	v10 =	vsub.f32 v10, v9  }
0xff: {  	v21 =	vsub.f32 v21, v9;
	v22 =	vsub.f32 v22, v9;
	v12 =	vmul.f32 $5.000000000e-01, v12  }
0x100: {  	v26 =	vld [tilespmem:s21+$0xFFFFFF80];
	v28 =	vsub.f32 v24, v9;
	v11 =	vmul.f32 $5.000000000e-01, v11;
	v20 =	vmul.f32 $5.000000000e-01, v10  }
0x101: {  	v10 =	vmax.f32 v12, $0.0e+00;
	v12 =	vmul.f32 $5.000000000e-01, v14;
	v14 =	vsub.f32 v16, v9;
	v16 =	vld [tilespmem:s21+$0x30]  }
0x102: {  	v13 =	vmul.f32 $5.000000000e-01, v13;
	v15 =	vmul.f32 $5.000000000e-01, v15;
	v11 =	vmax.f32 v11, $0.0e+00  }
0x103: {  	v25 =	vsub.f32 v25, v9;
	v17 =	vmul.f32 $5.000000000e-01, v17;
	v23 =	vmul.f32 v11, v11  }
0x104: {  	v11 =	vmax.f32 v13, $0.0e+00;
	v13 =	vmax.f32 v20, $0.0e+00;
	v20 =	vmul.f32 $5.000000000e-01, v14  }
0x105: {  	v24 =	vsub.f32 v26, v9;
	v18 =	vmul.f32 $5.000000000e-01, v18;
	v19 =	vmul.f32 $5.000000000e-01, v19  }
0x106: {  	v14 =	vmax.f32 v15, $0.0e+00;
	v15 =	vmax.f32 v20, $0.0e+00;
	v20 =	vsub.f32 v16, v9  }
0x107: {  	v21 =	vmul.f32 $5.000000000e-01, v21;
	v16 =	vmax.f32 v17, $0.0e+00;
	v17 =	vmax.f32 v18, $0.0e+00  }
0x108: {  	v18 =	vmax.f32 v19, $0.0e+00;
	v19 =	vmul.f32 $5.000000000e-01, v22;
	v27 =	vmul.f32 $5.000000000e-01, v20  }
0x109: {  	v12 =	vmax.f32 v12, $0.0e+00;
	[tilespmem:s21+$0x70] =	vst v23;
	v23 =	vmul.f32 $5.000000000e-01, v25;
	v22 =	vmul.f32 $5.000000000e-01, v28  }
0x10a: {  	s22 =	simm.s32 $0x0;
	s23 =	simm.s32 $0x180;
	v20 =	vmax.f32 v21, $0.0e+00;
	v19 =	vmax.f32 v19, $0.0e+00;
	v21 =	vmax.f32 v27, $0.0e+00  }
.LBB2_14:
0x10b: {  	v25 =	vld [tilespmem:s23+$0x70];
	s22 =	sadd.s32 $0x10, s22;
	v24 =	vmul.f32 $5.000000000e-01, v24;
	v10 =	vmul.f32 v10, v10;
	v22 =	vmax.f32 v22, $0.0e+00  }
0x10c: {  	v11 =	vmul.f32 v11, v11;
	v13 =	vmul.f32 v13, v13;
	v26 =	vld [tilespmem:s23+$0xFFFFFF90];
	p0 =	slt.u32 s22, $0x7F0;
	v23 =	vmax.f32 v23, $0.0e+00  }
0x10d: {  	v27 =	vld [tilespmem:s23+$0xFFFFFFA0];
	v24 =	vmax.f32 v24, $0.0e+00;
	[tilespmem:s21+$0xFFFFFF90] =	vst v10;
	v10 =	vmul.f32 v12, v12;
	v12 =	vmul.f32 v14, v14  }
0x10e: {  	v14 =	vld [tilespmem:s23+$0xFFFFFFB0];
	v24 =	vmul.f32 v24, v24;
	[tilespmem:s21+$0xFFFFFFA0] =	vst v11;
	v11 =	vmul.f32 v15, v15  }
0x10f: {  	v15 =	vld [tilespmem:s23+$0xFFFFFFC0];
	[tilespmem:s21+$0xFFFFFFB0] =	vst v13;
	v13 =	vmul.f32 v16, v16;
	v16 =	vmul.f32 v17, v17  }
0x110: {  	v18 =	vmul.f32 v18, v18;
	v20 =	vmul.f32 v20, v20;
	v17 =	vld [tilespmem:s23+$0xFFFFFFD0];
	v25 =	vsub.f32 v25, v9;
	[tilespmem:s21+$0xFFFFFF80] =	vst v24  }
0x111: {  	v21 =	vmul.f32 v21, v21;
	v19 =	vmul.f32 v19, v19;
	v24 =	vsub.f32 v26, v9;
	v26 =	vld [tilespmem:s23+$0xFFFFFFE0];
	[tilespmem:s21+$0xFFFFFFC0] =	vst v10  }
0x112: {  	v22 =	vmul.f32 v22, v22;
	v10 =	vsub.f32 v27, v9;
	v27 =	vld [tilespmem:s23+$0xFFFFFFF0];
	v25 =	vmul.f32 $5.000000000e-01, v25;
	[tilespmem:s21+$0xFFFFFFD0] =	vst v12  }
0x113: {  	v23 =	vmul.f32 v23, v23;
	v12 =	vmul.f32 $5.000000000e-01, v24;
	v14 =	vsub.f32 v14, v9;
	v24 =	vld [tilespmem:s23+$0x0];
	[tilespmem:s21+$0xFFFFFFE0] =	vst v11  }
0x114: {  	v11 =	vmul.f32 $5.000000000e-01, v10;
	v15 =	vsub.f32 v15, v9;
	v28 =	vld [tilespmem:s23+$0x10];
	v10 =	vmax.f32 v25, $0.0e+00;
	[tilespmem:s21+$0xFFFFFFF0] =	vst v13  }
0x115: {  	v13 =	vmul.f32 $5.000000000e-01, v14;
	v14 =	vsub.f32 v17, v9;
	v17 =	vld [tilespmem:s23+$0x20];
	v25 =	vmul.f32 v10, v10;
	[tilespmem:s21+$0x0] =	vst v16  }
0x116: {  	v10 =	vmax.f32 v12, $0.0e+00;
	v12 =	vmul.f32 $5.000000000e-01, v15;
	v15 =	vsub.f32 v26, v9;
	v16 =	vld [tilespmem:s23+$0x30];
	[tilespmem:s21+$0x10] =	vst v18  }
0x117: {  	v11 =	vmax.f32 v11, $0.0e+00;
	v14 =	vmul.f32 $5.000000000e-01, v14;
	v18 =	vsub.f32 v27, v9;
	v26 =	vld [tilespmem:s23+$0x40];
	[tilespmem:s23+$0x70] =	vst v25  }
0x118: {  	v13 =	vmax.f32 v13, $0.0e+00;
	v15 =	vmul.f32 $5.000000000e-01, v15;
	v24 =	vsub.f32 v24, v9;
	v25 =	vld [tilespmem:s23+$0x50];
	[tilespmem:s21+$0x20] =	vst v20  }
0x119: {  	v12 =	vmax.f32 v12, $0.0e+00;
	v18 =	vmul.f32 $5.000000000e-01, v18;
	v20 =	vsub.f32 v28, v9;
	v27 =	vld [tilespmem:s23+$0x60];
	[tilespmem:s21+$0x30] =	vst v21  }
0x11a: {  	v14 =	vmax.f32 v14, $0.0e+00;
	v21 =	vld [tilespmem:s23+$0xFFFFFF80];
	v24 =	vmul.f32 $5.000000000e-01, v24;
	v17 =	vsub.f32 v17, v9;
	[tilespmem:s21+$0x40] =	vst v19  }
0x11b: {  	v15 =	vmax.f32 v15, $0.0e+00;
	v19 =	vmul.f32 $5.000000000e-01, v20;
	v20 =	vsub.f32 v16, v9;
	[tilespmem:s21+$0x50] =	vst v22  }
.Ltmp10:
0x11c: {  	v16 =	vmax.f32 v18, $0.0e+00;
	v22 =	vmul.f32 $5.000000000e-01, v17;
	v26 =	vsub.f32 v26, v9;
	[tilespmem:s21+$0x60] =	vst v23;
	s21 =	smov.u32 s23;
	(pc) =	sbr.rel @p0 .LBB2_14-.Ltmp10, $4  }
0x11d: {  	v17 =	vmax.f32 v24, $0.0e+00;
	v23 =	vmul.f32 $5.000000000e-01, v20;
	v25 =	vsub.f32 v25, v9  }
0x11e: {  	v18 =	vmax.f32 v19, $0.0e+00;
	v19 =	vmul.f32 $5.000000000e-01, v26;
	v26 =	vsub.f32 v27, v9  }
0x11f: {  	v20 =	vmax.f32 v22, $0.0e+00;
	v24 =	vsub.f32 v21, v9;
	v22 =	vmul.f32 $5.000000000e-01, v25  }
0x120: {  	s23 =	sadd.s32 $0x100, s23;
	v21 =	vmax.f32 v23, $0.0e+00;
	v19 =	vmax.f32 v19, $0.0e+00;
	v23 =	vmul.f32 $5.000000000e-01, v26  }
0x121: {  	v10 =	vmul.f32 v10, v10  }
0x122: {  	v11 =	vmul.f32 v11, v11  }
0x123: {  	v13 =	vmul.f32 v13, v13;
	[tilespmem:s21+$0xFFFFFF90] =	vst v10  }
0x124: {  	v9 =	vmul.f32 $5.000000000e-01, v24;
	[tilespmem:s21+$0xFFFFFFA0] =	vst v11;
	v10 =	vmul.f32 v12, v12  }
0x125: {  	[tilespmem:s21+$0xFFFFFFB0] =	vst v13;
	v11 =	vmul.f32 v14, v14  }
0x126: {  	v9 =	vmax.f32 v9, $0.0e+00;
	v12 =	vmul.f32 v19, v19;
	[tilespmem:s21+$0xFFFFFFC0] =	vst v10  }
0x127: {  	v9 =	vmul.f32 v9, v9;
	[tilespmem:s21+$0xFFFFFFD0] =	vst v11  }
0x128: {  	v10 =	vmul.f32 v16, v16;
	[tilespmem:s21+$0x40] =	vst v12  }
0x129: {  	v11 =	vmul.f32 v17, v17;
	[tilespmem:s21+$0xFFFFFF80] =	vst v9  }
0x12a: {  	v9 =	vmul.f32 v15, v15;
	[tilespmem:s21+$0xFFFFFFF0] =	vst v10  }
0x12b: {  	v10 =	vmul.f32 v20, v20;
	[tilespmem:s21+$0x0] =	vst v11  }
0x12c: {  	[tilespmem:s21+$0xFFFFFFE0] =	vst v9;
	v9 =	vmul.f32 v18, v18  }
0x12d: {  	v11 =	vmul.f32 v21, v21;
	[tilespmem:s21+$0x20] =	vst v10;
	v10 =	vmax.f32 v23, $0.0e+00  }
0x12e: {  	[tilespmem:s21+$0x10] =	vst v9;
	v9 =	vmax.f32 v22, $0.0e+00;
	v10 =	vmul.f32 v10, v10  }
0x12f: {  	[tilespmem:s21+$0x30] =	vst v11;
	v9 =	vmul.f32 v9, v9  }
0x130: {  	[tilespmem:s21+$0x60] =	vst v10  }
0x131: {  	[tilespmem:s21+$0x50] =	vst v9  }
0x132: {  	[hbm4b:s5+s16] =	stream.strided.scatter [tilespmem:s2], [sflag:$0x3], $0x8000, s12, s16, $0x38;
	[tilespmem:$0x18080] =	vst v63  }
0x133: {  	_ =	swait.ge [sflag:s17], $0x8000  }
0x134: {  	[sflag:s17] =	ssyncset.done $0x0  }
0x135: {  	[sflag:s17] =	ssyncadd.s32 $0xFFFF8000  }
0x136: {  	[tilespmem:s2], [sflag:$0x1] =	stream.strided.gather [hbm4b:s6+s16], $0x8000, s12, s16, $0x38;
	[tilespmem:$0x18080] =	vst v63  }
0x137: {  	_ =	swait.ge [sflag:s18], $0x8000  }
0x138: {  	[sflag:s18] =	ssyncset.done $0x0  }
0x139: {  	s22 =	simm.s32 $0x8080;
	[sflag:s18] =	ssyncadd.s32 $0xFFFF8000  }
0x13a: {  	v9 =	vld [tilespmem:s22+$0xFFFFFF80]  }
0x13b: {  	v10 =	vld [tilespmem:s22+$0xFFFFFF90]  }
0x13c: {  	v11 =	vld [tilespmem:s22+$0xFFFFFFA0]  }
0x13d: {  	v12 =	vld [tilespmem:s22+$0xFFFFFFB0]  }
0x13e: {  	v13 =	vimm.f32 $-Inf;
	v14 =	vld [tilespmem:s22+$0xFFFFFFC0]  }
0x13f: {  	v9 =	vmax.f32 v13, v9;
	v13 =	vld [tilespmem:s22+$0xFFFFFFD0]  }
0x140: {  	v9 =	vmax.f32 v9, v10;
	v10 =	vld [tilespmem:s22+$0xFFFFFFE0]  }
0x141: {  	v9 =	vmax.f32 v9, v11;
	v11 =	vld [tilespmem:s22+$0xFFFFFFF0]  }
0x142: {  	v9 =	vmax.f32 v9, v12;
	v12 =	vld [tilespmem:s22+$0x0]  }
0x143: {  	v9 =	vmax.f32 v9, v14;
	v14 =	vld [tilespmem:s22+$0x10]  }
0x144: {  	v9 =	vmax.f32 v9, v13;
	v13 =	vld [tilespmem:s22+$0x20]  }
0x145: {  	v10 =	vmax.f32 v9, v10;
	v9 =	vld [tilespmem:s22+$0x30]  }
0x146: {  	v11 =	vmax.f32 v10, v11;
	v10 =	vld [tilespmem:s22+$0x40]  }
0x147: {  	v12 =	vmax.f32 v11, v12;
	v11 =	vld [tilespmem:s22+$0x50]  }
0x148: {  	v14 =	vmax.f32 v12, v14;
	v12 =	vld [tilespmem:s22+$0x60]  }
0x149: {  	s21 =	simm.s32 $0x0;
	v14 =	vmax.f32 v14, v13;
	v13 =	vld [tilespmem:s22+$0x70];
	s22 =	simm.s32 $0x8180  }
.LBB2_16:
0x14a: {  	v15 =	vld [tilespmem:s22+$0xFFFFFF80];
	s21 =	sadd.s32 $0x10, s21;
	v9 =	vmax.f32 v14, v9  }
0x14b: {  	v14 =	vld [tilespmem:s22+$0xFFFFFF90];
	p0 =	slt.u32 s21, $0x7F0;
	v9 =	vmax.f32 v9, v10  }
0x14c: {  	v10 =	vld [tilespmem:s22+$0xFFFFFFA0];
	v9 =	vmax.f32 v9, v11  }
0x14d: {  	v11 =	vld [tilespmem:s22+$0xFFFFFFB0];
	v9 =	vmax.f32 v9, v12  }
0x14e: {  	v12 =	vld [tilespmem:s22+$0xFFFFFFC0];
	v9 =	vmax.f32 v9, v13  }
0x14f: {  	v9 =	vmax.f32 v9, v15;
	v13 =	vld [tilespmem:s22+$0xFFFFFFD0]  }
0x150: {  	v9 =	vmax.f32 v9, v14;
	v14 =	vld [tilespmem:s22+$0xFFFFFFE0]  }
0x151: {  	v9 =	vmax.f32 v9, v10;
	v10 =	vld [tilespmem:s22+$0xFFFFFFF0]  }
0x152: {  	v9 =	vmax.f32 v9, v11;
	v11 =	vld [tilespmem:s22+$0x0]  }
0x153: {  	v9 =	vmax.f32 v9, v12;
	v12 =	vld [tilespmem:s22+$0x10]  }
0x154: {  	v9 =	vmax.f32 v9, v13;
	v13 =	vld [tilespmem:s22+$0x20]  }
.Ltmp11:
0x155: {  	v14 =	vmax.f32 v9, v14;
	v9 =	vld [tilespmem:s22+$0x30];
	(pc) =	sbr.rel @p0 .LBB2_16-.Ltmp11, $4  }
0x156: {  	v14 =	vmax.f32 v14, v10;
	v10 =	vld [tilespmem:s22+$0x40]  }
0x157: {  	v14 =	vmax.f32 v14, v11;
	v11 =	vld [tilespmem:s22+$0x50]  }
0x158: {  	v14 =	vmax.f32 v14, v12;
	v12 =	vld [tilespmem:s22+$0x60]  }
0x159: {  	v14 =	vmax.f32 v14, v13;
	v13 =	vld [tilespmem:s22+$0x70];
	s22 =	sadd.s32 $0x100, s22  }
0x15a: {  	v9 =	vmax.f32 v14, v9  }
0x15b: {  	v9 =	vmax.f32 v9, v10  }
0x15c: {  	v9 =	vmax.f32 v9, v11  }
0x15d: {  	v9 =	vmax.f32 v9, v12  }
0x15e: {  	v9 =	vmax.f32 v9, v13  }
0x15f: {  	v10 =	vperm.xlane v9, v0;
	_ =	sdelay $0x1  }
0x160: {  	v9 =	vmax.f32 v9, v10  }
0x161: {  	v10 =	vperm.xlane v9, v1  }
0x162: {  	s21 =	simm.s32 $0x8040  }
0x163: {  	v14 =	vld [tilespmem:s21+$0xFFFFFFF0];
	v9 =	vmax.f32 v9, v10  }
0x164: {  	v15 =	vld [tilespmem:s21+$0x0];
	v10 =	vperm.xlane v9, v2  }
0x165: {  	v18 =	vld [tilespmem:s21+$0x10]  }
0x166: {  	v11 =	vld [tilespmem:s21+$0xFFFFFFC0];
	v9 =	vmax.f32 v9, v10  }
0x167: {  	v12 =	vld [tilespmem:s21+$0xFFFFFFD0];
	v10 =	vperm.xlane v9, v3  }
0x168: {  	v13 =	vld [tilespmem:s21+$0xFFFFFFE0]  }
0x169: {  	v20 =	vld [tilespmem:s21+$0x20];
	v9 =	vmax.f32 v9, v10  }
0x16a: {  	v16 =	vimm.s32 $0x0;
	v22 =	vld [tilespmem:s21+$0x30];
	v10 =	vadd.f32 $-2.000000000e+00, v9  }
0x16b: {  	v17 =	vadd.s32 v4, v16  }
0x16c: {  	vm0 =	vgt.f32 v11, v10;
	vm6 =	vgt.f32 v12, v10;
	v11 =	vsub.f32 v11, v9  }
0x16d: {  	vm7 =	vgt.f32 v13, v10;
	vm1 =	vgt.f32 v14, v10;
	vm2 =	vgt.f32 v15, v10  }
0x16e: {  	v12 =	vsub.f32 v12, v9;
	v13 =	vsub.f32 v13, v9;
	vm3 =	vgt.f32 v18, v10  }
0x16f: {  	vm4 =	vgt.f32 v20, v10;
	vm5 =	vgt.f32 v22, v10;
	v14 =	vsub.f32 v14, v9  }
0x170: {  	v15 =	vsub.f32 v15, v9;
	v19 =	vmpcnt.ones.xlane vm0;
	v21 =	vmpcnt.ones.xlane vm6  }
0x171: {  	v18 =	vsub.f32 v18, v9;
	v23 =	vmpcnt.ones.xlane vm7;
	v25 =	vmpcnt.ones.xlane vm1  }
0x172: {  	v20 =	vsub.f32 v20, v9;
	v27 =	vmpcnt.ones.xlane vm2;
	v29 =	vmpcnt.ones.xlane vm3  }
0x173: {  	v22 =	vsub.f32 v22, v9;
	v31 =	vmpcnt.ones.xlane vm4;
	v33 =	vmpcnt.ones.xlane vm5  }
0x174: {  	v11 =	vmul.f32 $5.000000000e-01, v11;
	v12 =	vmul.f32 $5.000000000e-01, v12;
	v16 =	vadd.s32 v16, v19  }
0x175: {  	v13 =	vmul.f32 $5.000000000e-01, v13;
	v35 =	vmul.f32 $5.000000000e-01, v14;
	v24 =	vadd.s32 v16, v21  }
0x176: {  	v39 =	vmul.f32 $5.000000000e-01, v18;
	(xrf1) =	vsort.dscd.msk.f32 vm0, v11, v11;
	vm0 =	vgt.s32 v19, v4;
	v18 =	vadd.s32 v4, v16  }
0x177: {  	v62 =	vmul.f32 $5.000000000e-01, v15;
	v26 =	vadd.s32 v24, v23;
	(xrf1) =	vsort.dscd.msk.f32 vm6, v12, v12;
	v12 =	vadd.s32 v4, v24  }
0x178: {  	v40 =	vnsel vm0, $0x800F, v17;
	vm6 =	vgt.s32 v21, v4;
	vm0 =	vgt.s32 v23, v4  }
0x179: {  	s21 =	simm.s32 $0x80C0;
	v22 =	vmul.f32 $5.000000000e-01, v22;
	v28 =	vadd.s32 v26, v25;
	(xrf1) =	vsort.dscd.msk.f32 vm7, v13, v13;
	v13 =	vadd.s32 v4, v26  }
0x17a: {  	v19 =	vld [tilespmem:s21+$0xFFFFFFC0];
	v16 =	vnsel vm0, $0x800F, v12;
	vm0 =	vgt.s32 v27, v4;
	vm7 =	vgt.s32 v31, v4  }
0x17b: {  	v21 =	vld [tilespmem:s21+$0xFFFFFFD0];
	v41 =	vnsel vm6, $0x800F, v18;
	v30 =	vadd.s32 v28, v27;
	v15 =	vadd.s32 v4, v28;
	(xrf1) =	vsort.dscd.msk.f32 vm1, v35, v35  }
0x17c: {  	v28 =	vmul.f32 $5.000000000e-01, v20;
	v32 =	vadd.s32 v30, v29;
	v11 =	vadd.s32 v4, v30;
	(xrf1) =	vsort.dscd.msk.f32 vm2, v62, v62  }
0x17d: {  	v23 =	vld [tilespmem:s21+$0xFFFFFFE0];
	v15 =	vnsel vm0, $0x800F, v15;
	vm0 =	vgt.s32 v25, v4;
	v34 =	vadd.s32 v32, v31;
	(xrf1) =	vsort.dscd.msk.f32 vm3, v39, v39  }
0x17e: {  	v14 =	vadd.s32 v4, v32;
	v17 =	vnsel vm0, $0x800F, v13;
	vm0 =	vgt.s32 v33, v4;
	(xrf1) =	vsort.dscd.msk.f32 vm4, v28, v28  }
0x17f: {  	v31 =	vsub.f32 v19, v9;
	v12 =	vnsel vm7, $0x800F, v14;
	vm7 =	vgt.s32 v29, v4;
	v29 =	vld [tilespmem:s21+$0xFFFFFFF0];
	(xrf1) =	vsort.dscd.msk.f32 vm5, v22, v22  }
0x180: {  	v30 =	vld [tilespmem:s21+$0x0];
	v38 =	vadd.s32 v34, v33;
	v34 =	vadd.s32 v4, v34;
	vm1 =	vgt.f32 v21, v10  }
0x181: {  	v33 =	vld [tilespmem:s21+$0x10];
	v13 =	vnsel vm7, $0x800F, v11;
	v11 =	vnsel vm0, $0x800F, v34;
	vm0 =	vgt.f32 v19, v10  }
0x182: {  	v35 =	vld [tilespmem:s21+$0x20];
	vm2 =	vgt.f32 v23, v10;
	v36 =	vsub.f32 v23, v9;
	v20 =	vmpcnt.ones.xlane vm0  }
0x183: {  	v37 =	vld [tilespmem:s21+$0x30];
	v14 =	vadd.s32 v4, v38;
	v34 =	vsub.f32 v21, v9;
	v18 =	vmpcnt.ones.xlane vm1  }
0x184: {  	v24 =	vmpcnt.ones.xlane vm2;
	v25 =	vadd.s32 v38, v20;
	vm3 =	vgt.f32 v29, v10  }
0x185: {  	vm4 =	vgt.f32 v30, v10;
	v26 =	vadd.s32 v25, v18;
	v21 =	vmpcnt.ones.xlane vm3  }
0x186: {  	v22 =	vmpcnt.ones.xlane vm4;
	vm5 =	vgt.f32 v33, v10;
	v27 =	vadd.s32 v26, v24;
	v23, _, _ =	vpop (xrf1)  }
0x187: {  	vm6 =	vgt.f32 v35, v10;
	v19 =	vmpcnt.ones.xlane vm5;
	v28 =	vadd.s32 v27, v21;
	[tilespmem:v40+s15+$0x0] =	vst.idx.msk $0xffff, v23;
	v63, _, _ =	vpop (xrf1)  }
0x188: {  	s22 =	simm.s32 $0x8;
	vm7 =	vgt.f32 v37, v10;
	v32 =	vadd.s32 v28, v22;
	v23 =	vmpcnt.ones.xlane vm6;
	[tilespmem:v41+s15+$0x0] =	vst.idx.msk $0xffff, v63;
	v38, _, _ =	vpop (xrf1)  }
.LBB2_18:
0x189: {  	s22 =	sadd.s32 $0x8, s22;
	v29 =	vsub.f32 v29, v9;
	v39 =	vadd.s32 v32, v19;
	v40 =	vmpcnt.ones.xlane vm7;
	[tilespmem:v16+s15+$0x0] =	vst.idx.msk $0xffff, v38;
	v16, _, _ =	vpop (xrf1)  }
0x18a: {  	v30 =	vsub.f32 v30, v9;
	v33 =	vsub.f32 v33, v9;
	p0 =	slt.u32 s22, $0x7F8;
	v38 =	vadd.s32 v39, v23;
	v41, _, _ =	vpop (xrf1)  }
0x18b: {  	v35 =	vsub.f32 v35, v9;
	v37 =	vsub.f32 v37, v9;
	v42 =	vadd.s32 v38, v40;
	v43, _, _ =	vpop (xrf1)  }
0x18c: {  	v31 =	vmul.f32 $5.000000000e-01, v31;
	v34 =	vmul.f32 $5.000000000e-01, v34;
	v38 =	vadd.s32 v4, v38;
	[tilespmem:v17+s15+$0x0] =	vst.idx.msk $0xffff, v16;
	v44, _, _ =	vpop (xrf1)  }
0x18d: {  	v16 =	vmul.f32 $5.000000000e-01, v36;
	v17 =	vmul.f32 $5.000000000e-01, v29;
	v36 =	vadd.s32 v4, v39;
	[tilespmem:v15+s15+$0x0] =	vst.idx.msk $0xffff, v41;
	v39, _, _ =	vpop (xrf1)  }
0x18e: {  	v32 =	vadd.s32 v4, v32;
	v29 =	vmul.f32 $5.000000000e-01, v33;
	v15 =	vmul.f32 $5.000000000e-01, v30;
	(xrf1) =	vsort.dscd.msk.f32 vm0, v31, v31  }
0x18f: {  	v28 =	vadd.s32 v4, v28;
	v30 =	vmul.f32 $5.000000000e-01, v35;
	v31 =	vmul.f32 $5.000000000e-01, v37;
	(xrf1) =	vsort.dscd.msk.f32 vm1, v34, v34  }
0x190: {  	v26 =	vadd.s32 v4, v26;
	v27 =	vadd.s32 v4, v27;
	(xrf1) =	vsort.dscd.msk.f32 vm2, v16, v16  }
0x191: {  	s21 =	sadd.s32 $0x80, s21;
	vm0 =	vgt.s32 v20, v4;
	v20 =	vadd.s32 v4, v25;
	(xrf1) =	vsort.dscd.msk.f32 vm3, v17, v17  }
0x192: {  	v41 =	vnsel vm0, $0x800F, v14;
	vm1 =	vgt.s32 v18, v4;
	vm0 =	vgt.s32 v24, v4;
	v25 =	vld [tilespmem:s21+$0xFFFFFFC0];
	(xrf1) =	vsort.dscd.msk.f32 vm4, v15, v15  }
0x193: {  	v16 =	vnsel vm0, $0x800F, v26;
	vm0 =	vgt.s32 v21, v4;
	vm2 =	vgt.s32 v22, v4;
	v18 =	vld [tilespmem:s21+$0xFFFFFFD0];
	(xrf1) =	vsort.dscd.msk.f32 vm5, v29, v29  }
0x194: {  	vm3 =	vgt.s32 v23, v4;
	v15 =	vnsel vm2, $0x800F, v28;
	vm2 =	vgt.s32 v19, v4;
	v21 =	vld [tilespmem:s21+$0xFFFFFFE0];
	(xrf1) =	vsort.dscd.msk.f32 vm6, v30, v30  }
0x195: {  	v14 =	vadd.s32 v4, v42;
	v19 =	vnsel vm3, $0x800F, v36;
	vm3 =	vgt.s32 v40, v4;
	v29 =	vld [tilespmem:s21+$0xFFFFFFF0];
	(xrf1) =	vsort.dscd.msk.f32 vm7, v31, v31  }
0x196: {  	v17 =	vnsel vm0, $0x800F, v27;
	v22 =	vnsel vm3, $0x800F, v38;
	v30 =	vld [tilespmem:s21+$0x0];
	[tilespmem:v13+s15+$0x0] =	vst.idx.msk $0xffff, v43;
	v13 =	vnsel vm2, $0x800F, v32  }
0x197: {  	v38 =	vnsel vm1, $0x800F, v20;
	vm0 =	vgt.f32 v25, v10;
	v31 =	vsub.f32 v25, v9;
	v33 =	vld [tilespmem:s21+$0x10];
	[tilespmem:v12+s15+$0x0] =	vst.idx.msk $0xffff, v44  }
0x198: {  	v20 =	vmpcnt.ones.xlane vm0;
	vm1 =	vgt.f32 v18, v10;
	v34 =	vsub.f32 v18, v9;
	v35 =	vld [tilespmem:s21+$0x20];
	[tilespmem:v11+s15+$0x0] =	vst.idx.msk $0xffff, v39  }
0x199: {  	v12 =	vmovc v19;
	v11 =	vmovc v22;
	v18 =	vmpcnt.ones.xlane vm1;
	vm2 =	vgt.f32 v21, v10;
	v36 =	vsub.f32 v21, v9;
	v37 =	vld [tilespmem:s21+$0x30]  }
.Ltmp12:
0x19a: {  	v25 =	vadd.s32 v42, v20;
	v24 =	vmpcnt.ones.xlane vm2;
	vm3 =	vgt.f32 v29, v10;
	(pc) =	sbr.rel @p0 .LBB2_18-.Ltmp12, $4  }
0x19b: {  	v26 =	vadd.s32 v25, v18;
	v21 =	vmpcnt.ones.xlane vm3;
	vm4 =	vgt.f32 v30, v10  }
0x19c: {  	v27 =	vadd.s32 v26, v24;
	v22 =	vmpcnt.ones.xlane vm4;
	vm5 =	vgt.f32 v33, v10;
	v23, _, _ =	vpop (xrf1)  }
0x19d: {  	v28 =	vadd.s32 v27, v21;
	v19 =	vmpcnt.ones.xlane vm5;
	vm6 =	vgt.f32 v35, v10;
	[tilespmem:v41+s15+$0x0] =	vst.idx.msk $0xffff, v23;
	v39, _, _ =	vpop (xrf1)  }
0x19e: {  	v32 =	vadd.s32 v28, v22;
	v23 =	vmpcnt.ones.xlane vm6;
	vm7 =	vgt.f32 v37, v10;
	[tilespmem:v38+s15+$0x0] =	vst.idx.msk $0xffff, v39;
	v38, _, _ =	vpop (xrf1)  }
0x19f: {  	v10 =	vadd.s32 v32, v19;
	v39 =	vmpcnt.ones.xlane vm7  }
0x1a0: {  	v40 =	vadd.s32 v10, v23  }
0x1a1: {  	v41 =	vadd.s32 v40, v39  }
0x1a2: {  	(v2sf) =	vpush v41, $0x0;
	_ =	sdelay $0x1  }
0x1a3: {  	v31 =	vmul.f32 $5.000000000e-01, v31  }
0x1a4: {  	v29 =	vsub.f32 v29, v9;
	v34 =	vmul.f32 $5.000000000e-01, v34  }
0x1a5: {  	v30 =	vsub.f32 v30, v9;
	v36 =	vmul.f32 $5.000000000e-01, v36;
	(xrf1) =	vsort.dscd.msk.f32 vm0, v31, v31  }
0x1a6: {  	v44 =	vsub.f32 v33, v9;
	v29 =	vmul.f32 $5.000000000e-01, v29;
	(xrf1) =	vsort.dscd.msk.f32 vm1, v34, v34  }
0x1a7: {  	v45 =	vsub.f32 v35, v9;
	v30 =	vmul.f32 $5.000000000e-01, v30;
	(xrf1) =	vsort.dscd.msk.f32 vm2, v36, v36  }
0x1a8: {  	v46 =	vsub.f32 v37, v9;
	v31 =	vmul.f32 $5.000000000e-01, v44;
	(xrf1) =	vsort.dscd.msk.f32 vm3, v29, v29  }
0x1a9: {  	v47 =	vmul.f32 $5.000000000e-01, v45;
	(xrf1) =	vsort.dscd.msk.f32 vm4, v30, v30  }
0x1aa: {  	v48 =	vmul.f32 $5.000000000e-01, v46;
	(xrf1) =	vsort.dscd.msk.f32 vm5, v31, v31  }
0x1ab: {  	(xrf1) =	vsort.dscd.msk.f32 vm6, v47, v47  }
0x1ac: {  	(xrf1) =	vsort.dscd.msk.f32 vm7, v48, v48;
	_ =	sdelay $0x1  }
0x1ad: {  	v49, _, _ =	vpop (xrf1);
	[tilespmem:v16+s15+$0x0] =	vst.idx.msk $0xffff, v38;
	vm8 =	vgt.s32 v20, v4  }
0x1ae: {  	v51 =	vadd.s32 v4, v25;
	vm9 =	vgt.s32 v18, v4;
	v50, _, _ =	vpop (xrf1);
	[tilespmem:v17+s15+$0x0] =	vst.idx.msk $0xffff, v49;
	v14 =	vnsel vm8, $0x800F, v14  }
0x1af: {  	v53 =	vadd.s32 v4, v26;
	vm10 =	vgt.s32 v24, v4;
	v54 =	vnsel vm9, $0x800F, v51;
	v52, _, _ =	vpop (xrf1);
	[tilespmem:v15+s15+$0x0] =	vst.idx.msk $0xffff, v50;
	s24 =	spop (v2sf)  }
0x1b0: {  	v56 =	vadd.s32 v4, v27;
	vm11 =	vgt.s32 v21, v4;
	v15 =	vnsel vm10, $0x800F, v53;
	v55, _, _ =	vpop (xrf1);
	[tilespmem:v13+s15+$0x0] =	vst.idx.msk $0xffff, v52;
	s21 =	sadd.s32 $0xF, s24  }
0x1b1: {  	v58 =	vadd.s32 v4, v28;
	vm12 =	vgt.s32 v22, v4;
	v20 =	vnsel vm11, $0x800F, v56;
	v57, _, _ =	vpop (xrf1);
	[tilespmem:v12+s15+$0x0] =	vst.idx.msk $0xffff, v55;
	s22 =	sand.u32 $0xF, s21  }
0x1b2: {  	v59 =	vadd.s32 v4, v32;
	vm13 =	vgt.s32 v19, v4;
	v60 =	vnsel vm12, $0x800F, v58;
	[tilespmem:v11+s15+$0x0] =	vst.idx.msk $0xffff, v57;
	v11, _, _ =	vpop (xrf1);
	s23 =	sshra.s32 s21, $0x1F;
	p0 =	slt.s32 s21, $0x1;
	p1 =	sne.s32 s22, $0x0  }
0x1b3: {  	v10 =	vadd.s32 v4, v10;
	vm14 =	vgt.s32 v23, v4;
	v12 =	vnsel vm13, $0x800F, v59;
	[tilespmem:v14+s15+$0x0] =	vst.idx.msk $0xffff, v11;
	v11, _, _ =	vpop (xrf1);
	s30 =	sshrl.u32 s23, $0x1C;
	p0 =	por !p0, !p1  }
0x1b4: {  	v61 =	vadd.s32 v4, v40;
	v10 =	vnsel vm14, $0x800F, v10;
	vm15 =	vgt.s32 v39, v4;
	[tilespmem:v54+s15+$0x0] =	vst.idx.msk $0xffff, v11;
	v11, _, _ =	vpop (xrf1);
	s22 =	simm.s32 $0x1;
	s21 =	sadd.s32 s30, s21;
	p0 =	por !p0, !p0  }
0x1b5: {  	v13 =	vnsel vm15, $0x800F, v61;
	[tilespmem:v15+s15+$0x0] =	vst.idx.msk $0xffff, v11;
	v11, _, _ =	vpop (xrf1);
	s21 =	sshra.s32 s21, $0x4;
	s22 =	simm.s32 @!p0 $0x0  }
0x1b6: {  	v62, _, _ =	vpop (xrf1);
	[tilespmem:v20+s15+$0x0] =	vst.idx.msk $0xffff, v11;
	s21 =	ssub.s32 s21, s22  }
0x1b7: {  	v11, _, _ =	vpop (xrf1);
	[tilespmem:v60+s15+$0x0] =	vst.idx.msk $0xffff, v62;
	s22 =	sshrl.u32 s21, $0x1D  }
.Ltmp13:
0x1b8: {  	v63, _, _ =	vpop (xrf1);
	[tilespmem:v12+s15+$0x0] =	vst.idx.msk $0xffff, v11;
	s22 =	sadd.s32 s22, s21;
	(pc) =	sbr.rel .LBB2_20-.Ltmp13, $4  }
0x1b9: {  	v11, _, _ =	vpop (xrf1);
	[tilespmem:v10+s15+$0x0] =	vst.idx.msk $0xffff, v63;
	s22 =	sand.u32 $0xFFFFFFF8, s22  }
0x1ba: {  	[tilespmem:v13+s15+$0x0] =	vst.idx.msk $0xffff, v11;
	s31 =	sshll.u32 s22, $0x6  }
0x1bb: {  	[tilespmem:s24+$0x10000] =	vst v5;
	s24 =	simm.s32 $0x0;
	s25 =	ssub.s32 s21, s22;
	s23 =	sshra.s32 s31, $0x2  }
0x1bc: {  	v10 =	vimm.f32 $-1.000000000e+00;
	v11 =	vimm.f32 $0.0e+00;
	p0 =	slt.s32 s22, $0x1;
	p1 =	slt.s32 s25, $0x1;
	s23 =	sadd.s32 $0x10000, s23  }
.LBB2_26:
0x1bd: {  	v16 =	vperm.xlane v14, v0;
	v17 =	vperm.xlane v15, v0;
	_ =	sdelay $0x1  }
0x1be: {  	v14 =	vadd.f32 v16, v14;
	v15 =	vadd.f32 v17, v15;
	_ =	sdelay $0x1  }
0x1bf: {  	v16 =	vperm.xlane v14, v6;
	v17 =	vperm.xlane v15, v6;
	_ =	sdelay $0x1  }
0x1c0: {  	v14 =	vadd.f32 v16, v14;
	v15 =	vadd.f32 v17, v15;
	_ =	sdelay $0x1  }
0x1c1: {  	v16 =	vperm.xlane v14, v7;
	v17 =	vperm.xlane v15, v7;
	_ =	sdelay $0x1  }
0x1c2: {  	v14 =	vadd.f32 v16, v14;
	v15 =	vadd.f32 v17, v15;
	_ =	sdelay $0x1  }
0x1c3: {  	s24 =	sadd.s32 $0x1, s24;
	v16 =	vperm.xlane v14, v8;
	v17 =	vperm.xlane v15, v8  }
0x1c4: {  	p2 =	sne.s32 s24, $0x12  }
.Ltmp14:
0x1c5: {  	v14 =	vadd.f32 v16, v14;
	v15 =	vadd.f32 v17, v15;
	(pc) =	sbr.rel @!p2 .LBB2_27-.Ltmp14, $4  }
0x1c6: {  	_ = 	snop  }
0x1c7: {  	vm0 =	vge.f32 v14, $1.000000000e+00;
	vm1 =	vge.f32 v15, $1.000000000e+00  }
0x1c8: {  	v10 =	vsel vm0, v12, v10;
	v11 =	vsel vm1, v11, v13  }
0x1c9: {  	v10 =	vsel vm1, v13, v10;
	v11 =	vsel vm0, v11, v12  }
.LBB2_20:
0x1ca: {  	v12 =	vsub.f32 v11, v10  }
.Ltmp15:
0x1cb: {  	_ = 	snop;
	(pc) =	sbr.rel @p0 .LBB2_24-.Ltmp15, $3  }
0x1cc: {  	v13 =	vmul.f32 $3.333333430e-01, v12;
	_ =	sdelay $0x1  }
0x1cd: {  	v12 =	vadd.f32 v13, v10;
	v13 =	vsub.f32 v11, v13  }
0x1ce: {  	v14 =	vimm.f32 $0.0e+00;
	v15 =	vimm.f32 $0.0e+00  }
0x1cf: {  	s25 =	simm.s32 $0x10040  }
0x1d0: {  	v15 =	vld [tilespmem:s25+$0xFFFFFFC0]  }
0x1d1: {  	v14 =	vld [tilespmem:s25+$0xFFFFFFF0]  }
0x1d2: {  	v17 =	vld [tilespmem:s25+$0x0]  }
0x1d3: {  	v19 =	vld [tilespmem:s25+$0xFFFFFFD0]  }
0x1d4: {  	v16 =	vld [tilespmem:s25+$0xFFFFFFE0];
	_ =	sdelay $0x1  }
0x1d5: {  	v18 =	vsub.f32 v15, v12;
	v15 =	vsub.f32 v15, v13  }
0x1d6: {  	v22 =	vimm.f32 $0.0e+00;
	v21 =	vld [tilespmem:s25+$0x30];
	v20 =	vsub.f32 v14, v12  }
0x1d7: {  	v26 =	vsub.f32 v17, v12;
	v27 =	vsub.f32 v19, v12;
	v15 =	vmax.f32 v15, $0.0e+00  }
0x1d8: {  	v24 =	vmul.f32 v15, v15;
	v15 =	vsub.f32 v16, v12;
	v16 =	vsub.f32 v16, v13  }
0x1d9: {  	v18 =	vmax.f32 v18, $0.0e+00;
	v25 =	vmax.f32 v20, $0.0e+00;
	v20 =	vsub.f32 v17, v13  }
0x1da: {  	v17 =	vld [tilespmem:s25+$0x20];
	v23 =	vmul.f32 v18, v18;
	v18 =	vmax.f32 v16, $0.0e+00;
	v16 =	vsub.f32 v19, v13  }
0x1db: {  	v28 =	vsub.f32 v21, v13;
	v20 =	vmax.f32 v20, $0.0e+00;
	v29 =	vmax.f32 v15, $0.0e+00;
	v19 =	vld [tilespmem:s25+$0x10]  }
0x1dc: {  	p2 =	sgt.s32 s22, $0x8;
	v15 =	vmul.f32 v20, v20;
	v20 =	vmax.f32 v16, $0.0e+00;
	v16 =	vmax.f32 v27, $0.0e+00  }
.Ltmp16:
0x1dd: {  	v23 =	vadd.f32 v23, v22;
	v27 =	vmul.f32 v29, v29;
	v29 =	vmul.f32 v16, v16;
	(pc) =	sbr.rel @!p2 .LBB2_23-.Ltmp16, $4  }
0x1de: {  	v26 =	vmax.f32 v26, $0.0e+00;
	v16 =	vmax.f32 v28, $0.0e+00;
	v28 =	vsub.f32 v21, v12  }
0x1df: {  	v21 =	vmul.f32 v26, v26;
	v26 =	vadd.f32 v29, v23;
	v29 =	vsub.f32 v17, v12  }
0x1e0: {  	v23 =	vadd.f32 v24, v22;
	v22 =	vsub.f32 v19, v12;
	v24 =	vmax.f32 v28, $0.0e+00  }
0x1e1: {  	s26 =	simm.s32 $0x100C0;
	s25 =	simm.s32 $0x8;
	v26 =	vadd.f32 v27, v26;
	v27 =	vmul.f32 v25, v25;
	v25 =	vmax.f32 v29, $0.0e+00  }
.LBB2_22:
0x1e2: {  	v28 =	vld [tilespmem:s26+$0xFFFFFFC0];
	s25 =	sadd.s32 $0x8, s25;
	v29 =	vsub.f32 v14, v13;
	v17 =	vsub.f32 v17, v13;
	v24 =	vmul.f32 v24, v24  }
0x1e3: {  	v19 =	vsub.f32 v19, v13;
	v25 =	vmul.f32 v25, v25;
	v30 =	vld [tilespmem:s26+$0x0];
	p2 =	slt.s32 s25, s22;
	v26 =	vadd.f32 v27, v26  }
0x1e4: {  	v20 =	vmul.f32 v20, v20;
	v14 =	vld [tilespmem:s26+$0xFFFFFFF0];
	v27 =	vmax.f32 v29, $0.0e+00;
	v29 =	vmax.f32 v17, $0.0e+00  }
0x1e5: {  	v22 =	vmax.f32 v22, $0.0e+00;
	v17 =	vld [tilespmem:s26+$0x20];
	v27 =	vmul.f32 v27, v27;
	v21 =	vadd.f32 v21, v26  }
0x1e6: {  	v18 =	vmul.f32 v18, v18;
	v22 =	vmul.f32 v22, v22;
	v20 =	vadd.f32 v20, v23;
	v26 =	vld [tilespmem:s26+$0xFFFFFFE0]  }
0x1e7: {  	v19 =	vmax.f32 v19, $0.0e+00;
	v23 =	vsub.f32 v28, v12;
	v28 =	vsub.f32 v28, v13;
	v31 =	vld [tilespmem:s26+$0xFFFFFFD0]  }
0x1e8: {  	v19 =	vmul.f32 v19, v19;
	v18 =	vadd.f32 v18, v20;
	v20 =	vadd.f32 v22, v21  }
0x1e9: {  	v21 =	vmax.f32 v23, $0.0e+00;
	v22 =	vmax.f32 v28, $0.0e+00;
	v23 =	vsub.f32 v14, v12  }
0x1ea: {  	v20 =	vadd.f32 v25, v20;
	v21 =	vmul.f32 v21, v21;
	v22 =	vmul.f32 v22, v22;
	v28 =	vld [tilespmem:s26+$0x30]  }
0x1eb: {  	v25 =	vsub.f32 v26, v12;
	v26 =	vsub.f32 v26, v13;
	v32 =	vmax.f32 v23, $0.0e+00  }
0x1ec: {  	v29 =	vmul.f32 v29, v29;
	v27 =	vadd.f32 v27, v18;
	v23 =	vsub.f32 v30, v13  }
0x1ed: {  	v24 =	vadd.f32 v24, v20;
	v18 =	vmax.f32 v26, $0.0e+00;
	v26 =	vsub.f32 v30, v12  }
0x1ee: {  	v27 =	vadd.f32 v15, v27;
	v20 =	vsub.f32 v31, v13;
	v23 =	vmax.f32 v23, $0.0e+00  }
0x1ef: {  	v33 =	vmul.f32 v16, v16;
	v30 =	vsub.f32 v31, v12;
	v31 =	vsub.f32 v28, v13  }
0x1f0: {  	v16 =	vmax.f32 v25, $0.0e+00;
	v15 =	vmul.f32 v23, v23;
	v23 =	vadd.f32 v19, v27  }
0x1f1: {  	v20 =	vmax.f32 v20, $0.0e+00;
	v25 =	vmul.f32 v16, v16;
	v19 =	vld [tilespmem:s26+$0x10];
	v16 =	vmax.f32 v31, $0.0e+00  }
0x1f2: {  	v27 =	vmax.f32 v30, $0.0e+00;
	v26 =	vmax.f32 v26, $0.0e+00;
	v23 =	vadd.f32 v29, v23  }
.Ltmp17:
0x1f3: {  	v24 =	vadd.f32 v21, v24;
	v27 =	vmul.f32 v27, v27;
	v21 =	vmul.f32 v26, v26;
	(pc) =	sbr.rel @p2 .LBB2_22-.Ltmp17, $4  }
0x1f4: {  	v26 =	vsub.f32 v28, v12;
	v23 =	vadd.f32 v33, v23  }
0x1f5: {  	v28 =	vsub.f32 v17, v12;
	v27 =	vadd.f32 v27, v24  }
0x1f6: {  	v24 =	vmax.f32 v26, $0.0e+00;
	v23 =	vadd.f32 v22, v23;
	v22 =	vsub.f32 v19, v12  }
0x1f7: {  	s26 =	sadd.s32 $0x80, s26;
	v26 =	vadd.f32 v25, v27;
	v27 =	vmul.f32 v32, v32;
	v25 =	vmax.f32 v28, $0.0e+00  }
.LBB2_23:
0x1f8: {  	v20 =	vmul.f32 v20, v20  }
0x1f9: {  	v14 =	vsub.f32 v14, v13  }
0x1fa: {  	v18 =	vmul.f32 v18, v18;
	v20 =	vadd.f32 v20, v23  }
0x1fb: {  	v14 =	vmax.f32 v14, $0.0e+00  }
0x1fc: {  	v19 =	vsub.f32 v19, v13;
	v14 =	vmul.f32 v14, v14;
	v18 =	vadd.f32 v18, v20  }
0x1fd: {  	v17 =	vsub.f32 v17, v13;
	v60 =	vadd.f32 v27, v26  }
0x1fe: {  	v62 =	vmax.f32 v22, $0.0e+00;
	v14 =	vadd.f32 v14, v18  }
0x1ff: {  	v19 =	vmax.f32 v19, $0.0e+00;
	v17 =	vmax.f32 v17, $0.0e+00;
	v61 =	vadd.f32 v21, v60  }
0x200: {  	v19 =	vmul.f32 v19, v19;
	v20 =	vmul.f32 v62, v62;
	v14 =	vadd.f32 v15, v14  }
0x201: {  	v17 =	vmul.f32 v17, v17  }
0x202: {  	v18 =	vadd.f32 v20, v61;
	v15 =	vmul.f32 v25, v25;
	v14 =	vadd.f32 v19, v14  }
0x203: {  	v63 =	vmul.f32 v24, v24  }
0x204: {  	v16 =	vmul.f32 v16, v16;
	v15 =	vadd.f32 v15, v18;
	v17 =	vadd.f32 v17, v14;
	_ =	sdelay $0x1  }
0x205: {  	v14 =	vadd.f32 v63, v15;
	v15 =	vadd.f32 v16, v17  }
.LBB2_24:
.Ltmp18:
0x206: {  	(pc) =	sbr.rel @p1 .LBB2_26-.Ltmp18, $2  }
0x207: {  	_ =	sdelay $0x2  }
0x208: {  	s25 =	smov.u32 s23;
	s26 =	smov.u32 s22  }
.LBB2_25:
0x209: {  	v16 =	vld [tilespmem:s25+$0x0];
	_ =	sdelay $0x3  }
0x20a: {  	s26 =	sadd.s32 $0x1, s26  }
0x20b: {  	p2 =	slt.s32 s26, s21;
	v17 =	vsub.f32 v16, v12;
	v16 =	vsub.f32 v16, v13  }
.Ltmp19:
0x20c: {  	_ = 	snop;
	(pc) =	sbr.rel @p2 .LBB2_25-.Ltmp19, $3  }
0x20d: {  	v17 =	vmax.f32 v17, $0.0e+00;
	v16 =	vmax.f32 v16, $0.0e+00  }
0x20e: {  	v17 =	vmul.f32 v17, v17;
	v16 =	vmul.f32 v16, v16;
	_ =	sdelay $0x1  }
0x20f: {  	s25 =	sadd.s32 $0x10, s25;
	v14 =	vadd.f32 v17, v14;
	v15 =	vadd.f32 v16, v15  }
.Ltmp20:
0x210: {  	_ = 	snop;
	(pc) =	sbr.rel .LBB2_26-.Ltmp20, $1  }
0x211: {  	_ =	sdelay $0x3  }
.LBB2_27:
0x212: {  	s21 =	simm.s32 $0x8080  }
0x213: {  	v10 =	vadd.f32 v11, v10;
	v11 =	vld [tilespmem:s21+$0x70]  }
0x214: {  	v12 =	vld [tilespmem:s21+$0xFFFFFF90]  }
0x215: {  	v13 =	vld [tilespmem:s21+$0xFFFFFFA0]  }
0x216: {  	v14 =	vld [tilespmem:s21+$0xFFFFFFC0]  }
0x217: {  	v15 =	vld [tilespmem:s21+$0xFFFFFFD0];
	v10 =	vmul.f32 $5.000000000e-01, v10  }
0x218: {  	v17 =	vld [tilespmem:s21+$0xFFFFFFF0]  }
0x219: {  	v18 =	vld [tilespmem:s21+$0x0];
	v10 =	vadd.f32 v10, v10  }
0x21a: {  	v19 =	vld [tilespmem:s21+$0x10]  }
0x21b: {  	v21 =	vld [tilespmem:s21+$0x20];
	v9 =	vadd.f32 v10, v9  }
0x21c: {  	v10 =	vld [tilespmem:s21+$0xFFFFFFB0]  }
0x21d: {  	v22 =	vld [tilespmem:s21+$0x40];
	v11 =	vsub.f32 v11, v9  }
0x21e: {  	v24 =	vld [tilespmem:s21+$0x50];
	v12 =	vsub.f32 v12, v9;
	v13 =	vsub.f32 v13, v9  }
0x21f: {  	v16 =	vld [tilespmem:s21+$0xFFFFFFE0];
	v14 =	vsub.f32 v14, v9;
	v15 =	vsub.f32 v15, v9  }
0x220: {  	v17 =	vsub.f32 v17, v9;
	v18 =	vsub.f32 v18, v9  }
0x221: {  	v25 =	vld [tilespmem:s21+$0x60];
	v19 =	vsub.f32 v19, v9;
	v10 =	vsub.f32 v10, v9  }
0x222: {  	v21 =	vsub.f32 v21, v9;
	v22 =	vsub.f32 v22, v9;
	v12 =	vmul.f32 $5.000000000e-01, v12  }
0x223: {  	v26 =	vld [tilespmem:s21+$0xFFFFFF80];
	v28 =	vsub.f32 v24, v9;
	v11 =	vmul.f32 $5.000000000e-01, v11;
	v20 =	vmul.f32 $5.000000000e-01, v10  }
0x224: {  	v10 =	vmax.f32 v12, $0.0e+00;
	v12 =	vmul.f32 $5.000000000e-01, v14;
	v14 =	vsub.f32 v16, v9;
	v16 =	vld [tilespmem:s21+$0x30]  }
0x225: {  	v13 =	vmul.f32 $5.000000000e-01, v13;
	v15 =	vmul.f32 $5.000000000e-01, v15;
	v11 =	vmax.f32 v11, $0.0e+00  }
0x226: {  	v25 =	vsub.f32 v25, v9;
	v17 =	vmul.f32 $5.000000000e-01, v17;
	v23 =	vmul.f32 v11, v11  }
0x227: {  	v11 =	vmax.f32 v13, $0.0e+00;
	v13 =	vmax.f32 v20, $0.0e+00;
	v20 =	vmul.f32 $5.000000000e-01, v14  }
0x228: {  	v24 =	vsub.f32 v26, v9;
	v18 =	vmul.f32 $5.000000000e-01, v18;
	v19 =	vmul.f32 $5.000000000e-01, v19  }
0x229: {  	v14 =	vmax.f32 v15, $0.0e+00;
	v15 =	vmax.f32 v20, $0.0e+00;
	v20 =	vsub.f32 v16, v9  }
0x22a: {  	v21 =	vmul.f32 $5.000000000e-01, v21;
	v16 =	vmax.f32 v17, $0.0e+00;
	v17 =	vmax.f32 v18, $0.0e+00  }
0x22b: {  	v18 =	vmax.f32 v19, $0.0e+00;
	v19 =	vmul.f32 $5.000000000e-01, v22;
	v27 =	vmul.f32 $5.000000000e-01, v20  }
0x22c: {  	v12 =	vmax.f32 v12, $0.0e+00;
	[tilespmem:s21+$0x70] =	vst v23;
	v23 =	vmul.f32 $5.000000000e-01, v25;
	v22 =	vmul.f32 $5.000000000e-01, v28  }
0x22d: {  	s22 =	simm.s32 $0x0;
	s23 =	simm.s32 $0x8180;
	v20 =	vmax.f32 v21, $0.0e+00;
	v19 =	vmax.f32 v19, $0.0e+00;
	v21 =	vmax.f32 v27, $0.0e+00  }
.LBB2_28:
0x22e: {  	v25 =	vld [tilespmem:s23+$0x70];
	s22 =	sadd.s32 $0x10, s22;
	v24 =	vmul.f32 $5.000000000e-01, v24;
	v10 =	vmul.f32 v10, v10;
	v22 =	vmax.f32 v22, $0.0e+00  }
0x22f: {  	v11 =	vmul.f32 v11, v11;
	v13 =	vmul.f32 v13, v13;
	v26 =	vld [tilespmem:s23+$0xFFFFFF90];
	p0 =	slt.u32 s22, $0x7F0;
	v23 =	vmax.f32 v23, $0.0e+00  }
0x230: {  	v27 =	vld [tilespmem:s23+$0xFFFFFFA0];
	v24 =	vmax.f32 v24, $0.0e+00;
	[tilespmem:s21+$0xFFFFFF90] =	vst v10;
	v10 =	vmul.f32 v12, v12;
	v12 =	vmul.f32 v14, v14  }
0x231: {  	v14 =	vld [tilespmem:s23+$0xFFFFFFB0];
	v24 =	vmul.f32 v24, v24;
	[tilespmem:s21+$0xFFFFFFA0] =	vst v11;
	v11 =	vmul.f32 v15, v15  }
0x232: {  	v15 =	vld [tilespmem:s23+$0xFFFFFFC0];
	[tilespmem:s21+$0xFFFFFFB0] =	vst v13;
	v13 =	vmul.f32 v16, v16;
	v16 =	vmul.f32 v17, v17  }
0x233: {  	v18 =	vmul.f32 v18, v18;
	v20 =	vmul.f32 v20, v20;
	v17 =	vld [tilespmem:s23+$0xFFFFFFD0];
	v25 =	vsub.f32 v25, v9;
	[tilespmem:s21+$0xFFFFFF80] =	vst v24  }
0x234: {  	v21 =	vmul.f32 v21, v21;
	v19 =	vmul.f32 v19, v19;
	v24 =	vsub.f32 v26, v9;
	v26 =	vld [tilespmem:s23+$0xFFFFFFE0];
	[tilespmem:s21+$0xFFFFFFC0] =	vst v10  }
0x235: {  	v22 =	vmul.f32 v22, v22;
	v10 =	vsub.f32 v27, v9;
	v27 =	vld [tilespmem:s23+$0xFFFFFFF0];
	v25 =	vmul.f32 $5.000000000e-01, v25;
	[tilespmem:s21+$0xFFFFFFD0] =	vst v12  }
0x236: {  	v23 =	vmul.f32 v23, v23;
	v12 =	vmul.f32 $5.000000000e-01, v24;
	v14 =	vsub.f32 v14, v9;
	v24 =	vld [tilespmem:s23+$0x0];
	[tilespmem:s21+$0xFFFFFFE0] =	vst v11  }
0x237: {  	v11 =	vmul.f32 $5.000000000e-01, v10;
	v15 =	vsub.f32 v15, v9;
	v28 =	vld [tilespmem:s23+$0x10];
	v10 =	vmax.f32 v25, $0.0e+00;
	[tilespmem:s21+$0xFFFFFFF0] =	vst v13  }
0x238: {  	v13 =	vmul.f32 $5.000000000e-01, v14;
	v14 =	vsub.f32 v17, v9;
	v17 =	vld [tilespmem:s23+$0x20];
	v25 =	vmul.f32 v10, v10;
	[tilespmem:s21+$0x0] =	vst v16  }
0x239: {  	v10 =	vmax.f32 v12, $0.0e+00;
	v12 =	vmul.f32 $5.000000000e-01, v15;
	v15 =	vsub.f32 v26, v9;
	v16 =	vld [tilespmem:s23+$0x30];
	[tilespmem:s21+$0x10] =	vst v18  }
0x23a: {  	v11 =	vmax.f32 v11, $0.0e+00;
	v14 =	vmul.f32 $5.000000000e-01, v14;
	v18 =	vsub.f32 v27, v9;
	v26 =	vld [tilespmem:s23+$0x40];
	[tilespmem:s23+$0x70] =	vst v25  }
0x23b: {  	v13 =	vmax.f32 v13, $0.0e+00;
	v15 =	vmul.f32 $5.000000000e-01, v15;
	v24 =	vsub.f32 v24, v9;
	v25 =	vld [tilespmem:s23+$0x50];
	[tilespmem:s21+$0x20] =	vst v20  }
0x23c: {  	v12 =	vmax.f32 v12, $0.0e+00;
	v18 =	vmul.f32 $5.000000000e-01, v18;
	v20 =	vsub.f32 v28, v9;
	v27 =	vld [tilespmem:s23+$0x60];
	[tilespmem:s21+$0x30] =	vst v21  }
0x23d: {  	v14 =	vmax.f32 v14, $0.0e+00;
	v21 =	vld [tilespmem:s23+$0xFFFFFF80];
	v24 =	vmul.f32 $5.000000000e-01, v24;
	v17 =	vsub.f32 v17, v9;
	[tilespmem:s21+$0x40] =	vst v19  }
0x23e: {  	v15 =	vmax.f32 v15, $0.0e+00;
	v19 =	vmul.f32 $5.000000000e-01, v20;
	v20 =	vsub.f32 v16, v9;
	[tilespmem:s21+$0x50] =	vst v22  }
.Ltmp21:
0x23f: {  	v16 =	vmax.f32 v18, $0.0e+00;
	v22 =	vmul.f32 $5.000000000e-01, v17;
	v26 =	vsub.f32 v26, v9;
	[tilespmem:s21+$0x60] =	vst v23;
	s21 =	smov.u32 s23;
	(pc) =	sbr.rel @p0 .LBB2_28-.Ltmp21, $4  }
0x240: {  	v17 =	vmax.f32 v24, $0.0e+00;
	v23 =	vmul.f32 $5.000000000e-01, v20;
	v25 =	vsub.f32 v25, v9  }
0x241: {  	v18 =	vmax.f32 v19, $0.0e+00;
	v19 =	vmul.f32 $5.000000000e-01, v26;
	v26 =	vsub.f32 v27, v9  }
0x242: {  	v20 =	vmax.f32 v22, $0.0e+00;
	v24 =	vsub.f32 v21, v9;
	v22 =	vmul.f32 $5.000000000e-01, v25  }
0x243: {  	s23 =	sadd.s32 $0x100, s23;
	v21 =	vmax.f32 v23, $0.0e+00;
	v19 =	vmax.f32 v19, $0.0e+00;
	v23 =	vmul.f32 $5.000000000e-01, v26  }
0x244: {  	v10 =	vmul.f32 v10, v10  }
0x245: {  	v11 =	vmul.f32 v11, v11  }
0x246: {  	v13 =	vmul.f32 v13, v13;
	[tilespmem:s21+$0xFFFFFF90] =	vst v10  }
0x247: {  	v9 =	vmul.f32 $5.000000000e-01, v24;
	[tilespmem:s21+$0xFFFFFFA0] =	vst v11;
	v10 =	vmul.f32 v12, v12  }
0x248: {  	[tilespmem:s21+$0xFFFFFFB0] =	vst v13;
	v11 =	vmul.f32 v14, v14  }
0x249: {  	v9 =	vmax.f32 v9, $0.0e+00;
	v12 =	vmul.f32 v19, v19;
	[tilespmem:s21+$0xFFFFFFC0] =	vst v10  }
0x24a: {  	v9 =	vmul.f32 v9, v9;
	[tilespmem:s21+$0xFFFFFFD0] =	vst v11  }
0x24b: {  	v10 =	vmul.f32 v16, v16;
	[tilespmem:s21+$0x40] =	vst v12  }
0x24c: {  	v11 =	vmul.f32 v17, v17;
	[tilespmem:s21+$0xFFFFFF80] =	vst v9  }
0x24d: {  	v9 =	vmul.f32 v15, v15;
	[tilespmem:s21+$0xFFFFFFF0] =	vst v10  }
0x24e: {  	v10 =	vmul.f32 v20, v20;
	[tilespmem:s21+$0x0] =	vst v11  }
0x24f: {  	[tilespmem:s21+$0xFFFFFFE0] =	vst v9;
	v9 =	vmul.f32 v18, v18  }
0x250: {  	v11 =	vmul.f32 v21, v21;
	[tilespmem:s21+$0x20] =	vst v10;
	v10 =	vmax.f32 v23, $0.0e+00  }
0x251: {  	[tilespmem:s21+$0x10] =	vst v9;
	v9 =	vmax.f32 v22, $0.0e+00;
	v10 =	vmul.f32 v10, v10  }
0x252: {  	[tilespmem:s21+$0x30] =	vst v11;
	v9 =	vmul.f32 v9, v9  }
0x253: {  	[tilespmem:s21+$0x60] =	vst v10  }
0x254: {  	s22 =	simm.s32 $0x80;
	[tilespmem:s21+$0x50] =	vst v9  }
0x255: {  	[hbm4b:s7+s22] =	stream.strided.scatter [tilespmem:s13], [sflag:$0x4], $0x8000, s12, s22, $0x38;
	[tilespmem:$0x18080] =	vst v63  }
0x256: {  	_ =	swait.ge [sflag:s19], $0x8000  }
0x257: {  	[sflag:s19] =	ssyncset.done $0x0  }
0x258: {  	[sflag:s19] =	ssyncadd.s32 $0xFFFF8000  }
0x259: {  	[tilespmem:s13], [sflag:$0x2] =	stream.strided.gather [hbm4b:s8+s22], $0x8000, s12, s22, $0x38;
	[tilespmem:$0x18080] =	vst v63  }
0x25a: {  	_ =	swait.ge [sflag:s14], $0x8000  }
0x25b: {  	[sflag:s14] =	ssyncset.done $0x0  }
0x25c: {  	[sflag:s14] =	ssyncadd.s32 $0xFFFF8000  }
0x25d: {  	v9 =	vld [tilespmem:s22+$0xFFFFFF80]  }
0x25e: {  	v10 =	vld [tilespmem:s22+$0xFFFFFF90]  }
0x25f: {  	v11 =	vld [tilespmem:s22+$0xFFFFFFA0]  }
0x260: {  	v12 =	vld [tilespmem:s22+$0xFFFFFFB0]  }
0x261: {  	v13 =	vimm.f32 $-Inf;
	v14 =	vld [tilespmem:s22+$0xFFFFFFC0]  }
0x262: {  	v9 =	vmax.f32 v13, v9;
	v13 =	vld [tilespmem:s22+$0xFFFFFFD0]  }
0x263: {  	v9 =	vmax.f32 v9, v10;
	v10 =	vld [tilespmem:s22+$0xFFFFFFE0]  }
0x264: {  	v9 =	vmax.f32 v9, v11;
	v11 =	vld [tilespmem:s22+$0xFFFFFFF0]  }
0x265: {  	v9 =	vmax.f32 v9, v12;
	v12 =	vld [tilespmem:s22+$0x0]  }
0x266: {  	v9 =	vmax.f32 v9, v14;
	v14 =	vld [tilespmem:s22+$0x10]  }
0x267: {  	v9 =	vmax.f32 v9, v13;
	v13 =	vld [tilespmem:s22+$0x20]  }
0x268: {  	v10 =	vmax.f32 v9, v10;
	v9 =	vld [tilespmem:s22+$0x30]  }
0x269: {  	v11 =	vmax.f32 v10, v11;
	v10 =	vld [tilespmem:s22+$0x40]  }
0x26a: {  	v12 =	vmax.f32 v11, v12;
	v11 =	vld [tilespmem:s22+$0x50]  }
0x26b: {  	v14 =	vmax.f32 v12, v14;
	v12 =	vld [tilespmem:s22+$0x60]  }
0x26c: {  	s21 =	simm.s32 $0x0;
	v14 =	vmax.f32 v14, v13;
	v13 =	vld [tilespmem:s22+$0x70];
	s22 =	simm.s32 $0x180  }
.LBB2_30:
0x26d: {  	v15 =	vld [tilespmem:s22+$0xFFFFFF80];
	s21 =	sadd.s32 $0x10, s21;
	v9 =	vmax.f32 v14, v9  }
0x26e: {  	v14 =	vld [tilespmem:s22+$0xFFFFFF90];
	p0 =	slt.u32 s21, $0x7F0;
	v9 =	vmax.f32 v9, v10  }
0x26f: {  	v10 =	vld [tilespmem:s22+$0xFFFFFFA0];
	v9 =	vmax.f32 v9, v11  }
0x270: {  	v11 =	vld [tilespmem:s22+$0xFFFFFFB0];
	v9 =	vmax.f32 v9, v12  }
0x271: {  	v12 =	vld [tilespmem:s22+$0xFFFFFFC0];
	v9 =	vmax.f32 v9, v13  }
0x272: {  	v9 =	vmax.f32 v9, v15;
	v13 =	vld [tilespmem:s22+$0xFFFFFFD0]  }
0x273: {  	v9 =	vmax.f32 v9, v14;
	v14 =	vld [tilespmem:s22+$0xFFFFFFE0]  }
0x274: {  	v9 =	vmax.f32 v9, v10;
	v10 =	vld [tilespmem:s22+$0xFFFFFFF0]  }
0x275: {  	v9 =	vmax.f32 v9, v11;
	v11 =	vld [tilespmem:s22+$0x0]  }
0x276: {  	v9 =	vmax.f32 v9, v12;
	v12 =	vld [tilespmem:s22+$0x10]  }
0x277: {  	v9 =	vmax.f32 v9, v13;
	v13 =	vld [tilespmem:s22+$0x20]  }
.Ltmp22:
0x278: {  	v14 =	vmax.f32 v9, v14;
	v9 =	vld [tilespmem:s22+$0x30];
	(pc) =	sbr.rel @p0 .LBB2_30-.Ltmp22, $4  }
0x279: {  	v14 =	vmax.f32 v14, v10;
	v10 =	vld [tilespmem:s22+$0x40]  }
0x27a: {  	v14 =	vmax.f32 v14, v11;
	v11 =	vld [tilespmem:s22+$0x50]  }
0x27b: {  	v14 =	vmax.f32 v14, v12;
	v12 =	vld [tilespmem:s22+$0x60]  }
0x27c: {  	v14 =	vmax.f32 v14, v13;
	v13 =	vld [tilespmem:s22+$0x70];
	s22 =	sadd.s32 $0x100, s22  }
0x27d: {  	v9 =	vmax.f32 v14, v9  }
0x27e: {  	v9 =	vmax.f32 v9, v10  }
0x27f: {  	v9 =	vmax.f32 v9, v11  }
0x280: {  	v9 =	vmax.f32 v9, v12  }
0x281: {  	v9 =	vmax.f32 v9, v13  }
0x282: {  	v10 =	vperm.xlane v9, v0;
	_ =	sdelay $0x1  }
0x283: {  	v9 =	vmax.f32 v9, v10  }
0x284: {  	v10 =	vperm.xlane v9, v1  }
0x285: {  	s21 =	simm.s32 $0x40  }
0x286: {  	v14 =	vld [tilespmem:s21+$0xFFFFFFF0];
	v9 =	vmax.f32 v9, v10  }
0x287: {  	v15 =	vld [tilespmem:s21+$0x0];
	v10 =	vperm.xlane v9, v2  }
0x288: {  	v18 =	vld [tilespmem:s21+$0x10]  }
0x289: {  	v11 =	vld [tilespmem:s21+$0xFFFFFFC0];
	v9 =	vmax.f32 v9, v10  }
0x28a: {  	v12 =	vld [tilespmem:s21+$0xFFFFFFD0];
	v10 =	vperm.xlane v9, v3  }
0x28b: {  	v13 =	vld [tilespmem:s21+$0xFFFFFFE0]  }
0x28c: {  	v20 =	vld [tilespmem:s21+$0x20];
	v9 =	vmax.f32 v9, v10  }
0x28d: {  	v16 =	vimm.s32 $0x0;
	v22 =	vld [tilespmem:s21+$0x30];
	v10 =	vadd.f32 $-2.000000000e+00, v9  }
0x28e: {  	v17 =	vadd.s32 v4, v16  }
0x28f: {  	vm0 =	vgt.f32 v11, v10;
	vm6 =	vgt.f32 v12, v10;
	v11 =	vsub.f32 v11, v9  }
0x290: {  	vm7 =	vgt.f32 v13, v10;
	vm1 =	vgt.f32 v14, v10;
	vm2 =	vgt.f32 v15, v10  }
0x291: {  	v12 =	vsub.f32 v12, v9;
	v13 =	vsub.f32 v13, v9;
	vm3 =	vgt.f32 v18, v10  }
0x292: {  	vm4 =	vgt.f32 v20, v10;
	vm5 =	vgt.f32 v22, v10;
	v14 =	vsub.f32 v14, v9  }
0x293: {  	v15 =	vsub.f32 v15, v9;
	v19 =	vmpcnt.ones.xlane vm0;
	v21 =	vmpcnt.ones.xlane vm6  }
0x294: {  	v18 =	vsub.f32 v18, v9;
	v23 =	vmpcnt.ones.xlane vm7;
	v25 =	vmpcnt.ones.xlane vm1  }
0x295: {  	v20 =	vsub.f32 v20, v9;
	v27 =	vmpcnt.ones.xlane vm2;
	v29 =	vmpcnt.ones.xlane vm3  }
0x296: {  	v22 =	vsub.f32 v22, v9;
	v31 =	vmpcnt.ones.xlane vm4;
	v33 =	vmpcnt.ones.xlane vm5  }
0x297: {  	v11 =	vmul.f32 $5.000000000e-01, v11;
	v12 =	vmul.f32 $5.000000000e-01, v12;
	v16 =	vadd.s32 v16, v19  }
0x298: {  	v13 =	vmul.f32 $5.000000000e-01, v13;
	v35 =	vmul.f32 $5.000000000e-01, v14;
	v24 =	vadd.s32 v16, v21  }
0x299: {  	v39 =	vmul.f32 $5.000000000e-01, v18;
	(xrf1) =	vsort.dscd.msk.f32 vm0, v11, v11;
	vm0 =	vgt.s32 v19, v4;
	v18 =	vadd.s32 v4, v16  }
0x29a: {  	v62 =	vmul.f32 $5.000000000e-01, v15;
	v26 =	vadd.s32 v24, v23;
	(xrf1) =	vsort.dscd.msk.f32 vm6, v12, v12;
	v12 =	vadd.s32 v4, v24  }
0x29b: {  	v40 =	vnsel vm0, $0x800F, v17;
	vm6 =	vgt.s32 v21, v4;
	vm0 =	vgt.s32 v23, v4  }
0x29c: {  	s21 =	simm.s32 $0xC0;
	v22 =	vmul.f32 $5.000000000e-01, v22;
	v28 =	vadd.s32 v26, v25;
	(xrf1) =	vsort.dscd.msk.f32 vm7, v13, v13;
	v13 =	vadd.s32 v4, v26  }
0x29d: {  	v19 =	vld [tilespmem:s21+$0xFFFFFFC0];
	v16 =	vnsel vm0, $0x800F, v12;
	vm0 =	vgt.s32 v27, v4;
	vm7 =	vgt.s32 v31, v4  }
0x29e: {  	v21 =	vld [tilespmem:s21+$0xFFFFFFD0];
	v41 =	vnsel vm6, $0x800F, v18;
	v30 =	vadd.s32 v28, v27;
	v15 =	vadd.s32 v4, v28;
	(xrf1) =	vsort.dscd.msk.f32 vm1, v35, v35  }
0x29f: {  	v28 =	vmul.f32 $5.000000000e-01, v20;
	v32 =	vadd.s32 v30, v29;
	v11 =	vadd.s32 v4, v30;
	(xrf1) =	vsort.dscd.msk.f32 vm2, v62, v62  }
0x2a0: {  	v23 =	vld [tilespmem:s21+$0xFFFFFFE0];
	v15 =	vnsel vm0, $0x800F, v15;
	vm0 =	vgt.s32 v25, v4;
	v34 =	vadd.s32 v32, v31;
	(xrf1) =	vsort.dscd.msk.f32 vm3, v39, v39  }
0x2a1: {  	v14 =	vadd.s32 v4, v32;
	v17 =	vnsel vm0, $0x800F, v13;
	vm0 =	vgt.s32 v33, v4;
	(xrf1) =	vsort.dscd.msk.f32 vm4, v28, v28  }
0x2a2: {  	v31 =	vsub.f32 v19, v9;
	v12 =	vnsel vm7, $0x800F, v14;
	vm7 =	vgt.s32 v29, v4;
	v29 =	vld [tilespmem:s21+$0xFFFFFFF0];
	(xrf1) =	vsort.dscd.msk.f32 vm5, v22, v22  }
0x2a3: {  	v30 =	vld [tilespmem:s21+$0x0];
	v38 =	vadd.s32 v34, v33;
	v34 =	vadd.s32 v4, v34;
	vm1 =	vgt.f32 v21, v10  }
0x2a4: {  	v33 =	vld [tilespmem:s21+$0x10];
	v13 =	vnsel vm7, $0x800F, v11;
	v11 =	vnsel vm0, $0x800F, v34;
	vm0 =	vgt.f32 v19, v10  }
0x2a5: {  	v35 =	vld [tilespmem:s21+$0x20];
	vm2 =	vgt.f32 v23, v10;
	v36 =	vsub.f32 v23, v9;
	v20 =	vmpcnt.ones.xlane vm0  }
0x2a6: {  	v37 =	vld [tilespmem:s21+$0x30];
	v14 =	vadd.s32 v4, v38;
	v34 =	vsub.f32 v21, v9;
	v18 =	vmpcnt.ones.xlane vm1  }
0x2a7: {  	v24 =	vmpcnt.ones.xlane vm2;
	v25 =	vadd.s32 v38, v20;
	vm3 =	vgt.f32 v29, v10  }
0x2a8: {  	vm4 =	vgt.f32 v30, v10;
	v26 =	vadd.s32 v25, v18;
	v21 =	vmpcnt.ones.xlane vm3  }
0x2a9: {  	v22 =	vmpcnt.ones.xlane vm4;
	vm5 =	vgt.f32 v33, v10;
	v27 =	vadd.s32 v26, v24;
	v23, _, _ =	vpop (xrf1)  }
0x2aa: {  	vm6 =	vgt.f32 v35, v10;
	v19 =	vmpcnt.ones.xlane vm5;
	v28 =	vadd.s32 v27, v21;
	[tilespmem:v40+s15+$0x0] =	vst.idx.msk $0xffff, v23;
	v63, _, _ =	vpop (xrf1)  }
0x2ab: {  	s22 =	simm.s32 $0x8;
	vm7 =	vgt.f32 v37, v10;
	v32 =	vadd.s32 v28, v22;
	v23 =	vmpcnt.ones.xlane vm6;
	[tilespmem:v41+s15+$0x0] =	vst.idx.msk $0xffff, v63;
	v38, _, _ =	vpop (xrf1)  }
.LBB2_32:
0x2ac: {  	s22 =	sadd.s32 $0x8, s22;
	v29 =	vsub.f32 v29, v9;
	v39 =	vadd.s32 v32, v19;
	v40 =	vmpcnt.ones.xlane vm7;
	[tilespmem:v16+s15+$0x0] =	vst.idx.msk $0xffff, v38;
	v16, _, _ =	vpop (xrf1)  }
0x2ad: {  	v30 =	vsub.f32 v30, v9;
	v33 =	vsub.f32 v33, v9;
	p0 =	slt.u32 s22, $0x7F8;
	v38 =	vadd.s32 v39, v23;
	v41, _, _ =	vpop (xrf1)  }
0x2ae: {  	v35 =	vsub.f32 v35, v9;
	v37 =	vsub.f32 v37, v9;
	v42 =	vadd.s32 v38, v40;
	v43, _, _ =	vpop (xrf1)  }
0x2af: {  	v31 =	vmul.f32 $5.000000000e-01, v31;
	v34 =	vmul.f32 $5.000000000e-01, v34;
	v38 =	vadd.s32 v4, v38;
	[tilespmem:v17+s15+$0x0] =	vst.idx.msk $0xffff, v16;
	v44, _, _ =	vpop (xrf1)  }
0x2b0: {  	v16 =	vmul.f32 $5.000000000e-01, v36;
	v17 =	vmul.f32 $5.000000000e-01, v29;
	v36 =	vadd.s32 v4, v39;
	[tilespmem:v15+s15+$0x0] =	vst.idx.msk $0xffff, v41;
	v39, _, _ =	vpop (xrf1)  }
0x2b1: {  	v32 =	vadd.s32 v4, v32;
	v29 =	vmul.f32 $5.000000000e-01, v33;
	v15 =	vmul.f32 $5.000000000e-01, v30;
	(xrf1) =	vsort.dscd.msk.f32 vm0, v31, v31  }
0x2b2: {  	v28 =	vadd.s32 v4, v28;
	v30 =	vmul.f32 $5.000000000e-01, v35;
	v31 =	vmul.f32 $5.000000000e-01, v37;
	(xrf1) =	vsort.dscd.msk.f32 vm1, v34, v34  }
0x2b3: {  	v26 =	vadd.s32 v4, v26;
	v27 =	vadd.s32 v4, v27;
	(xrf1) =	vsort.dscd.msk.f32 vm2, v16, v16  }
0x2b4: {  	s21 =	sadd.s32 $0x80, s21;
	vm0 =	vgt.s32 v20, v4;
	v20 =	vadd.s32 v4, v25;
	(xrf1) =	vsort.dscd.msk.f32 vm3, v17, v17  }
0x2b5: {  	v41 =	vnsel vm0, $0x800F, v14;
	vm1 =	vgt.s32 v18, v4;
	vm0 =	vgt.s32 v24, v4;
	v25 =	vld [tilespmem:s21+$0xFFFFFFC0];
	(xrf1) =	vsort.dscd.msk.f32 vm4, v15, v15  }
0x2b6: {  	v16 =	vnsel vm0, $0x800F, v26;
	vm0 =	vgt.s32 v21, v4;
	vm2 =	vgt.s32 v22, v4;
	v18 =	vld [tilespmem:s21+$0xFFFFFFD0];
	(xrf1) =	vsort.dscd.msk.f32 vm5, v29, v29  }
0x2b7: {  	vm3 =	vgt.s32 v23, v4;
	v15 =	vnsel vm2, $0x800F, v28;
	vm2 =	vgt.s32 v19, v4;
	v21 =	vld [tilespmem:s21+$0xFFFFFFE0];
	(xrf1) =	vsort.dscd.msk.f32 vm6, v30, v30  }
0x2b8: {  	v14 =	vadd.s32 v4, v42;
	v19 =	vnsel vm3, $0x800F, v36;
	vm3 =	vgt.s32 v40, v4;
	v29 =	vld [tilespmem:s21+$0xFFFFFFF0];
	(xrf1) =	vsort.dscd.msk.f32 vm7, v31, v31  }
0x2b9: {  	v17 =	vnsel vm0, $0x800F, v27;
	v22 =	vnsel vm3, $0x800F, v38;
	v30 =	vld [tilespmem:s21+$0x0];
	[tilespmem:v13+s15+$0x0] =	vst.idx.msk $0xffff, v43;
	v13 =	vnsel vm2, $0x800F, v32  }
0x2ba: {  	v38 =	vnsel vm1, $0x800F, v20;
	vm0 =	vgt.f32 v25, v10;
	v31 =	vsub.f32 v25, v9;
	v33 =	vld [tilespmem:s21+$0x10];
	[tilespmem:v12+s15+$0x0] =	vst.idx.msk $0xffff, v44  }
0x2bb: {  	v20 =	vmpcnt.ones.xlane vm0;
	vm1 =	vgt.f32 v18, v10;
	v34 =	vsub.f32 v18, v9;
	v35 =	vld [tilespmem:s21+$0x20];
	[tilespmem:v11+s15+$0x0] =	vst.idx.msk $0xffff, v39  }
0x2bc: {  	v12 =	vmovc v19;
	v11 =	vmovc v22;
	v18 =	vmpcnt.ones.xlane vm1;
	vm2 =	vgt.f32 v21, v10;
	v36 =	vsub.f32 v21, v9;
	v37 =	vld [tilespmem:s21+$0x30]  }
.Ltmp23:
0x2bd: {  	v25 =	vadd.s32 v42, v20;
	v24 =	vmpcnt.ones.xlane vm2;
	vm3 =	vgt.f32 v29, v10;
	(pc) =	sbr.rel @p0 .LBB2_32-.Ltmp23, $4  }
0x2be: {  	v26 =	vadd.s32 v25, v18;
	v21 =	vmpcnt.ones.xlane vm3;
	vm4 =	vgt.f32 v30, v10  }
0x2bf: {  	v27 =	vadd.s32 v26, v24;
	v22 =	vmpcnt.ones.xlane vm4;
	vm5 =	vgt.f32 v33, v10;
	v23, _, _ =	vpop (xrf1)  }
0x2c0: {  	v28 =	vadd.s32 v27, v21;
	v19 =	vmpcnt.ones.xlane vm5;
	vm6 =	vgt.f32 v35, v10;
	[tilespmem:v41+s15+$0x0] =	vst.idx.msk $0xffff, v23;
	v39, _, _ =	vpop (xrf1)  }
0x2c1: {  	v32 =	vadd.s32 v28, v22;
	v23 =	vmpcnt.ones.xlane vm6;
	vm7 =	vgt.f32 v37, v10;
	[tilespmem:v38+s15+$0x0] =	vst.idx.msk $0xffff, v39;
	v38, _, _ =	vpop (xrf1)  }
0x2c2: {  	v10 =	vadd.s32 v32, v19;
	v39 =	vmpcnt.ones.xlane vm7  }
0x2c3: {  	v40 =	vadd.s32 v10, v23  }
0x2c4: {  	v41 =	vadd.s32 v40, v39  }
0x2c5: {  	(v2sf) =	vpush v41, $0x0;
	_ =	sdelay $0x1  }
0x2c6: {  	v31 =	vmul.f32 $5.000000000e-01, v31  }
0x2c7: {  	v29 =	vsub.f32 v29, v9;
	v34 =	vmul.f32 $5.000000000e-01, v34  }
0x2c8: {  	v30 =	vsub.f32 v30, v9;
	v36 =	vmul.f32 $5.000000000e-01, v36;
	(xrf1) =	vsort.dscd.msk.f32 vm0, v31, v31  }
0x2c9: {  	v44 =	vsub.f32 v33, v9;
	v29 =	vmul.f32 $5.000000000e-01, v29;
	(xrf1) =	vsort.dscd.msk.f32 vm1, v34, v34  }
0x2ca: {  	v45 =	vsub.f32 v35, v9;
	v30 =	vmul.f32 $5.000000000e-01, v30;
	(xrf1) =	vsort.dscd.msk.f32 vm2, v36, v36  }
0x2cb: {  	v46 =	vsub.f32 v37, v9;
	v31 =	vmul.f32 $5.000000000e-01, v44;
	(xrf1) =	vsort.dscd.msk.f32 vm3, v29, v29  }
0x2cc: {  	v47 =	vmul.f32 $5.000000000e-01, v45;
	(xrf1) =	vsort.dscd.msk.f32 vm4, v30, v30  }
0x2cd: {  	v48 =	vmul.f32 $5.000000000e-01, v46;
	(xrf1) =	vsort.dscd.msk.f32 vm5, v31, v31  }
0x2ce: {  	(xrf1) =	vsort.dscd.msk.f32 vm6, v47, v47  }
0x2cf: {  	(xrf1) =	vsort.dscd.msk.f32 vm7, v48, v48;
	_ =	sdelay $0x1  }
0x2d0: {  	v49, _, _ =	vpop (xrf1);
	[tilespmem:v16+s15+$0x0] =	vst.idx.msk $0xffff, v38;
	vm8 =	vgt.s32 v20, v4  }
0x2d1: {  	v51 =	vadd.s32 v4, v25;
	vm9 =	vgt.s32 v18, v4;
	v50, _, _ =	vpop (xrf1);
	[tilespmem:v17+s15+$0x0] =	vst.idx.msk $0xffff, v49;
	v14 =	vnsel vm8, $0x800F, v14  }
0x2d2: {  	v53 =	vadd.s32 v4, v26;
	vm10 =	vgt.s32 v24, v4;
	v54 =	vnsel vm9, $0x800F, v51;
	v52, _, _ =	vpop (xrf1);
	[tilespmem:v15+s15+$0x0] =	vst.idx.msk $0xffff, v50;
	s24 =	spop (v2sf)  }
0x2d3: {  	v56 =	vadd.s32 v4, v27;
	vm11 =	vgt.s32 v21, v4;
	v15 =	vnsel vm10, $0x800F, v53;
	v55, _, _ =	vpop (xrf1);
	[tilespmem:v13+s15+$0x0] =	vst.idx.msk $0xffff, v52;
	s21 =	sadd.s32 $0xF, s24  }
0x2d4: {  	v58 =	vadd.s32 v4, v28;
	vm12 =	vgt.s32 v22, v4;
	v20 =	vnsel vm11, $0x800F, v56;
	v57, _, _ =	vpop (xrf1);
	[tilespmem:v12+s15+$0x0] =	vst.idx.msk $0xffff, v55;
	s22 =	sand.u32 $0xF, s21  }
0x2d5: {  	v59 =	vadd.s32 v4, v32;
	vm13 =	vgt.s32 v19, v4;
	v60 =	vnsel vm12, $0x800F, v58;
	[tilespmem:v11+s15+$0x0] =	vst.idx.msk $0xffff, v57;
	v11, _, _ =	vpop (xrf1);
	s23 =	sshra.s32 s21, $0x1F;
	p0 =	slt.s32 s21, $0x1;
	p1 =	sne.s32 s22, $0x0  }
0x2d6: {  	v10 =	vadd.s32 v4, v10;
	vm14 =	vgt.s32 v23, v4;
	v12 =	vnsel vm13, $0x800F, v59;
	[tilespmem:v14+s15+$0x0] =	vst.idx.msk $0xffff, v11;
	v11, _, _ =	vpop (xrf1);
	s30 =	sshrl.u32 s23, $0x1C;
	p0 =	por !p0, !p1  }
0x2d7: {  	v61 =	vadd.s32 v4, v40;
	v10 =	vnsel vm14, $0x800F, v10;
	vm15 =	vgt.s32 v39, v4;
	[tilespmem:v54+s15+$0x0] =	vst.idx.msk $0xffff, v11;
	v11, _, _ =	vpop (xrf1);
	s22 =	simm.s32 $0x1;
	s21 =	sadd.s32 s30, s21;
	p0 =	por !p0, !p0  }
0x2d8: {  	v13 =	vnsel vm15, $0x800F, v61;
	[tilespmem:v15+s15+$0x0] =	vst.idx.msk $0xffff, v11;
	v11, _, _ =	vpop (xrf1);
	s21 =	sshra.s32 s21, $0x4;
	s22 =	simm.s32 @!p0 $0x0  }
0x2d9: {  	v62, _, _ =	vpop (xrf1);
	[tilespmem:v20+s15+$0x0] =	vst.idx.msk $0xffff, v11;
	s21 =	ssub.s32 s21, s22  }
0x2da: {  	v11, _, _ =	vpop (xrf1);
	[tilespmem:v60+s15+$0x0] =	vst.idx.msk $0xffff, v62;
	s22 =	sshrl.u32 s21, $0x1D  }
.Ltmp24:
0x2db: {  	v63, _, _ =	vpop (xrf1);
	[tilespmem:v12+s15+$0x0] =	vst.idx.msk $0xffff, v11;
	s22 =	sadd.s32 s22, s21;
	(pc) =	sbr.rel .LBB2_34-.Ltmp24, $4  }
0x2dc: {  	v11, _, _ =	vpop (xrf1);
	[tilespmem:v10+s15+$0x0] =	vst.idx.msk $0xffff, v63;
	s22 =	sand.u32 $0xFFFFFFF8, s22  }
0x2dd: {  	[tilespmem:v13+s15+$0x0] =	vst.idx.msk $0xffff, v11;
	s31 =	sshll.u32 s22, $0x6  }
0x2de: {  	[tilespmem:s24+$0x10000] =	vst v5;
	s24 =	simm.s32 $0x0;
	s25 =	ssub.s32 s21, s22;
	s23 =	sshra.s32 s31, $0x2  }
0x2df: {  	v10 =	vimm.f32 $-1.000000000e+00;
	v11 =	vimm.f32 $0.0e+00;
	p0 =	slt.s32 s22, $0x1;
	p1 =	slt.s32 s25, $0x1;
	s23 =	sadd.s32 $0x10000, s23  }
.LBB2_40:
0x2e0: {  	v16 =	vperm.xlane v14, v0;
	v17 =	vperm.xlane v15, v0;
	_ =	sdelay $0x1  }
0x2e1: {  	v14 =	vadd.f32 v16, v14;
	v15 =	vadd.f32 v17, v15;
	_ =	sdelay $0x1  }
0x2e2: {  	v16 =	vperm.xlane v14, v6;
	v17 =	vperm.xlane v15, v6;
	_ =	sdelay $0x1  }
0x2e3: {  	v14 =	vadd.f32 v16, v14;
	v15 =	vadd.f32 v17, v15;
	_ =	sdelay $0x1  }
0x2e4: {  	v16 =	vperm.xlane v14, v7;
	v17 =	vperm.xlane v15, v7;
	_ =	sdelay $0x1  }
0x2e5: {  	v14 =	vadd.f32 v16, v14;
	v15 =	vadd.f32 v17, v15;
	_ =	sdelay $0x1  }
0x2e6: {  	s24 =	sadd.s32 $0x1, s24;
	v16 =	vperm.xlane v14, v8;
	v17 =	vperm.xlane v15, v8  }
0x2e7: {  	p2 =	sne.s32 s24, $0x12  }
.Ltmp25:
0x2e8: {  	v14 =	vadd.f32 v16, v14;
	v15 =	vadd.f32 v17, v15;
	(pc) =	sbr.rel @!p2 .LBB2_41-.Ltmp25, $4  }
0x2e9: {  	_ = 	snop  }
0x2ea: {  	vm0 =	vge.f32 v14, $1.000000000e+00;
	vm1 =	vge.f32 v15, $1.000000000e+00  }
0x2eb: {  	v10 =	vsel vm0, v12, v10;
	v11 =	vsel vm1, v11, v13  }
0x2ec: {  	v10 =	vsel vm1, v13, v10;
	v11 =	vsel vm0, v11, v12  }
.LBB2_34:
0x2ed: {  	v12 =	vsub.f32 v11, v10  }
.Ltmp26:
0x2ee: {  	_ = 	snop;
	(pc) =	sbr.rel @p0 .LBB2_38-.Ltmp26, $3  }
0x2ef: {  	v13 =	vmul.f32 $3.333333430e-01, v12;
	_ =	sdelay $0x1  }
0x2f0: {  	v12 =	vadd.f32 v13, v10;
	v13 =	vsub.f32 v11, v13  }
0x2f1: {  	v14 =	vimm.f32 $0.0e+00;
	v15 =	vimm.f32 $0.0e+00  }
0x2f2: {  	s25 =	simm.s32 $0x10040  }
0x2f3: {  	v15 =	vld [tilespmem:s25+$0xFFFFFFC0]  }
0x2f4: {  	v14 =	vld [tilespmem:s25+$0xFFFFFFF0]  }
0x2f5: {  	v17 =	vld [tilespmem:s25+$0x0]  }
0x2f6: {  	v19 =	vld [tilespmem:s25+$0xFFFFFFD0]  }
0x2f7: {  	v16 =	vld [tilespmem:s25+$0xFFFFFFE0];
	_ =	sdelay $0x1  }
0x2f8: {  	v18 =	vsub.f32 v15, v12;
	v15 =	vsub.f32 v15, v13  }
0x2f9: {  	v22 =	vimm.f32 $0.0e+00;
	v21 =	vld [tilespmem:s25+$0x30];
	v20 =	vsub.f32 v14, v12  }
0x2fa: {  	v26 =	vsub.f32 v17, v12;
	v27 =	vsub.f32 v19, v12;
	v15 =	vmax.f32 v15, $0.0e+00  }
0x2fb: {  	v24 =	vmul.f32 v15, v15;
	v15 =	vsub.f32 v16, v12;
	v16 =	vsub.f32 v16, v13  }
0x2fc: {  	v18 =	vmax.f32 v18, $0.0e+00;
	v25 =	vmax.f32 v20, $0.0e+00;
	v20 =	vsub.f32 v17, v13  }
0x2fd: {  	v17 =	vld [tilespmem:s25+$0x20];
	v23 =	vmul.f32 v18, v18;
	v18 =	vmax.f32 v16, $0.0e+00;
	v16 =	vsub.f32 v19, v13  }
0x2fe: {  	v28 =	vsub.f32 v21, v13;
	v20 =	vmax.f32 v20, $0.0e+00;
	v29 =	vmax.f32 v15, $0.0e+00;
	v19 =	vld [tilespmem:s25+$0x10]  }
0x2ff: {  	p2 =	sgt.s32 s22, $0x8;
	v15 =	vmul.f32 v20, v20;
	v20 =	vmax.f32 v16, $0.0e+00;
	v16 =	vmax.f32 v27, $0.0e+00  }
.Ltmp27:
0x300: {  	v23 =	vadd.f32 v23, v22;
	v27 =	vmul.f32 v29, v29;
	v29 =	vmul.f32 v16, v16;
	(pc) =	sbr.rel @!p2 .LBB2_37-.Ltmp27, $4  }
0x301: {  	v26 =	vmax.f32 v26, $0.0e+00;
	v16 =	vmax.f32 v28, $0.0e+00;
	v28 =	vsub.f32 v21, v12  }
0x302: {  	v21 =	vmul.f32 v26, v26;
	v26 =	vadd.f32 v29, v23;
	v29 =	vsub.f32 v17, v12  }
0x303: {  	v23 =	vadd.f32 v24, v22;
	v22 =	vsub.f32 v19, v12;
	v24 =	vmax.f32 v28, $0.0e+00  }
0x304: {  	s26 =	simm.s32 $0x100C0;
	s25 =	simm.s32 $0x8;
	v26 =	vadd.f32 v27, v26;
	v27 =	vmul.f32 v25, v25;
	v25 =	vmax.f32 v29, $0.0e+00  }
.LBB2_36:
0x305: {  	v28 =	vld [tilespmem:s26+$0xFFFFFFC0];
	s25 =	sadd.s32 $0x8, s25;
	v29 =	vsub.f32 v14, v13;
	v17 =	vsub.f32 v17, v13;
	v24 =	vmul.f32 v24, v24  }
0x306: {  	v19 =	vsub.f32 v19, v13;
	v25 =	vmul.f32 v25, v25;
	v30 =	vld [tilespmem:s26+$0x0];
	p2 =	slt.s32 s25, s22;
	v26 =	vadd.f32 v27, v26  }
0x307: {  	v20 =	vmul.f32 v20, v20;
	v14 =	vld [tilespmem:s26+$0xFFFFFFF0];
	v27 =	vmax.f32 v29, $0.0e+00;
	v29 =	vmax.f32 v17, $0.0e+00  }
0x308: {  	v22 =	vmax.f32 v22, $0.0e+00;
	v17 =	vld [tilespmem:s26+$0x20];
	v27 =	vmul.f32 v27, v27;
	v21 =	vadd.f32 v21, v26  }
0x309: {  	v18 =	vmul.f32 v18, v18;
	v22 =	vmul.f32 v22, v22;
	v20 =	vadd.f32 v20, v23;
	v26 =	vld [tilespmem:s26+$0xFFFFFFE0]  }
0x30a: {  	v19 =	vmax.f32 v19, $0.0e+00;
	v23 =	vsub.f32 v28, v12;
	v28 =	vsub.f32 v28, v13;
	v31 =	vld [tilespmem:s26+$0xFFFFFFD0]  }
0x30b: {  	v19 =	vmul.f32 v19, v19;
	v18 =	vadd.f32 v18, v20;
	v20 =	vadd.f32 v22, v21  }
0x30c: {  	v21 =	vmax.f32 v23, $0.0e+00;
	v22 =	vmax.f32 v28, $0.0e+00;
	v23 =	vsub.f32 v14, v12  }
0x30d: {  	v20 =	vadd.f32 v25, v20;
	v21 =	vmul.f32 v21, v21;
	v22 =	vmul.f32 v22, v22;
	v28 =	vld [tilespmem:s26+$0x30]  }
0x30e: {  	v25 =	vsub.f32 v26, v12;
	v26 =	vsub.f32 v26, v13;
	v32 =	vmax.f32 v23, $0.0e+00  }
0x30f: {  	v29 =	vmul.f32 v29, v29;
	v27 =	vadd.f32 v27, v18;
	v23 =	vsub.f32 v30, v13  }
0x310: {  	v24 =	vadd.f32 v24, v20;
	v18 =	vmax.f32 v26, $0.0e+00;
	v26 =	vsub.f32 v30, v12  }
0x311: {  	v27 =	vadd.f32 v15, v27;
	v20 =	vsub.f32 v31, v13;
	v23 =	vmax.f32 v23, $0.0e+00  }
0x312: {  	v33 =	vmul.f32 v16, v16;
	v30 =	vsub.f32 v31, v12;
	v31 =	vsub.f32 v28, v13  }
0x313: {  	v16 =	vmax.f32 v25, $0.0e+00;
	v15 =	vmul.f32 v23, v23;
	v23 =	vadd.f32 v19, v27  }
0x314: {  	v20 =	vmax.f32 v20, $0.0e+00;
	v25 =	vmul.f32 v16, v16;
	v19 =	vld [tilespmem:s26+$0x10];
	v16 =	vmax.f32 v31, $0.0e+00  }
0x315: {  	v27 =	vmax.f32 v30, $0.0e+00;
	v26 =	vmax.f32 v26, $0.0e+00;
	v23 =	vadd.f32 v29, v23  }
.Ltmp28:
0x316: {  	v24 =	vadd.f32 v21, v24;
	v27 =	vmul.f32 v27, v27;
	v21 =	vmul.f32 v26, v26;
	(pc) =	sbr.rel @p2 .LBB2_36-.Ltmp28, $4  }
0x317: {  	v26 =	vsub.f32 v28, v12;
	v23 =	vadd.f32 v33, v23  }
0x318: {  	v28 =	vsub.f32 v17, v12;
	v27 =	vadd.f32 v27, v24  }
0x319: {  	v24 =	vmax.f32 v26, $0.0e+00;
	v23 =	vadd.f32 v22, v23;
	v22 =	vsub.f32 v19, v12  }
0x31a: {  	s26 =	sadd.s32 $0x80, s26;
	v26 =	vadd.f32 v25, v27;
	v27 =	vmul.f32 v32, v32;
	v25 =	vmax.f32 v28, $0.0e+00  }
.LBB2_37:
0x31b: {  	v20 =	vmul.f32 v20, v20  }
0x31c: {  	v14 =	vsub.f32 v14, v13  }
0x31d: {  	v18 =	vmul.f32 v18, v18;
	v20 =	vadd.f32 v20, v23  }
0x31e: {  	v14 =	vmax.f32 v14, $0.0e+00  }
0x31f: {  	v19 =	vsub.f32 v19, v13;
	v14 =	vmul.f32 v14, v14;
	v18 =	vadd.f32 v18, v20  }
0x320: {  	v17 =	vsub.f32 v17, v13;
	v60 =	vadd.f32 v27, v26  }
0x321: {  	v62 =	vmax.f32 v22, $0.0e+00;
	v14 =	vadd.f32 v14, v18  }
0x322: {  	v19 =	vmax.f32 v19, $0.0e+00;
	v17 =	vmax.f32 v17, $0.0e+00;
	v61 =	vadd.f32 v21, v60  }
0x323: {  	v19 =	vmul.f32 v19, v19;
	v20 =	vmul.f32 v62, v62;
	v14 =	vadd.f32 v15, v14  }
0x324: {  	v17 =	vmul.f32 v17, v17  }
0x325: {  	v18 =	vadd.f32 v20, v61;
	v15 =	vmul.f32 v25, v25;
	v14 =	vadd.f32 v19, v14  }
0x326: {  	v63 =	vmul.f32 v24, v24  }
0x327: {  	v16 =	vmul.f32 v16, v16;
	v15 =	vadd.f32 v15, v18;
	v17 =	vadd.f32 v17, v14;
	_ =	sdelay $0x1  }
0x328: {  	v14 =	vadd.f32 v63, v15;
	v15 =	vadd.f32 v16, v17  }
.LBB2_38:
.Ltmp29:
0x329: {  	(pc) =	sbr.rel @p1 .LBB2_40-.Ltmp29, $2  }
0x32a: {  	_ =	sdelay $0x2  }
0x32b: {  	s25 =	smov.u32 s23;
	s26 =	smov.u32 s22  }
.LBB2_39:
0x32c: {  	v16 =	vld [tilespmem:s25+$0x0];
	_ =	sdelay $0x3  }
0x32d: {  	s26 =	sadd.s32 $0x1, s26  }
0x32e: {  	p2 =	slt.s32 s26, s21;
	v17 =	vsub.f32 v16, v12;
	v16 =	vsub.f32 v16, v13  }
.Ltmp30:
0x32f: {  	_ = 	snop;
	(pc) =	sbr.rel @p2 .LBB2_39-.Ltmp30, $3  }
0x330: {  	v17 =	vmax.f32 v17, $0.0e+00;
	v16 =	vmax.f32 v16, $0.0e+00  }
0x331: {  	v17 =	vmul.f32 v17, v17;
	v16 =	vmul.f32 v16, v16;
	_ =	sdelay $0x1  }
0x332: {  	s25 =	sadd.s32 $0x10, s25;
	v14 =	vadd.f32 v17, v14;
	v15 =	vadd.f32 v16, v15  }
.Ltmp31:
0x333: {  	_ = 	snop;
	(pc) =	sbr.rel .LBB2_40-.Ltmp31, $1  }
0x334: {  	_ =	sdelay $0x3  }
.LBB2_41:
0x335: {  	s21 =	simm.s32 $0x80  }
0x336: {  	v10 =	vadd.f32 v11, v10;
	v11 =	vld [tilespmem:s21+$0x70]  }
0x337: {  	v12 =	vld [tilespmem:s21+$0xFFFFFF90]  }
0x338: {  	v13 =	vld [tilespmem:s21+$0xFFFFFFA0]  }
0x339: {  	v14 =	vld [tilespmem:s21+$0xFFFFFFC0]  }
0x33a: {  	v15 =	vld [tilespmem:s21+$0xFFFFFFD0];
	v10 =	vmul.f32 $5.000000000e-01, v10  }
0x33b: {  	v17 =	vld [tilespmem:s21+$0xFFFFFFF0]  }
0x33c: {  	v18 =	vld [tilespmem:s21+$0x0];
	v10 =	vadd.f32 v10, v10  }
0x33d: {  	v19 =	vld [tilespmem:s21+$0x10]  }
0x33e: {  	v21 =	vld [tilespmem:s21+$0x20];
	v9 =	vadd.f32 v10, v9  }
0x33f: {  	v10 =	vld [tilespmem:s21+$0xFFFFFFB0]  }
0x340: {  	v22 =	vld [tilespmem:s21+$0x40];
	v11 =	vsub.f32 v11, v9  }
0x341: {  	v24 =	vld [tilespmem:s21+$0x50];
	v12 =	vsub.f32 v12, v9;
	v13 =	vsub.f32 v13, v9  }
0x342: {  	v16 =	vld [tilespmem:s21+$0xFFFFFFE0];
	v14 =	vsub.f32 v14, v9;
	v15 =	vsub.f32 v15, v9  }
0x343: {  	v17 =	vsub.f32 v17, v9;
	v18 =	vsub.f32 v18, v9  }
0x344: {  	v25 =	vld [tilespmem:s21+$0x60];
	v19 =	vsub.f32 v19, v9;
	v10 =	vsub.f32 v10, v9  }
0x345: {  	v21 =	vsub.f32 v21, v9;
	v22 =	vsub.f32 v22, v9;
	v12 =	vmul.f32 $5.000000000e-01, v12  }
0x346: {  	v26 =	vld [tilespmem:s21+$0xFFFFFF80];
	v28 =	vsub.f32 v24, v9;
	v11 =	vmul.f32 $5.000000000e-01, v11;
	v20 =	vmul.f32 $5.000000000e-01, v10  }
0x347: {  	v10 =	vmax.f32 v12, $0.0e+00;
	v12 =	vmul.f32 $5.000000000e-01, v14;
	v14 =	vsub.f32 v16, v9;
	v16 =	vld [tilespmem:s21+$0x30]  }
0x348: {  	v13 =	vmul.f32 $5.000000000e-01, v13;
	v15 =	vmul.f32 $5.000000000e-01, v15;
	v11 =	vmax.f32 v11, $0.0e+00  }
0x349: {  	v25 =	vsub.f32 v25, v9;
	v17 =	vmul.f32 $5.000000000e-01, v17;
	v23 =	vmul.f32 v11, v11  }
0x34a: {  	v11 =	vmax.f32 v13, $0.0e+00;
	v13 =	vmax.f32 v20, $0.0e+00;
	v20 =	vmul.f32 $5.000000000e-01, v14  }
0x34b: {  	v24 =	vsub.f32 v26, v9;
	v18 =	vmul.f32 $5.000000000e-01, v18;
	v19 =	vmul.f32 $5.000000000e-01, v19  }
0x34c: {  	v14 =	vmax.f32 v15, $0.0e+00;
	v15 =	vmax.f32 v20, $0.0e+00;
	v20 =	vsub.f32 v16, v9  }
0x34d: {  	v21 =	vmul.f32 $5.000000000e-01, v21;
	v16 =	vmax.f32 v17, $0.0e+00;
	v17 =	vmax.f32 v18, $0.0e+00  }
0x34e: {  	v18 =	vmax.f32 v19, $0.0e+00;
	v19 =	vmul.f32 $5.000000000e-01, v22;
	v27 =	vmul.f32 $5.000000000e-01, v20  }
0x34f: {  	v12 =	vmax.f32 v12, $0.0e+00;
	[tilespmem:s21+$0x70] =	vst v23;
	v23 =	vmul.f32 $5.000000000e-01, v25;
	v22 =	vmul.f32 $5.000000000e-01, v28  }
0x350: {  	s22 =	simm.s32 $0x0;
	s23 =	simm.s32 $0x180;
	v20 =	vmax.f32 v21, $0.0e+00;
	v19 =	vmax.f32 v19, $0.0e+00;
	v21 =	vmax.f32 v27, $0.0e+00  }
.LBB2_42:
0x351: {  	v25 =	vld [tilespmem:s23+$0x70];
	s22 =	sadd.s32 $0x10, s22;
	v24 =	vmul.f32 $5.000000000e-01, v24;
	v10 =	vmul.f32 v10, v10;
	v22 =	vmax.f32 v22, $0.0e+00  }
0x352: {  	v11 =	vmul.f32 v11, v11;
	v13 =	vmul.f32 v13, v13;
	v26 =	vld [tilespmem:s23+$0xFFFFFF90];
	p0 =	slt.u32 s22, $0x7F0;
	v23 =	vmax.f32 v23, $0.0e+00  }
0x353: {  	v27 =	vld [tilespmem:s23+$0xFFFFFFA0];
	v24 =	vmax.f32 v24, $0.0e+00;
	[tilespmem:s21+$0xFFFFFF90] =	vst v10;
	v10 =	vmul.f32 v12, v12;
	v12 =	vmul.f32 v14, v14  }
0x354: {  	v14 =	vld [tilespmem:s23+$0xFFFFFFB0];
	v24 =	vmul.f32 v24, v24;
	[tilespmem:s21+$0xFFFFFFA0] =	vst v11;
	v11 =	vmul.f32 v15, v15  }
0x355: {  	v15 =	vld [tilespmem:s23+$0xFFFFFFC0];
	[tilespmem:s21+$0xFFFFFFB0] =	vst v13;
	v13 =	vmul.f32 v16, v16;
	v16 =	vmul.f32 v17, v17  }
0x356: {  	v18 =	vmul.f32 v18, v18;
	v20 =	vmul.f32 v20, v20;
	v17 =	vld [tilespmem:s23+$0xFFFFFFD0];
	v25 =	vsub.f32 v25, v9;
	[tilespmem:s21+$0xFFFFFF80] =	vst v24  }
0x357: {  	v21 =	vmul.f32 v21, v21;
	v19 =	vmul.f32 v19, v19;
	v24 =	vsub.f32 v26, v9;
	v26 =	vld [tilespmem:s23+$0xFFFFFFE0];
	[tilespmem:s21+$0xFFFFFFC0] =	vst v10  }
0x358: {  	v22 =	vmul.f32 v22, v22;
	v10 =	vsub.f32 v27, v9;
	v27 =	vld [tilespmem:s23+$0xFFFFFFF0];
	v25 =	vmul.f32 $5.000000000e-01, v25;
	[tilespmem:s21+$0xFFFFFFD0] =	vst v12  }
0x359: {  	v23 =	vmul.f32 v23, v23;
	v12 =	vmul.f32 $5.000000000e-01, v24;
	v14 =	vsub.f32 v14, v9;
	v24 =	vld [tilespmem:s23+$0x0];
	[tilespmem:s21+$0xFFFFFFE0] =	vst v11  }
0x35a: {  	v11 =	vmul.f32 $5.000000000e-01, v10;
	v15 =	vsub.f32 v15, v9;
	v28 =	vld [tilespmem:s23+$0x10];
	v10 =	vmax.f32 v25, $0.0e+00;
	[tilespmem:s21+$0xFFFFFFF0] =	vst v13  }
0x35b: {  	v13 =	vmul.f32 $5.000000000e-01, v14;
	v14 =	vsub.f32 v17, v9;
	v17 =	vld [tilespmem:s23+$0x20];
	v25 =	vmul.f32 v10, v10;
	[tilespmem:s21+$0x0] =	vst v16  }
0x35c: {  	v10 =	vmax.f32 v12, $0.0e+00;
	v12 =	vmul.f32 $5.000000000e-01, v15;
	v15 =	vsub.f32 v26, v9;
	v16 =	vld [tilespmem:s23+$0x30];
	[tilespmem:s21+$0x10] =	vst v18  }
0x35d: {  	v11 =	vmax.f32 v11, $0.0e+00;
	v14 =	vmul.f32 $5.000000000e-01, v14;
	v18 =	vsub.f32 v27, v9;
	v26 =	vld [tilespmem:s23+$0x40];
	[tilespmem:s23+$0x70] =	vst v25  }
0x35e: {  	v13 =	vmax.f32 v13, $0.0e+00;
	v15 =	vmul.f32 $5.000000000e-01, v15;
	v24 =	vsub.f32 v24, v9;
	v25 =	vld [tilespmem:s23+$0x50];
	[tilespmem:s21+$0x20] =	vst v20  }
0x35f: {  	v12 =	vmax.f32 v12, $0.0e+00;
	v18 =	vmul.f32 $5.000000000e-01, v18;
	v20 =	vsub.f32 v28, v9;
	v27 =	vld [tilespmem:s23+$0x60];
	[tilespmem:s21+$0x30] =	vst v21  }
0x360: {  	v14 =	vmax.f32 v14, $0.0e+00;
	v21 =	vld [tilespmem:s23+$0xFFFFFF80];
	v24 =	vmul.f32 $5.000000000e-01, v24;
	v17 =	vsub.f32 v17, v9;
	[tilespmem:s21+$0x40] =	vst v19  }
0x361: {  	v15 =	vmax.f32 v15, $0.0e+00;
	v19 =	vmul.f32 $5.000000000e-01, v20;
	v20 =	vsub.f32 v16, v9;
	[tilespmem:s21+$0x50] =	vst v22  }
.Ltmp32:
0x362: {  	v16 =	vmax.f32 v18, $0.0e+00;
	v22 =	vmul.f32 $5.000000000e-01, v17;
	v26 =	vsub.f32 v26, v9;
	[tilespmem:s21+$0x60] =	vst v23;
	s21 =	smov.u32 s23;
	(pc) =	sbr.rel @p0 .LBB2_42-.Ltmp32, $4  }
0x363: {  	v17 =	vmax.f32 v24, $0.0e+00;
	v23 =	vmul.f32 $5.000000000e-01, v20;
	v25 =	vsub.f32 v25, v9  }
0x364: {  	v18 =	vmax.f32 v19, $0.0e+00;
	v19 =	vmul.f32 $5.000000000e-01, v26;
	v26 =	vsub.f32 v27, v9  }
0x365: {  	v20 =	vmax.f32 v22, $0.0e+00;
	v24 =	vsub.f32 v21, v9;
	v22 =	vmul.f32 $5.000000000e-01, v25  }
0x366: {  	s23 =	sadd.s32 $0x100, s23;
	v21 =	vmax.f32 v23, $0.0e+00;
	v19 =	vmax.f32 v19, $0.0e+00;
	v23 =	vmul.f32 $5.000000000e-01, v26  }
0x367: {  	v10 =	vmul.f32 v10, v10  }
0x368: {  	v11 =	vmul.f32 v11, v11  }
0x369: {  	v13 =	vmul.f32 v13, v13;
	[tilespmem:s21+$0xFFFFFF90] =	vst v10  }
0x36a: {  	v9 =	vmul.f32 $5.000000000e-01, v24;
	[tilespmem:s21+$0xFFFFFFA0] =	vst v11;
	v10 =	vmul.f32 v12, v12  }
0x36b: {  	[tilespmem:s21+$0xFFFFFFB0] =	vst v13;
	v11 =	vmul.f32 v14, v14  }
0x36c: {  	v9 =	vmax.f32 v9, $0.0e+00;
	v12 =	vmul.f32 v19, v19;
	[tilespmem:s21+$0xFFFFFFC0] =	vst v10  }
0x36d: {  	v9 =	vmul.f32 v9, v9;
	[tilespmem:s21+$0xFFFFFFD0] =	vst v11  }
0x36e: {  	v10 =	vmul.f32 v16, v16;
	[tilespmem:s21+$0x40] =	vst v12  }
0x36f: {  	v11 =	vmul.f32 v17, v17;
	[tilespmem:s21+$0xFFFFFF80] =	vst v9  }
0x370: {  	v9 =	vmul.f32 v15, v15;
	[tilespmem:s21+$0xFFFFFFF0] =	vst v10  }
0x371: {  	v10 =	vmul.f32 v20, v20;
	[tilespmem:s21+$0x0] =	vst v11  }
0x372: {  	[tilespmem:s21+$0xFFFFFFE0] =	vst v9;
	v9 =	vmul.f32 v18, v18  }
0x373: {  	v11 =	vmul.f32 v21, v21;
	[tilespmem:s21+$0x20] =	vst v10;
	v10 =	vmax.f32 v23, $0.0e+00  }
0x374: {  	[tilespmem:s21+$0x10] =	vst v9;
	v9 =	vmax.f32 v22, $0.0e+00;
	v10 =	vmul.f32 v10, v10  }
0x375: {  	[tilespmem:s21+$0x30] =	vst v11;
	v9 =	vmul.f32 v9, v9  }
0x376: {  	[tilespmem:s21+$0x60] =	vst v10  }
0x377: {  	[tilespmem:s21+$0x50] =	vst v9  }
0x378: {  	[hbm4b:s9+s16] =	stream.strided.scatter [tilespmem:s2], [sflag:$0x3], $0x8000, s12, s16, $0x38;
	[tilespmem:$0x18080] =	vst v63  }
0x379: {  	_ =	swait.ge [sflag:s18], $0x8000  }
0x37a: {  	[sflag:s18] =	ssyncset.done $0x0  }
0x37b: {  	s22 =	simm.s32 $0x8080;
	[sflag:s18] =	ssyncadd.s32 $0xFFFF8000  }
0x37c: {  	v9 =	vld [tilespmem:s22+$0xFFFFFF80]  }
0x37d: {  	v10 =	vld [tilespmem:s22+$0xFFFFFF90]  }
0x37e: {  	v11 =	vld [tilespmem:s22+$0xFFFFFFA0]  }
0x37f: {  	v12 =	vld [tilespmem:s22+$0xFFFFFFB0]  }
0x380: {  	v13 =	vimm.f32 $-Inf;
	v14 =	vld [tilespmem:s22+$0xFFFFFFC0]  }
0x381: {  	v9 =	vmax.f32 v13, v9;
	v13 =	vld [tilespmem:s22+$0xFFFFFFD0]  }
0x382: {  	v9 =	vmax.f32 v9, v10;
	v10 =	vld [tilespmem:s22+$0xFFFFFFE0]  }
0x383: {  	v9 =	vmax.f32 v9, v11;
	v11 =	vld [tilespmem:s22+$0xFFFFFFF0]  }
0x384: {  	v9 =	vmax.f32 v9, v12;
	v12 =	vld [tilespmem:s22+$0x0]  }
0x385: {  	v9 =	vmax.f32 v9, v14;
	v14 =	vld [tilespmem:s22+$0x10]  }
0x386: {  	v9 =	vmax.f32 v9, v13;
	v13 =	vld [tilespmem:s22+$0x20]  }
0x387: {  	v10 =	vmax.f32 v9, v10;
	v9 =	vld [tilespmem:s22+$0x30]  }
0x388: {  	v11 =	vmax.f32 v10, v11;
	v10 =	vld [tilespmem:s22+$0x40]  }
0x389: {  	v12 =	vmax.f32 v11, v12;
	v11 =	vld [tilespmem:s22+$0x50]  }
0x38a: {  	v14 =	vmax.f32 v12, v14;
	v12 =	vld [tilespmem:s22+$0x60]  }
0x38b: {  	s21 =	simm.s32 $0x0;
	v14 =	vmax.f32 v14, v13;
	v13 =	vld [tilespmem:s22+$0x70];
	s22 =	simm.s32 $0x8180  }
.LBB2_44:
0x38c: {  	v15 =	vld [tilespmem:s22+$0xFFFFFF80];
	s21 =	sadd.s32 $0x10, s21;
	v9 =	vmax.f32 v14, v9  }
0x38d: {  	v14 =	vld [tilespmem:s22+$0xFFFFFF90];
	p0 =	slt.u32 s21, $0x7F0;
	v9 =	vmax.f32 v9, v10  }
0x38e: {  	v10 =	vld [tilespmem:s22+$0xFFFFFFA0];
	v9 =	vmax.f32 v9, v11  }
0x38f: {  	v11 =	vld [tilespmem:s22+$0xFFFFFFB0];
	v9 =	vmax.f32 v9, v12  }
0x390: {  	v12 =	vld [tilespmem:s22+$0xFFFFFFC0];
	v9 =	vmax.f32 v9, v13  }
0x391: {  	v9 =	vmax.f32 v9, v15;
	v13 =	vld [tilespmem:s22+$0xFFFFFFD0]  }
0x392: {  	v9 =	vmax.f32 v9, v14;
	v14 =	vld [tilespmem:s22+$0xFFFFFFE0]  }
0x393: {  	v9 =	vmax.f32 v9, v10;
	v10 =	vld [tilespmem:s22+$0xFFFFFFF0]  }
0x394: {  	v9 =	vmax.f32 v9, v11;
	v11 =	vld [tilespmem:s22+$0x0]  }
0x395: {  	v9 =	vmax.f32 v9, v12;
	v12 =	vld [tilespmem:s22+$0x10]  }
0x396: {  	v9 =	vmax.f32 v9, v13;
	v13 =	vld [tilespmem:s22+$0x20]  }
.Ltmp33:
0x397: {  	v14 =	vmax.f32 v9, v14;
	v9 =	vld [tilespmem:s22+$0x30];
	(pc) =	sbr.rel @p0 .LBB2_44-.Ltmp33, $4  }
0x398: {  	v14 =	vmax.f32 v14, v10;
	v10 =	vld [tilespmem:s22+$0x40]  }
0x399: {  	v14 =	vmax.f32 v14, v11;
	v11 =	vld [tilespmem:s22+$0x50]  }
0x39a: {  	v14 =	vmax.f32 v14, v12;
	v12 =	vld [tilespmem:s22+$0x60]  }
0x39b: {  	v14 =	vmax.f32 v14, v13;
	v13 =	vld [tilespmem:s22+$0x70];
	s22 =	sadd.s32 $0x100, s22  }
0x39c: {  	v9 =	vmax.f32 v14, v9  }
0x39d: {  	v9 =	vmax.f32 v9, v10  }
0x39e: {  	v9 =	vmax.f32 v9, v11  }
0x39f: {  	v9 =	vmax.f32 v9, v12  }
0x3a0: {  	v9 =	vmax.f32 v9, v13  }
0x3a1: {  	v10 =	vperm.xlane v9, v0;
	_ =	sdelay $0x1  }
0x3a2: {  	v9 =	vmax.f32 v9, v10  }
0x3a3: {  	v10 =	vperm.xlane v9, v1  }
0x3a4: {  	s21 =	simm.s32 $0x8040  }
0x3a5: {  	v14 =	vld [tilespmem:s21+$0xFFFFFFF0];
	v9 =	vmax.f32 v9, v10  }
0x3a6: {  	v15 =	vld [tilespmem:s21+$0x0];
	v10 =	vperm.xlane v9, v2  }
0x3a7: {  	v18 =	vld [tilespmem:s21+$0x10]  }
0x3a8: {  	v11 =	vld [tilespmem:s21+$0xFFFFFFC0];
	v9 =	vmax.f32 v9, v10  }
0x3a9: {  	v12 =	vld [tilespmem:s21+$0xFFFFFFD0];
	v10 =	vperm.xlane v9, v3  }
0x3aa: {  	v13 =	vld [tilespmem:s21+$0xFFFFFFE0]  }
0x3ab: {  	v20 =	vld [tilespmem:s21+$0x20];
	v9 =	vmax.f32 v9, v10  }
0x3ac: {  	v16 =	vimm.s32 $0x0;
	v22 =	vld [tilespmem:s21+$0x30];
	v10 =	vadd.f32 $-2.000000000e+00, v9  }
0x3ad: {  	v17 =	vadd.s32 v4, v16  }
0x3ae: {  	vm0 =	vgt.f32 v11, v10;
	vm6 =	vgt.f32 v12, v10;
	v11 =	vsub.f32 v11, v9  }
0x3af: {  	vm7 =	vgt.f32 v13, v10;
	vm1 =	vgt.f32 v14, v10;
	vm2 =	vgt.f32 v15, v10  }
0x3b0: {  	v12 =	vsub.f32 v12, v9;
	v13 =	vsub.f32 v13, v9;
	vm3 =	vgt.f32 v18, v10  }
0x3b1: {  	vm4 =	vgt.f32 v20, v10;
	vm5 =	vgt.f32 v22, v10;
	v14 =	vsub.f32 v14, v9  }
0x3b2: {  	v15 =	vsub.f32 v15, v9;
	v19 =	vmpcnt.ones.xlane vm0;
	v21 =	vmpcnt.ones.xlane vm6  }
0x3b3: {  	v18 =	vsub.f32 v18, v9;
	v23 =	vmpcnt.ones.xlane vm7;
	v25 =	vmpcnt.ones.xlane vm1  }
0x3b4: {  	v20 =	vsub.f32 v20, v9;
	v27 =	vmpcnt.ones.xlane vm2;
	v29 =	vmpcnt.ones.xlane vm3  }
0x3b5: {  	v22 =	vsub.f32 v22, v9;
	v31 =	vmpcnt.ones.xlane vm4;
	v33 =	vmpcnt.ones.xlane vm5  }
0x3b6: {  	v11 =	vmul.f32 $5.000000000e-01, v11;
	v12 =	vmul.f32 $5.000000000e-01, v12;
	v16 =	vadd.s32 v16, v19  }
0x3b7: {  	v13 =	vmul.f32 $5.000000000e-01, v13;
	v35 =	vmul.f32 $5.000000000e-01, v14;
	v24 =	vadd.s32 v16, v21  }
0x3b8: {  	v39 =	vmul.f32 $5.000000000e-01, v18;
	(xrf1) =	vsort.dscd.msk.f32 vm0, v11, v11;
	vm0 =	vgt.s32 v19, v4;
	v18 =	vadd.s32 v4, v16  }
0x3b9: {  	v62 =	vmul.f32 $5.000000000e-01, v15;
	v26 =	vadd.s32 v24, v23;
	(xrf1) =	vsort.dscd.msk.f32 vm6, v12, v12;
	v12 =	vadd.s32 v4, v24  }
0x3ba: {  	v40 =	vnsel vm0, $0x800F, v17;
	vm6 =	vgt.s32 v21, v4;
	vm0 =	vgt.s32 v23, v4  }
0x3bb: {  	s21 =	simm.s32 $0x80C0;
	v22 =	vmul.f32 $5.000000000e-01, v22;
	v28 =	vadd.s32 v26, v25;
	(xrf1) =	vsort.dscd.msk.f32 vm7, v13, v13;
	v13 =	vadd.s32 v4, v26  }
0x3bc: {  	v19 =	vld [tilespmem:s21+$0xFFFFFFC0];
	v16 =	vnsel vm0, $0x800F, v12;
	vm0 =	vgt.s32 v27, v4;
	vm7 =	vgt.s32 v31, v4  }
0x3bd: {  	v21 =	vld [tilespmem:s21+$0xFFFFFFD0];
	v41 =	vnsel vm6, $0x800F, v18;
	v30 =	vadd.s32 v28, v27;
	v15 =	vadd.s32 v4, v28;
	(xrf1) =	vsort.dscd.msk.f32 vm1, v35, v35  }
0x3be: {  	v28 =	vmul.f32 $5.000000000e-01, v20;
	v32 =	vadd.s32 v30, v29;
	v11 =	vadd.s32 v4, v30;
	(xrf1) =	vsort.dscd.msk.f32 vm2, v62, v62  }
0x3bf: {  	v23 =	vld [tilespmem:s21+$0xFFFFFFE0];
	v15 =	vnsel vm0, $0x800F, v15;
	vm0 =	vgt.s32 v25, v4;
	v34 =	vadd.s32 v32, v31;
	(xrf1) =	vsort.dscd.msk.f32 vm3, v39, v39  }
0x3c0: {  	v14 =	vadd.s32 v4, v32;
	v17 =	vnsel vm0, $0x800F, v13;
	vm0 =	vgt.s32 v33, v4;
	(xrf1) =	vsort.dscd.msk.f32 vm4, v28, v28  }
0x3c1: {  	v31 =	vsub.f32 v19, v9;
	v12 =	vnsel vm7, $0x800F, v14;
	vm7 =	vgt.s32 v29, v4;
	v29 =	vld [tilespmem:s21+$0xFFFFFFF0];
	(xrf1) =	vsort.dscd.msk.f32 vm5, v22, v22  }
0x3c2: {  	v30 =	vld [tilespmem:s21+$0x0];
	v38 =	vadd.s32 v34, v33;
	v34 =	vadd.s32 v4, v34;
	vm1 =	vgt.f32 v21, v10  }
0x3c3: {  	v33 =	vld [tilespmem:s21+$0x10];
	v13 =	vnsel vm7, $0x800F, v11;
	v11 =	vnsel vm0, $0x800F, v34;
	vm0 =	vgt.f32 v19, v10  }
0x3c4: {  	v35 =	vld [tilespmem:s21+$0x20];
	vm2 =	vgt.f32 v23, v10;
	v36 =	vsub.f32 v23, v9;
	v20 =	vmpcnt.ones.xlane vm0  }
0x3c5: {  	v37 =	vld [tilespmem:s21+$0x30];
	v14 =	vadd.s32 v4, v38;
	v34 =	vsub.f32 v21, v9;
	v18 =	vmpcnt.ones.xlane vm1  }
0x3c6: {  	v24 =	vmpcnt.ones.xlane vm2;
	v25 =	vadd.s32 v38, v20;
	vm3 =	vgt.f32 v29, v10  }
0x3c7: {  	vm4 =	vgt.f32 v30, v10;
	v26 =	vadd.s32 v25, v18;
	v21 =	vmpcnt.ones.xlane vm3  }
0x3c8: {  	v22 =	vmpcnt.ones.xlane vm4;
	vm5 =	vgt.f32 v33, v10;
	v27 =	vadd.s32 v26, v24;
	v23, _, _ =	vpop (xrf1)  }
0x3c9: {  	vm6 =	vgt.f32 v35, v10;
	v19 =	vmpcnt.ones.xlane vm5;
	v28 =	vadd.s32 v27, v21;
	[tilespmem:v40+s15+$0x0] =	vst.idx.msk $0xffff, v23;
	v63, _, _ =	vpop (xrf1)  }
0x3ca: {  	s22 =	simm.s32 $0x8;
	vm7 =	vgt.f32 v37, v10;
	v32 =	vadd.s32 v28, v22;
	v23 =	vmpcnt.ones.xlane vm6;
	[tilespmem:v41+s15+$0x0] =	vst.idx.msk $0xffff, v63;
	v38, _, _ =	vpop (xrf1)  }
.LBB2_46:
0x3cb: {  	s22 =	sadd.s32 $0x8, s22;
	v29 =	vsub.f32 v29, v9;
	v39 =	vadd.s32 v32, v19;
	v40 =	vmpcnt.ones.xlane vm7;
	[tilespmem:v16+s15+$0x0] =	vst.idx.msk $0xffff, v38;
	v16, _, _ =	vpop (xrf1)  }
0x3cc: {  	v30 =	vsub.f32 v30, v9;
	v33 =	vsub.f32 v33, v9;
	p0 =	slt.u32 s22, $0x7F8;
	v38 =	vadd.s32 v39, v23;
	v41, _, _ =	vpop (xrf1)  }
0x3cd: {  	v35 =	vsub.f32 v35, v9;
	v37 =	vsub.f32 v37, v9;
	v42 =	vadd.s32 v38, v40;
	v43, _, _ =	vpop (xrf1)  }
0x3ce: {  	v31 =	vmul.f32 $5.000000000e-01, v31;
	v34 =	vmul.f32 $5.000000000e-01, v34;
	v38 =	vadd.s32 v4, v38;
	[tilespmem:v17+s15+$0x0] =	vst.idx.msk $0xffff, v16;
	v44, _, _ =	vpop (xrf1)  }
0x3cf: {  	v16 =	vmul.f32 $5.000000000e-01, v36;
	v17 =	vmul.f32 $5.000000000e-01, v29;
	v36 =	vadd.s32 v4, v39;
	[tilespmem:v15+s15+$0x0] =	vst.idx.msk $0xffff, v41;
	v39, _, _ =	vpop (xrf1)  }
0x3d0: {  	v32 =	vadd.s32 v4, v32;
	v29 =	vmul.f32 $5.000000000e-01, v33;
	v15 =	vmul.f32 $5.000000000e-01, v30;
	(xrf1) =	vsort.dscd.msk.f32 vm0, v31, v31  }
0x3d1: {  	v28 =	vadd.s32 v4, v28;
	v30 =	vmul.f32 $5.000000000e-01, v35;
	v31 =	vmul.f32 $5.000000000e-01, v37;
	(xrf1) =	vsort.dscd.msk.f32 vm1, v34, v34  }
0x3d2: {  	v26 =	vadd.s32 v4, v26;
	v27 =	vadd.s32 v4, v27;
	(xrf1) =	vsort.dscd.msk.f32 vm2, v16, v16  }
0x3d3: {  	s21 =	sadd.s32 $0x80, s21;
	vm0 =	vgt.s32 v20, v4;
	v20 =	vadd.s32 v4, v25;
	(xrf1) =	vsort.dscd.msk.f32 vm3, v17, v17  }
0x3d4: {  	v41 =	vnsel vm0, $0x800F, v14;
	vm1 =	vgt.s32 v18, v4;
	vm0 =	vgt.s32 v24, v4;
	v25 =	vld [tilespmem:s21+$0xFFFFFFC0];
	(xrf1) =	vsort.dscd.msk.f32 vm4, v15, v15  }
0x3d5: {  	v16 =	vnsel vm0, $0x800F, v26;
	vm0 =	vgt.s32 v21, v4;
	vm2 =	vgt.s32 v22, v4;
	v18 =	vld [tilespmem:s21+$0xFFFFFFD0];
	(xrf1) =	vsort.dscd.msk.f32 vm5, v29, v29  }
0x3d6: {  	vm3 =	vgt.s32 v23, v4;
	v15 =	vnsel vm2, $0x800F, v28;
	vm2 =	vgt.s32 v19, v4;
	v21 =	vld [tilespmem:s21+$0xFFFFFFE0];
	(xrf1) =	vsort.dscd.msk.f32 vm6, v30, v30  }
0x3d7: {  	v14 =	vadd.s32 v4, v42;
	v19 =	vnsel vm3, $0x800F, v36;
	vm3 =	vgt.s32 v40, v4;
	v29 =	vld [tilespmem:s21+$0xFFFFFFF0];
	(xrf1) =	vsort.dscd.msk.f32 vm7, v31, v31  }
0x3d8: {  	v17 =	vnsel vm0, $0x800F, v27;
	v22 =	vnsel vm3, $0x800F, v38;
	v30 =	vld [tilespmem:s21+$0x0];
	[tilespmem:v13+s15+$0x0] =	vst.idx.msk $0xffff, v43;
	v13 =	vnsel vm2, $0x800F, v32  }
0x3d9: {  	v38 =	vnsel vm1, $0x800F, v20;
	vm0 =	vgt.f32 v25, v10;
	v31 =	vsub.f32 v25, v9;
	v33 =	vld [tilespmem:s21+$0x10];
	[tilespmem:v12+s15+$0x0] =	vst.idx.msk $0xffff, v44  }
0x3da: {  	v20 =	vmpcnt.ones.xlane vm0;
	vm1 =	vgt.f32 v18, v10;
	v34 =	vsub.f32 v18, v9;
	v35 =	vld [tilespmem:s21+$0x20];
	[tilespmem:v11+s15+$0x0] =	vst.idx.msk $0xffff, v39  }
0x3db: {  	v12 =	vmovc v19;
	v11 =	vmovc v22;
	v18 =	vmpcnt.ones.xlane vm1;
	vm2 =	vgt.f32 v21, v10;
	v36 =	vsub.f32 v21, v9;
	v37 =	vld [tilespmem:s21+$0x30]  }
.Ltmp34:
0x3dc: {  	v25 =	vadd.s32 v42, v20;
	v24 =	vmpcnt.ones.xlane vm2;
	vm3 =	vgt.f32 v29, v10;
	(pc) =	sbr.rel @p0 .LBB2_46-.Ltmp34, $4  }
0x3dd: {  	v26 =	vadd.s32 v25, v18;
	v21 =	vmpcnt.ones.xlane vm3;
	vm4 =	vgt.f32 v30, v10  }
0x3de: {  	v27 =	vadd.s32 v26, v24;
	v22 =	vmpcnt.ones.xlane vm4;
	vm5 =	vgt.f32 v33, v10;
	v23, _, _ =	vpop (xrf1)  }
0x3df: {  	v28 =	vadd.s32 v27, v21;
	v19 =	vmpcnt.ones.xlane vm5;
	vm6 =	vgt.f32 v35, v10;
	[tilespmem:v41+s15+$0x0] =	vst.idx.msk $0xffff, v23;
	v39, _, _ =	vpop (xrf1)  }
0x3e0: {  	v32 =	vadd.s32 v28, v22;
	v23 =	vmpcnt.ones.xlane vm6;
	vm7 =	vgt.f32 v37, v10;
	[tilespmem:v38+s15+$0x0] =	vst.idx.msk $0xffff, v39;
	v38, _, _ =	vpop (xrf1)  }
0x3e1: {  	v10 =	vadd.s32 v32, v19;
	v39 =	vmpcnt.ones.xlane vm7  }
0x3e2: {  	v40 =	vadd.s32 v10, v23  }
0x3e3: {  	v41 =	vadd.s32 v40, v39  }
0x3e4: {  	(v2sf) =	vpush v41, $0x0;
	_ =	sdelay $0x1  }
0x3e5: {  	v31 =	vmul.f32 $5.000000000e-01, v31  }
0x3e6: {  	v29 =	vsub.f32 v29, v9;
	v34 =	vmul.f32 $5.000000000e-01, v34  }
0x3e7: {  	v30 =	vsub.f32 v30, v9;
	v36 =	vmul.f32 $5.000000000e-01, v36;
	(xrf1) =	vsort.dscd.msk.f32 vm0, v31, v31  }
0x3e8: {  	v44 =	vsub.f32 v33, v9;
	v29 =	vmul.f32 $5.000000000e-01, v29;
	(xrf1) =	vsort.dscd.msk.f32 vm1, v34, v34  }
0x3e9: {  	v45 =	vsub.f32 v35, v9;
	v30 =	vmul.f32 $5.000000000e-01, v30;
	(xrf1) =	vsort.dscd.msk.f32 vm2, v36, v36  }
0x3ea: {  	v46 =	vsub.f32 v37, v9;
	v31 =	vmul.f32 $5.000000000e-01, v44;
	(xrf1) =	vsort.dscd.msk.f32 vm3, v29, v29  }
0x3eb: {  	v47 =	vmul.f32 $5.000000000e-01, v45;
	(xrf1) =	vsort.dscd.msk.f32 vm4, v30, v30  }
0x3ec: {  	v48 =	vmul.f32 $5.000000000e-01, v46;
	(xrf1) =	vsort.dscd.msk.f32 vm5, v31, v31  }
0x3ed: {  	(xrf1) =	vsort.dscd.msk.f32 vm6, v47, v47  }
0x3ee: {  	(xrf1) =	vsort.dscd.msk.f32 vm7, v48, v48;
	_ =	sdelay $0x1  }
0x3ef: {  	v49, _, _ =	vpop (xrf1);
	[tilespmem:v16+s15+$0x0] =	vst.idx.msk $0xffff, v38;
	vm8 =	vgt.s32 v20, v4  }
0x3f0: {  	v51 =	vadd.s32 v4, v25;
	vm9 =	vgt.s32 v18, v4;
	v50, _, _ =	vpop (xrf1);
	[tilespmem:v17+s15+$0x0] =	vst.idx.msk $0xffff, v49;
	v14 =	vnsel vm8, $0x800F, v14  }
0x3f1: {  	v53 =	vadd.s32 v4, v26;
	vm10 =	vgt.s32 v24, v4;
	v54 =	vnsel vm9, $0x800F, v51;
	v52, _, _ =	vpop (xrf1);
	[tilespmem:v15+s15+$0x0] =	vst.idx.msk $0xffff, v50;
	s24 =	spop (v2sf)  }
0x3f2: {  	v56 =	vadd.s32 v4, v27;
	vm11 =	vgt.s32 v21, v4;
	v15 =	vnsel vm10, $0x800F, v53;
	v55, _, _ =	vpop (xrf1);
	[tilespmem:v13+s15+$0x0] =	vst.idx.msk $0xffff, v52;
	s21 =	sadd.s32 $0xF, s24  }
0x3f3: {  	v58 =	vadd.s32 v4, v28;
	vm12 =	vgt.s32 v22, v4;
	v20 =	vnsel vm11, $0x800F, v56;
	v57, _, _ =	vpop (xrf1);
	[tilespmem:v12+s15+$0x0] =	vst.idx.msk $0xffff, v55;
	s22 =	sand.u32 $0xF, s21  }
0x3f4: {  	v59 =	vadd.s32 v4, v32;
	vm13 =	vgt.s32 v19, v4;
	v60 =	vnsel vm12, $0x800F, v58;
	[tilespmem:v11+s15+$0x0] =	vst.idx.msk $0xffff, v57;
	v11, _, _ =	vpop (xrf1);
	s23 =	sshra.s32 s21, $0x1F;
	p0 =	slt.s32 s21, $0x1;
	p1 =	sne.s32 s22, $0x0  }
0x3f5: {  	v10 =	vadd.s32 v4, v10;
	vm14 =	vgt.s32 v23, v4;
	v12 =	vnsel vm13, $0x800F, v59;
	[tilespmem:v14+s15+$0x0] =	vst.idx.msk $0xffff, v11;
	v11, _, _ =	vpop (xrf1);
	s30 =	sshrl.u32 s23, $0x1C;
	p0 =	por !p0, !p1  }
0x3f6: {  	v61 =	vadd.s32 v4, v40;
	v10 =	vnsel vm14, $0x800F, v10;
	vm15 =	vgt.s32 v39, v4;
	[tilespmem:v54+s15+$0x0] =	vst.idx.msk $0xffff, v11;
	v11, _, _ =	vpop (xrf1);
	s22 =	simm.s32 $0x1;
	s21 =	sadd.s32 s30, s21;
	p0 =	por !p0, !p0  }
0x3f7: {  	v13 =	vnsel vm15, $0x800F, v61;
	[tilespmem:v15+s15+$0x0] =	vst.idx.msk $0xffff, v11;
	v11, _, _ =	vpop (xrf1);
	s21 =	sshra.s32 s21, $0x4;
	s22 =	simm.s32 @!p0 $0x0  }
0x3f8: {  	v62, _, _ =	vpop (xrf1);
	[tilespmem:v20+s15+$0x0] =	vst.idx.msk $0xffff, v11;
	s21 =	ssub.s32 s21, s22  }
0x3f9: {  	v11, _, _ =	vpop (xrf1);
	[tilespmem:v60+s15+$0x0] =	vst.idx.msk $0xffff, v62;
	s22 =	sshrl.u32 s21, $0x1D  }
.Ltmp35:
0x3fa: {  	v63, _, _ =	vpop (xrf1);
	[tilespmem:v12+s15+$0x0] =	vst.idx.msk $0xffff, v11;
	s22 =	sadd.s32 s22, s21;
	(pc) =	sbr.rel .LBB2_48-.Ltmp35, $4  }
0x3fb: {  	v11, _, _ =	vpop (xrf1);
	[tilespmem:v10+s15+$0x0] =	vst.idx.msk $0xffff, v63;
	s22 =	sand.u32 $0xFFFFFFF8, s22  }
0x3fc: {  	[tilespmem:v13+s15+$0x0] =	vst.idx.msk $0xffff, v11;
	s31 =	sshll.u32 s22, $0x6  }
0x3fd: {  	[tilespmem:s24+$0x10000] =	vst v5;
	s24 =	simm.s32 $0x0;
	s25 =	ssub.s32 s21, s22;
	s23 =	sshra.s32 s31, $0x2  }
0x3fe: {  	v10 =	vimm.f32 $-1.000000000e+00;
	v11 =	vimm.f32 $0.0e+00;
	p0 =	slt.s32 s22, $0x1;
	p1 =	slt.s32 s25, $0x1;
	s23 =	sadd.s32 $0x10000, s23  }
.LBB2_54:
0x3ff: {  	v16 =	vperm.xlane v14, v0;
	v17 =	vperm.xlane v15, v0;
	_ =	sdelay $0x1  }
0x400: {  	v14 =	vadd.f32 v16, v14;
	v15 =	vadd.f32 v17, v15;
	_ =	sdelay $0x1  }
0x401: {  	v16 =	vperm.xlane v14, v6;
	v17 =	vperm.xlane v15, v6;
	_ =	sdelay $0x1  }
0x402: {  	v14 =	vadd.f32 v16, v14;
	v15 =	vadd.f32 v17, v15;
	_ =	sdelay $0x1  }
0x403: {  	v16 =	vperm.xlane v14, v7;
	v17 =	vperm.xlane v15, v7;
	_ =	sdelay $0x1  }
0x404: {  	v14 =	vadd.f32 v16, v14;
	v15 =	vadd.f32 v17, v15;
	_ =	sdelay $0x1  }
0x405: {  	s24 =	sadd.s32 $0x1, s24;
	v16 =	vperm.xlane v14, v8;
	v17 =	vperm.xlane v15, v8  }
0x406: {  	p2 =	sne.s32 s24, $0x12  }
.Ltmp36:
0x407: {  	v14 =	vadd.f32 v16, v14;
	v15 =	vadd.f32 v17, v15;
	(pc) =	sbr.rel @!p2 .LBB2_55-.Ltmp36, $4  }
0x408: {  	_ = 	snop  }
0x409: {  	vm0 =	vge.f32 v14, $1.000000000e+00;
	vm1 =	vge.f32 v15, $1.000000000e+00  }
0x40a: {  	v10 =	vsel vm0, v12, v10;
	v11 =	vsel vm1, v11, v13  }
0x40b: {  	v10 =	vsel vm1, v13, v10;
	v11 =	vsel vm0, v11, v12  }
.LBB2_48:
0x40c: {  	v12 =	vsub.f32 v11, v10  }
.Ltmp37:
0x40d: {  	_ = 	snop;
	(pc) =	sbr.rel @p0 .LBB2_52-.Ltmp37, $3  }
0x40e: {  	v13 =	vmul.f32 $3.333333430e-01, v12;
	_ =	sdelay $0x1  }
0x40f: {  	v12 =	vadd.f32 v13, v10;
	v13 =	vsub.f32 v11, v13  }
0x410: {  	v14 =	vimm.f32 $0.0e+00;
	v15 =	vimm.f32 $0.0e+00  }
0x411: {  	s25 =	simm.s32 $0x10040  }
0x412: {  	v15 =	vld [tilespmem:s25+$0xFFFFFFC0]  }
0x413: {  	v14 =	vld [tilespmem:s25+$0xFFFFFFF0]  }
0x414: {  	v17 =	vld [tilespmem:s25+$0x0]  }
0x415: {  	v19 =	vld [tilespmem:s25+$0xFFFFFFD0]  }
0x416: {  	v16 =	vld [tilespmem:s25+$0xFFFFFFE0];
	_ =	sdelay $0x1  }
0x417: {  	v18 =	vsub.f32 v15, v12;
	v15 =	vsub.f32 v15, v13  }
0x418: {  	v22 =	vimm.f32 $0.0e+00;
	v21 =	vld [tilespmem:s25+$0x30];
	v20 =	vsub.f32 v14, v12  }
0x419: {  	v26 =	vsub.f32 v17, v12;
	v27 =	vsub.f32 v19, v12;
	v15 =	vmax.f32 v15, $0.0e+00  }
0x41a: {  	v24 =	vmul.f32 v15, v15;
	v15 =	vsub.f32 v16, v12;
	v16 =	vsub.f32 v16, v13  }
0x41b: {  	v18 =	vmax.f32 v18, $0.0e+00;
	v25 =	vmax.f32 v20, $0.0e+00;
	v20 =	vsub.f32 v17, v13  }
0x41c: {  	v17 =	vld [tilespmem:s25+$0x20];
	v23 =	vmul.f32 v18, v18;
	v18 =	vmax.f32 v16, $0.0e+00;
	v16 =	vsub.f32 v19, v13  }
0x41d: {  	v28 =	vsub.f32 v21, v13;
	v20 =	vmax.f32 v20, $0.0e+00;
	v29 =	vmax.f32 v15, $0.0e+00;
	v19 =	vld [tilespmem:s25+$0x10]  }
0x41e: {  	p2 =	sgt.s32 s22, $0x8;
	v15 =	vmul.f32 v20, v20;
	v20 =	vmax.f32 v16, $0.0e+00;
	v16 =	vmax.f32 v27, $0.0e+00  }
.Ltmp38:
0x41f: {  	v23 =	vadd.f32 v23, v22;
	v27 =	vmul.f32 v29, v29;
	v29 =	vmul.f32 v16, v16;
	(pc) =	sbr.rel @!p2 .LBB2_51-.Ltmp38, $4  }
0x420: {  	v26 =	vmax.f32 v26, $0.0e+00;
	v16 =	vmax.f32 v28, $0.0e+00;
	v28 =	vsub.f32 v21, v12  }
0x421: {  	v21 =	vmul.f32 v26, v26;
	v26 =	vadd.f32 v29, v23;
	v29 =	vsub.f32 v17, v12  }
0x422: {  	v23 =	vadd.f32 v24, v22;
	v22 =	vsub.f32 v19, v12;
	v24 =	vmax.f32 v28, $0.0e+00  }
0x423: {  	s26 =	simm.s32 $0x100C0;
	s25 =	simm.s32 $0x8;
	v26 =	vadd.f32 v27, v26;
	v27 =	vmul.f32 v25, v25;
	v25 =	vmax.f32 v29, $0.0e+00  }
.LBB2_50:
0x424: {  	v28 =	vld [tilespmem:s26+$0xFFFFFFC0];
	s25 =	sadd.s32 $0x8, s25;
	v29 =	vsub.f32 v14, v13;
	v17 =	vsub.f32 v17, v13;
	v24 =	vmul.f32 v24, v24  }
0x425: {  	v19 =	vsub.f32 v19, v13;
	v25 =	vmul.f32 v25, v25;
	v30 =	vld [tilespmem:s26+$0x0];
	p2 =	slt.s32 s25, s22;
	v26 =	vadd.f32 v27, v26  }
0x426: {  	v20 =	vmul.f32 v20, v20;
	v14 =	vld [tilespmem:s26+$0xFFFFFFF0];
	v27 =	vmax.f32 v29, $0.0e+00;
	v29 =	vmax.f32 v17, $0.0e+00  }
0x427: {  	v22 =	vmax.f32 v22, $0.0e+00;
	v17 =	vld [tilespmem:s26+$0x20];
	v27 =	vmul.f32 v27, v27;
	v21 =	vadd.f32 v21, v26  }
0x428: {  	v18 =	vmul.f32 v18, v18;
	v22 =	vmul.f32 v22, v22;
	v20 =	vadd.f32 v20, v23;
	v26 =	vld [tilespmem:s26+$0xFFFFFFE0]  }
0x429: {  	v19 =	vmax.f32 v19, $0.0e+00;
	v23 =	vsub.f32 v28, v12;
	v28 =	vsub.f32 v28, v13;
	v31 =	vld [tilespmem:s26+$0xFFFFFFD0]  }
0x42a: {  	v19 =	vmul.f32 v19, v19;
	v18 =	vadd.f32 v18, v20;
	v20 =	vadd.f32 v22, v21  }
0x42b: {  	v21 =	vmax.f32 v23, $0.0e+00;
	v22 =	vmax.f32 v28, $0.0e+00;
	v23 =	vsub.f32 v14, v12  }
0x42c: {  	v20 =	vadd.f32 v25, v20;
	v21 =	vmul.f32 v21, v21;
	v22 =	vmul.f32 v22, v22;
	v28 =	vld [tilespmem:s26+$0x30]  }
0x42d: {  	v25 =	vsub.f32 v26, v12;
	v26 =	vsub.f32 v26, v13;
	v32 =	vmax.f32 v23, $0.0e+00  }
0x42e: {  	v29 =	vmul.f32 v29, v29;
	v27 =	vadd.f32 v27, v18;
	v23 =	vsub.f32 v30, v13  }
0x42f: {  	v24 =	vadd.f32 v24, v20;
	v18 =	vmax.f32 v26, $0.0e+00;
	v26 =	vsub.f32 v30, v12  }
0x430: {  	v27 =	vadd.f32 v15, v27;
	v20 =	vsub.f32 v31, v13;
	v23 =	vmax.f32 v23, $0.0e+00  }
0x431: {  	v33 =	vmul.f32 v16, v16;
	v30 =	vsub.f32 v31, v12;
	v31 =	vsub.f32 v28, v13  }
0x432: {  	v16 =	vmax.f32 v25, $0.0e+00;
	v15 =	vmul.f32 v23, v23;
	v23 =	vadd.f32 v19, v27  }
0x433: {  	v20 =	vmax.f32 v20, $0.0e+00;
	v25 =	vmul.f32 v16, v16;
	v19 =	vld [tilespmem:s26+$0x10];
	v16 =	vmax.f32 v31, $0.0e+00  }
0x434: {  	v27 =	vmax.f32 v30, $0.0e+00;
	v26 =	vmax.f32 v26, $0.0e+00;
	v23 =	vadd.f32 v29, v23  }
.Ltmp39:
0x435: {  	v24 =	vadd.f32 v21, v24;
	v27 =	vmul.f32 v27, v27;
	v21 =	vmul.f32 v26, v26;
	(pc) =	sbr.rel @p2 .LBB2_50-.Ltmp39, $4  }
0x436: {  	v26 =	vsub.f32 v28, v12;
	v23 =	vadd.f32 v33, v23  }
0x437: {  	v28 =	vsub.f32 v17, v12;
	v27 =	vadd.f32 v27, v24  }
0x438: {  	v24 =	vmax.f32 v26, $0.0e+00;
	v23 =	vadd.f32 v22, v23;
	v22 =	vsub.f32 v19, v12  }
0x439: {  	s26 =	sadd.s32 $0x80, s26;
	v26 =	vadd.f32 v25, v27;
	v27 =	vmul.f32 v32, v32;
	v25 =	vmax.f32 v28, $0.0e+00  }
.LBB2_51:
0x43a: {  	v20 =	vmul.f32 v20, v20  }
0x43b: {  	v14 =	vsub.f32 v14, v13  }
0x43c: {  	v18 =	vmul.f32 v18, v18;
	v20 =	vadd.f32 v20, v23  }
0x43d: {  	v14 =	vmax.f32 v14, $0.0e+00  }
0x43e: {  	v19 =	vsub.f32 v19, v13;
	v14 =	vmul.f32 v14, v14;
	v18 =	vadd.f32 v18, v20  }
0x43f: {  	v17 =	vsub.f32 v17, v13;
	v60 =	vadd.f32 v27, v26  }
0x440: {  	v62 =	vmax.f32 v22, $0.0e+00;
	v14 =	vadd.f32 v14, v18  }
0x441: {  	v19 =	vmax.f32 v19, $0.0e+00;
	v17 =	vmax.f32 v17, $0.0e+00;
	v61 =	vadd.f32 v21, v60  }
0x442: {  	v19 =	vmul.f32 v19, v19;
	v20 =	vmul.f32 v62, v62;
	v14 =	vadd.f32 v15, v14  }
0x443: {  	v17 =	vmul.f32 v17, v17  }
0x444: {  	v18 =	vadd.f32 v20, v61;
	v15 =	vmul.f32 v25, v25;
	v14 =	vadd.f32 v19, v14  }
0x445: {  	v63 =	vmul.f32 v24, v24  }
0x446: {  	v16 =	vmul.f32 v16, v16;
	v15 =	vadd.f32 v15, v18;
	v17 =	vadd.f32 v17, v14;
	_ =	sdelay $0x1  }
0x447: {  	v14 =	vadd.f32 v63, v15;
	v15 =	vadd.f32 v16, v17  }
.LBB2_52:
.Ltmp40:
0x448: {  	(pc) =	sbr.rel @p1 .LBB2_54-.Ltmp40, $2  }
0x449: {  	_ =	sdelay $0x2  }
0x44a: {  	s25 =	smov.u32 s23;
	s26 =	smov.u32 s22  }
.LBB2_53:
0x44b: {  	v16 =	vld [tilespmem:s25+$0x0];
	_ =	sdelay $0x3  }
0x44c: {  	s26 =	sadd.s32 $0x1, s26  }
0x44d: {  	p2 =	slt.s32 s26, s21;
	v17 =	vsub.f32 v16, v12;
	v16 =	vsub.f32 v16, v13  }
.Ltmp41:
0x44e: {  	_ = 	snop;
	(pc) =	sbr.rel @p2 .LBB2_53-.Ltmp41, $3  }
0x44f: {  	v17 =	vmax.f32 v17, $0.0e+00;
	v16 =	vmax.f32 v16, $0.0e+00  }
0x450: {  	v17 =	vmul.f32 v17, v17;
	v16 =	vmul.f32 v16, v16;
	_ =	sdelay $0x1  }
0x451: {  	s25 =	sadd.s32 $0x10, s25;
	v14 =	vadd.f32 v17, v14;
	v15 =	vadd.f32 v16, v15  }
.Ltmp42:
0x452: {  	_ = 	snop;
	(pc) =	sbr.rel .LBB2_54-.Ltmp42, $1  }
0x453: {  	_ =	sdelay $0x3  }
.LBB2_55:
0x454: {  	s21 =	simm.s32 $0x8080  }
0x455: {  	v7 =	vld [tilespmem:s21+$0x70]  }
0x456: {  	v6 =	vadd.f32 v11, v10;
	v8 =	vld [tilespmem:s21+$0xFFFFFF90]  }
0x457: {  	v10 =	vld [tilespmem:s21+$0xFFFFFFA0]  }
0x458: {  	v11 =	vld [tilespmem:s21+$0xFFFFFFC0];
	v6 =	vmul.f32 $5.000000000e-01, v6  }
0x459: {  	v12 =	vld [tilespmem:s21+$0xFFFFFFD0]  }
0x45a: {  	v13 =	vld [tilespmem:s21+$0xFFFFFFE0];
	v6 =	vadd.f32 v6, v6  }
0x45b: {  	v14 =	vld [tilespmem:s21+$0xFFFFFFF0]  }
0x45c: {  	v15 =	vld [tilespmem:s21+$0x0];
	v6 =	vadd.f32 v6, v9  }
0x45d: {  	v16 =	vld [tilespmem:s21+$0x10]  }
0x45e: {  	v17 =	vld [tilespmem:s21+$0x20];
	v7 =	vsub.f32 v7, v6;
	v8 =	vsub.f32 v8, v6  }
0x45f: {  	v19 =	vld [tilespmem:s21+$0x30];
	v10 =	vsub.f32 v10, v6;
	v11 =	vsub.f32 v11, v6  }
0x460: {  	v9 =	vld [tilespmem:s21+$0xFFFFFFB0];
	v12 =	vsub.f32 v12, v6;
	v13 =	vsub.f32 v13, v6  }
0x461: {  	v20 =	vld [tilespmem:s21+$0x40];
	v14 =	vsub.f32 v14, v6;
	v15 =	vsub.f32 v15, v6;
	v7 =	vmul.f32 $5.000000000e-01, v7  }
0x462: {  	v21 =	vld [tilespmem:s21+$0x50];
	v16 =	vsub.f32 v16, v6;
	v8 =	vmul.f32 $5.000000000e-01, v8;
	v10 =	vmul.f32 $5.000000000e-01, v10  }
0x463: {  	v17 =	vsub.f32 v17, v6;
	v11 =	vmul.f32 $5.000000000e-01, v11;
	v12 =	vmul.f32 $5.000000000e-01, v12  }
0x464: {  	v19 =	vsub.f32 v19, v6;
	v13 =	vmul.f32 $5.000000000e-01, v13;
	v14 =	vmul.f32 $5.000000000e-01, v14  }
0x465: {  	v15 =	vmul.f32 $5.000000000e-01, v15;
	v16 =	vmul.f32 $5.000000000e-01, v16;
	v9 =	vsub.f32 v9, v6  }
0x466: {  	v22 =	vld [tilespmem:s21+$0x60];
	v20 =	vsub.f32 v20, v6;
	v17 =	vmul.f32 $5.000000000e-01, v17;
	v24 =	vmul.f32 $5.000000000e-01, v19  }
0x467: {  	v23 =	vld [tilespmem:s21+$0xFFFFFF80];
	v19 =	vsub.f32 v21, v6;
	v7 =	vmax.f32 v7, $0.0e+00;
	v9 =	vmul.f32 $5.000000000e-01, v9  }
0x468: {  	v18 =	vmul.f32 v7, v7;
	v7 =	vmax.f32 v8, $0.0e+00;
	v8 =	vmax.f32 v10, $0.0e+00  }
0x469: {  	v10 =	vmax.f32 v9, $0.0e+00;
	v9 =	vmax.f32 v11, $0.0e+00;
	v11 =	vmax.f32 v12, $0.0e+00  }
0x46a: {  	v12 =	vmax.f32 v13, $0.0e+00;
	v13 =	vmax.f32 v14, $0.0e+00;
	v14 =	vmax.f32 v15, $0.0e+00  }
0x46b: {  	v15 =	vmax.f32 v16, $0.0e+00;
	v16 =	vmul.f32 $5.000000000e-01, v20;
	v20 =	vsub.f32 v22, v6  }
0x46c: {  	v21 =	vsub.f32 v23, v6;
	v17 =	vmax.f32 v17, $0.0e+00;
	v19 =	vmul.f32 $5.000000000e-01, v19  }
0x46d: {  	s22 =	simm.s32 $0x0;
	s23 =	simm.s32 $0x8180;
	[tilespmem:s21+$0x70] =	vst v18;
	v18 =	vmax.f32 v24, $0.0e+00;
	v16 =	vmax.f32 v16, $0.0e+00;
	v20 =	vmul.f32 $5.000000000e-01, v20  }
.LBB2_56:
0x46e: {  	v22 =	vld [tilespmem:s23+$0x70];
	s22 =	sadd.s32 $0x10, s22;
	v21 =	vmul.f32 $5.000000000e-01, v21;
	v7 =	vmul.f32 v7, v7;
	v19 =	vmax.f32 v19, $0.0e+00  }
0x46f: {  	v8 =	vmul.f32 v8, v8;
	v10 =	vmul.f32 v10, v10;
	v23 =	vld [tilespmem:s23+$0xFFFFFF90];
	p0 =	slt.u32 s22, $0x7F0;
	v20 =	vmax.f32 v20, $0.0e+00  }
0x470: {  	v24 =	vld [tilespmem:s23+$0xFFFFFFA0];
	v21 =	vmax.f32 v21, $0.0e+00;
	[tilespmem:s21+$0xFFFFFF90] =	vst v7;
	v7 =	vmul.f32 v9, v9;
	v9 =	vmul.f32 v11, v11  }
0x471: {  	v11 =	vld [tilespmem:s23+$0xFFFFFFB0];
	v21 =	vmul.f32 v21, v21;
	[tilespmem:s21+$0xFFFFFFA0] =	vst v8;
	v8 =	vmul.f32 v12, v12  }
0x472: {  	v12 =	vld [tilespmem:s23+$0xFFFFFFC0];
	[tilespmem:s21+$0xFFFFFFB0] =	vst v10;
	v10 =	vmul.f32 v13, v13;
	v13 =	vmul.f32 v14, v14  }
0x473: {  	v15 =	vmul.f32 v15, v15;
	v17 =	vmul.f32 v17, v17;
	v14 =	vld [tilespmem:s23+$0xFFFFFFD0];
	v22 =	vsub.f32 v22, v6;
	[tilespmem:s21+$0xFFFFFF80] =	vst v21  }
0x474: {  	v18 =	vmul.f32 v18, v18;
	v16 =	vmul.f32 v16, v16;
	v21 =	vsub.f32 v23, v6;
	v23 =	vld [tilespmem:s23+$0xFFFFFFE0];
	[tilespmem:s21+$0xFFFFFFC0] =	vst v7  }
0x475: {  	v19 =	vmul.f32 v19, v19;
	v7 =	vsub.f32 v24, v6;
	v24 =	vld [tilespmem:s23+$0xFFFFFFF0];
	v22 =	vmul.f32 $5.000000000e-01, v22;
	[tilespmem:s21+$0xFFFFFFD0] =	vst v9  }
0x476: {  	v20 =	vmul.f32 v20, v20;
	v9 =	vmul.f32 $5.000000000e-01, v21;
	v11 =	vsub.f32 v11, v6;
	v21 =	vld [tilespmem:s23+$0x0];
	[tilespmem:s21+$0xFFFFFFE0] =	vst v8  }
0x477: {  	v8 =	vmul.f32 $5.000000000e-01, v7;
	v12 =	vsub.f32 v12, v6;
	v25 =	vld [tilespmem:s23+$0x10];
	v7 =	vmax.f32 v22, $0.0e+00;
	[tilespmem:s21+$0xFFFFFFF0] =	vst v10  }
0x478: {  	v10 =	vmul.f32 $5.000000000e-01, v11;
	v11 =	vsub.f32 v14, v6;
	v14 =	vld [tilespmem:s23+$0x20];
	v22 =	vmul.f32 v7, v7;
	[tilespmem:s21+$0x0] =	vst v13  }
0x479: {  	v7 =	vmax.f32 v9, $0.0e+00;
	v9 =	vmul.f32 $5.000000000e-01, v12;
	v12 =	vsub.f32 v23, v6;
	v13 =	vld [tilespmem:s23+$0x30];
	[tilespmem:s21+$0x10] =	vst v15  }
0x47a: {  	v8 =	vmax.f32 v8, $0.0e+00;
	v11 =	vmul.f32 $5.000000000e-01, v11;
	v15 =	vsub.f32 v24, v6;
	v23 =	vld [tilespmem:s23+$0x40];
	[tilespmem:s23+$0x70] =	vst v22  }
0x47b: {  	v10 =	vmax.f32 v10, $0.0e+00;
	v12 =	vmul.f32 $5.000000000e-01, v12;
	v21 =	vsub.f32 v21, v6;
	v22 =	vld [tilespmem:s23+$0x50];
	[tilespmem:s21+$0x20] =	vst v17  }
0x47c: {  	v9 =	vmax.f32 v9, $0.0e+00;
	v15 =	vmul.f32 $5.000000000e-01, v15;
	v17 =	vsub.f32 v25, v6;
	v24 =	vld [tilespmem:s23+$0x60];
	[tilespmem:s21+$0x30] =	vst v18  }
0x47d: {  	v11 =	vmax.f32 v11, $0.0e+00;
	v18 =	vld [tilespmem:s23+$0xFFFFFF80];
	v21 =	vmul.f32 $5.000000000e-01, v21;
	v14 =	vsub.f32 v14, v6;
	[tilespmem:s21+$0x40] =	vst v16  }
0x47e: {  	v12 =	vmax.f32 v12, $0.0e+00;
	v16 =	vmul.f32 $5.000000000e-01, v17;
	v17 =	vsub.f32 v13, v6;
	[tilespmem:s21+$0x50] =	vst v19  }
.Ltmp43:
0x47f: {  	v13 =	vmax.f32 v15, $0.0e+00;
	v19 =	vmul.f32 $5.000000000e-01, v14;
	v23 =	vsub.f32 v23, v6;
	[tilespmem:s21+$0x60] =	vst v20;
	s21 =	smov.u32 s23;
	(pc) =	sbr.rel @p0 .LBB2_56-.Ltmp43, $4  }
0x480: {  	v14 =	vmax.f32 v21, $0.0e+00;
	v20 =	vmul.f32 $5.000000000e-01, v17;
	v22 =	vsub.f32 v22, v6  }
0x481: {  	v15 =	vmax.f32 v16, $0.0e+00;
	v16 =	vmul.f32 $5.000000000e-01, v23;
	v23 =	vsub.f32 v24, v6  }
0x482: {  	v17 =	vmax.f32 v19, $0.0e+00;
	v21 =	vsub.f32 v18, v6;
	v19 =	vmul.f32 $5.000000000e-01, v22  }
0x483: {  	s23 =	sadd.s32 $0x100, s23;
	v18 =	vmax.f32 v20, $0.0e+00;
	v16 =	vmax.f32 v16, $0.0e+00;
	v20 =	vmul.f32 $5.000000000e-01, v23  }
0x484: {  	v7 =	vmul.f32 v7, v7  }
0x485: {  	v8 =	vmul.f32 v8, v8  }
0x486: {  	v10 =	vmul.f32 v10, v10;
	[tilespmem:s21+$0xFFFFFF90] =	vst v7  }
0x487: {  	v60 =	vmul.f32 v11, v11;
	[tilespmem:s21+$0xFFFFFFA0] =	vst v8  }
0x488: {  	v6 =	vmul.f32 $5.000000000e-01, v21;
	v61 =	vmul.f32 v14, v14;
	[tilespmem:s21+$0xFFFFFFB0] =	vst v10  }
0x489: {  	v62 =	vmul.f32 v18, v18;
	[tilespmem:s21+$0xFFFFFFD0] =	vst v60  }
0x48a: {  	v6 =	vmax.f32 v6, $0.0e+00;
	v7 =	vmul.f32 v9, v9;
	[tilespmem:s21+$0x0] =	vst v61  }
0x48b: {  	[tilespmem:s21+$0x30] =	vst v62;
	v6 =	vmul.f32 v6, v6  }
0x48c: {  	[tilespmem:s21+$0xFFFFFFC0] =	vst v7;
	v7 =	vmul.f32 v13, v13  }
0x48d: {  	[tilespmem:s21+$0xFFFFFF80] =	vst v6;
	v6 =	vmul.f32 v12, v12  }
0x48e: {  	[tilespmem:s21+$0xFFFFFFF0] =	vst v7;
	v7 =	vmul.f32 v17, v17  }
0x48f: {  	[tilespmem:s21+$0xFFFFFFE0] =	vst v6;
	v6 =	vmul.f32 v15, v15  }
0x490: {  	v63 =	vmul.f32 v16, v16;
	[tilespmem:s21+$0x20] =	vst v7;
	v7 =	vmax.f32 v20, $0.0e+00  }
0x491: {  	[tilespmem:s21+$0x10] =	vst v6;
	v6 =	vmax.f32 v19, $0.0e+00;
	v7 =	vmul.f32 v7, v7  }
0x492: {  	[tilespmem:s21+$0x40] =	vst v63;
	v6 =	vmul.f32 v6, v6  }
0x493: {  	[tilespmem:s21+$0x60] =	vst v7  }
0x494: {  	s20 =	sadd.s32 $0x1, s20;
	[tilespmem:s21+$0x50] =	vst v6  }
0x495: {  	[hbm4b:s10+s16] =	stream.strided.scatter [tilespmem:s13], [sflag:$0x4], $0x8000, s12, s16, $0x38;
	[tilespmem:$0x18080] =	vst v63  }
0x496: {  	p0 =	sne.s32 s20, s11;
	_ =	swait.ge [sflag:s17], $0x8000  }
.Ltmp44:
0x497: {  	[sflag:s17] =	ssyncset.done $0x0;
	(pc) =	sbr.rel @p0 .LBB2_1-.Ltmp44, $4  }
0x498: {  	[sflag:s17] =	ssyncadd.s32 $0xFFFF8000  }
0x499: {  	_ =	swait.ge [sflag:s19], $0x8000  }
0x49a: {  	[sflag:s19] =	ssyncset.done $0x0  }
0x49b: {  	[sflag:s19] =	ssyncadd.s32 $0xFFFF8000  }
0x49c: {  	_ =	sfence.sel $0x180000  }
0x49d: {  	[bflag:$0x0] =	sbarrier.arrive $0xFFFF  }
0x49e: {  	p0 =	sne.s32 s1, $0x0;
	_ =	strace $0x90000047  }
0x49f: {  	s0 =	sadd.s32 @!p0 $0x100000, s0;
	[bflag:$0x2] =	sbarrier.arrive $0xFFFF  }
0x4a0: {  	[sflag:s0] =	ssyncadd.tile.s32 @!p0 $0x1;
	_ =	shalt  }
.Lfunc_end2:
_tile_overlayer_lowered:
.L_overlay_start_2:
0x4a1: {  	(tag) =	ssettag $0x2  }
0x4a2: {  	s0 =	rddreg [dreg:$0x0];
	s2 =	stileid.u32  }
0x4a3: {  	s1 =	rddreg [dreg:$0x1];
	p0 =	sne.s32 s2, $0x0  }
0x4a4: {  	s3 =	rddreg [dreg:$0x2];
	[bflag:$0x3] =	sbarrier.arrive $0xFFFF;
	s2 =	simm.s32 @!p0 $0x1C05  }
0x4a5: {  	[timem:s3], [sflag:s2] =	dma.local @!p0 [hbm:s0], s1  }
0x4a6: {  	s0 =	simm.s32 @!p0 $0x5  }
0x4a7: {  	_ =	swait.ge @!p0 [sflag:s0], s1  }
0x4a8: {  	s1 =	ssub.s32 @!p0 $0x0, s1;
	[sflag:s0] =	ssyncset.done @!p0 $0x0  }
0x4a9: {  	[sflag:s0] =	ssyncadd.s32 @!p0 s1  }
0x4aa: {  	[bflag:$0x3] =	sbarrier.arrive $0xFFFF  }
0x4ab: {  	_ =	shalt  }

</sc_bundles>
